<compile_context>
chip_gen: v7x
topology: tpu7x:2x2x1
jax: 0.10.2.dev20260603
libtpu: 0.0.44.dev20260713+nightly
codegen_flags: <defaults>
</compile_context>

<pallas_src>
import functools

import jax
import jax.numpy as jnp
import numpy as np
from jax import lax
from jax.experimental import pallas as pl
from jax.experimental.pallas import tpu as pltpu
from jax.experimental.pallas import tpu_sc as plsc

N = 10000
E = 320000
D_IN = 128
D_H = 16
D_OUT = 128
D_E = 16
KH = 32
EPS = 1e-5

NC = 2
NS = 16
NW = NC * NS
L = 16

EPT = E // NW
CH = 2000
NCH = EPT // CH
RPD = 125
NPAD = 10240
CHT = 12800
E8 = E // 8


def _sc_counts_body(src_hbm, out_hbm, idx_v, acc_v):
    wid = lax.axis_index("s") * NC + lax.axis_index("c")
    pltpu.sync_copy(src_hbm.at[pl.ds(pl.multiple_of(wid * EPT, 8), EPT)],
                    idx_v)
    zeros = jnp.zeros((L,), jnp.float32)

    def zbody(i, _):
        acc_v[pl.ds(i * L, L)] = zeros
        return 0

    lax.fori_loop(0, NPAD // L, zbody, 0)
    ones = jnp.ones((L,), jnp.float32)

    def body(i, _):
        idx = idx_v[pl.ds(i * L, L)]
        plsc.addupdate_scatter(acc_v, [idx], ones)
        return 0

    lax.fori_loop(0, EPT // L, body, 0)
    pltpu.sync_copy(acc_v, out_hbm.at[wid])


def _sc_gather_body(y_hbm, src2d_hbm, g_hbm, idx_v, rows_v, sem):
    wid = lax.axis_index("s") * NC + lax.axis_index("c")

    def chunk(ci, _):
        base = pl.multiple_of(wid * EPT + ci * CH, 8)
        rbase = pl.multiple_of((wid * EPT + ci * CH) // RPD, CH // RPD)
        pltpu.sync_copy(src2d_hbm.at[pl.ds(rbase, CH // RPD)], idx_v)
        descs = [
            pltpu.async_copy(
                y_hbm.at[idx_v.at[j]],
                rows_v.at[pl.ds(j * RPD, RPD)],
                sem,
            )
            for j in range(CH // RPD)
        ]
        for d in descs:
            d.wait()
        pltpu.sync_copy(rows_v, g_hbm.at[pl.ds(base, CH)])
        return 0

    lax.fori_loop(0, NCH, chunk, 0)


def _sc_scatter_body(mw_hbm, dst2d_hbm, zero_hbm, out_hbm, idx_v, rows_v,
                     shared):
    cid = lax.axis_index("c")
    sid = lax.axis_index("s")
    wid = sid * NC + cid

    @pl.when(sid == 0)
    def _():
        pltpu.sync_copy(zero_hbm, shared)

    plsc.subcore_barrier()

    def chunk(ci, _):
        base = pl.multiple_of(wid * EPT + ci * CH, 8)
        rbase = pl.multiple_of((wid * EPT + ci * CH) // RPD, CH // RPD)
        pltpu.sync_copy(dst2d_hbm.at[pl.ds(rbase, CH // RPD)], idx_v)
        pltpu.sync_copy(mw_hbm.at[pl.ds(base, CH)], rows_v)
        for j in range(CH // RPD):
            pltpu.sync_copy(
                rows_v.at[pl.ds(j * RPD, RPD)],
                shared.at[idx_v.at[j]],
                add=True,
            )
        return 0

    lax.fori_loop(0, NCH, chunk, 0)
    plsc.subcore_barrier()

    @pl.when(sid == 0)
    def _():
        pltpu.sync_copy(shared, out_hbm.at[cid])


@functools.cache
def _sc_kernels():
    mesh = plsc.VectorSubcoreMesh(core_axis_name="c", subcore_axis_name="s",
                                  num_cores=NC, num_subcores=NS)
    sc_params = pltpu.CompilerParams(needs_layout_passes=False,
                                     use_tc_tiling_on_sc=False)
    counts = pl.kernel(
        _sc_counts_body,
        out_type=jax.ShapeDtypeStruct((NW, NPAD), jnp.float32),
        mesh=mesh,
        scratch_types=[
            pltpu.VMEM((EPT,), jnp.int32),
            pltpu.VMEM((NPAD,), jnp.float32),
        ],
        compiler_params=sc_params,
    )
    gather = pl.kernel(
        _sc_gather_body,
        out_type=jax.ShapeDtypeStruct((E, D_H), jnp.float32),
        mesh=mesh,
        scratch_types=[
            pltpu.VMEM((CH // RPD, RPD), jnp.int32),
            pltpu.VMEM((CH, D_H), jnp.float32),
            pltpu.SemaphoreType.DMA,
        ],
        compiler_params=sc_params,
    )
    scatter = pl.kernel(
        _sc_scatter_body,
        out_type=jax.ShapeDtypeStruct((NC, NPAD, D_H), jnp.float32),
        mesh=mesh,
        scratch_types=[
            pltpu.VMEM((CH // RPD, RPD), jnp.int32),
            pltpu.VMEM((CH, D_H), jnp.float32),
            pltpu.VMEM_SHARED((NPAD, D_H), jnp.float32),
        ],
        compiler_params=sc_params,
    )
    return counts, gather, scatter



def _tc_pre_body(x_ref, cnt_ref, w1_ref, b1_ref, gi_ref, bi_ref, gm_ref,
                 bm_ref, y_ref):
    x = x_ref[...]
    m = jnp.mean(x, axis=0, keepdims=True)
    v = jnp.mean(x * x, axis=0, keepdims=True) - m * m
    xn = gi_ref[...] * (x - m) / jnp.sqrt(v + EPS) + bi_ref[...]
    xr = jnp.maximum(xn, 0.0)
    x1 = jnp.dot(xr, w1_ref[...], preferred_element_type=jnp.float32)
    x1 = x1 + b1_ref[...]
    cnt = jnp.sum(cnt_ref[...], axis=0, keepdims=True)
    c = cnt[:, :N]
    s1 = jnp.dot(c, x1, preferred_element_type=jnp.float32)
    s2 = jnp.dot(c, x1 * x1, preferred_element_type=jnp.float32)
    mm = s1 / E
    mv = s2 / E - mm * mm
    y = gm_ref[...] * (x1 - mm) / jnp.sqrt(mv + EPS) + bm_ref[...]
    y_ref[...] = jnp.maximum(y, 0.0)


def _unpack(x8):
    return jnp.concatenate(
        [x8[:, 16 * s:16 * (s + 1)] for s in range(8)], axis=0)


def _tc_edge_body(eit_ref, g8_ref, w8_ref, wk0t_ref, bk0c_ref, wq_ref,
                  r_ref, s_ref, bk1h_ref, mw8_ref):
    msg = _unpack(g8_ref[...])
    ht = jnp.maximum(
        jnp.dot(wk0t_ref[...], eit_ref[...],
                preferred_element_type=jnp.float32) + bk0c_ref[...], 0.0)
    h = ht.T
    q = jnp.dot(h, wq_ref[...], preferred_element_type=jnp.float32)
    mex = jnp.dot(msg, r_ref[...], preferred_element_type=jnp.float32)
    zmh = jnp.concatenate([q * mex, msg, h], axis=1)
    mo = jnp.dot(zmh, s_ref[...], preferred_element_type=jnp.float32)
    mo = mo + bk1h_ref[...]
    sub = CHT // 8
    packed = jnp.concatenate(
        [mo[sub * s:sub * (s + 1), :] for s in range(8)], axis=1)
    mw8_ref[...] = packed * w8_ref[...]


def _tc_post_body(up_ref, w2_ref, b2_ref, gu_ref, bu_ref, go_ref, bo_ref,
                  o_ref):
    u = jnp.sum(up_ref[...], axis=0)[:N, :]
    m = jnp.mean(u, axis=0, keepdims=True)
    v = jnp.mean(u * u, axis=0, keepdims=True) - m * m
    un = gu_ref[...] * (u - m) / jnp.sqrt(v + EPS) + bu_ref[...]
    ur = jnp.maximum(un, 0.0)
    o = jnp.dot(ur, w2_ref[...], preferred_element_type=jnp.float32)
    o = o + b2_ref[...]
    mo = jnp.mean(o, axis=0, keepdims=True)
    vo = jnp.mean(o * o, axis=0, keepdims=True) - mo * mo
    o_ref[...] = go_ref[...] * (o - mo) / jnp.sqrt(vo + EPS) + bo_ref[...]


def _zero_map(i):
    return (0, 0)


def _edge_call(eit, g8, w8, wk0t, bk0c, wq, rj, sjc, bk1h):
    grid = (E // CHT,)

    def tile(i):
        return (i, 0)

    def tile_t(i):
        return (0, i)

    return pl.pallas_call(
        _tc_edge_body,
        grid=grid,
        in_specs=[
            pl.BlockSpec((D_E, CHT), tile_t),
            pl.BlockSpec((CHT // 8, 8 * D_H), tile),
            pl.BlockSpec((CHT // 8, 8 * D_H), tile),
            pl.BlockSpec((KH, D_E), _zero_map),
            pl.BlockSpec((KH, 1), _zero_map),
            pl.BlockSpec((KH, D_H * D_H), _zero_map),
            pl.BlockSpec((D_H, D_H * D_H), _zero_map),
            pl.BlockSpec((D_H * D_H + D_H + KH, D_H), _zero_map),
            pl.BlockSpec((1, D_H), _zero_map),
        ],
        out_specs=pl.BlockSpec((CHT // 8, 8 * D_H), tile),
        out_shape=jax.ShapeDtypeStruct((E8, 8 * D_H), jnp.float32),
        compiler_params=pltpu.CompilerParams(
            dimension_semantics=("arbitrary",)),
    )(eit, g8, w8, wk0t, bk0c, wq, rj, sjc, bk1h)


_R_NP = np.zeros((D_H, D_H * D_H), np.float32)
for _k in range(D_H):
    _R_NP[_k, _k * D_H:(_k + 1) * D_H] = 1.0
_S_NP = np.zeros((D_H * D_H, D_H), np.float32)
for _c in range(D_H * D_H):
    _S_NP[_c, _c % D_H] = 1.0


def kernel(input, edge_input, edge_list, edge_weights, W1, b1, Wk0, bk0, Wk1,
           bk1, W2, b2, g_in, bt_in, g_msg, bt_msg, g_upd, bt_upd, g_out,
           bt_out):
    f32 = jnp.float32
    src = edge_list[:, 0]
    dst = edge_list[:, 1]
    def _sigma(a):
        return (a.reshape(E // CHT, 8, CHT // 8)
                .transpose(0, 2, 1).reshape(E))

    src2d = _sigma(src).reshape(E // RPD, RPD)
    dst2d = _sigma(dst).reshape(E // RPD, RPD)
    w8 = jnp.repeat(_sigma(edge_weights), D_H).reshape(E8, 8 * D_H)
    eit = edge_input.T
    zero_init = jnp.zeros((NPAD, D_H), f32)

    a3 = Wk1[:, D_H:].reshape(KH, D_H, D_H)
    wq = a3.transpose(0, 2, 1).reshape(KH, D_H * D_H)
    w0c = Wk1[:, :D_H]
    bb = bk1[D_H:].reshape(D_H, D_H).T
    rj = jnp.asarray(_R_NP)
    sj = jnp.asarray(_S_NP)
    wk0t = Wk0.T
    bk0c = bk0.reshape(KH, 1)
    bk1h = bk1[:D_H].reshape(1, D_H)

    sc_counts, sc_gather, sc_scatter = _sc_kernels()

    cnt = sc_counts(src)

    y = pl.pallas_call(
        _tc_pre_body,
        out_shape=jax.ShapeDtypeStruct((N, D_H), f32),
    )(input, cnt, W1, b1.reshape(1, D_H), g_in.reshape(1, D_IN),
      bt_in.reshape(1, D_IN), g_msg.reshape(1, D_H), bt_msg.reshape(1, D_H))

    g = sc_gather(y, src2d)
    g8 = g.reshape(E8, 8 * D_H)

    sjc = jnp.concatenate([sj, bb, w0c], axis=0)
    mw8 = _edge_call(eit, g8, w8, wk0t, bk0c, wq, rj, sjc, bk1h)

    up = sc_scatter(mw8.reshape(E, D_H), dst2d, zero_init)

    out = pl.pallas_call(
        _tc_post_body,
        out_shape=jax.ShapeDtypeStruct((N, D_OUT), f32),
    )(up, W2, b2.reshape(1, D_OUT), g_upd.reshape(1, D_H),
      bt_upd.reshape(1, D_H), g_out.reshape(1, D_OUT),
      bt_out.reshape(1, D_OUT))
    return out

# --- scband reference (transcript-rebuilt; emitter-appended) ---
"""Pipeline reference for scband-ieconv-layer-77266461655559 (READ-ONLY COPY).

The authoritative reference and input builder live on the scoring server;
editing this copy changes nothing except your own understanding.
"""

import jax, jax.numpy as jnp
import numpy as np

N = 10000
E = 320000
D_IN = 128
D_H = 16
D_OUT = 128
D_E = 16
KH = 32
EPS = 1e-5


def _bn(x, g, b):
    m = jnp.mean(x, axis=0)
    v = jnp.var(x, axis=0)
    return g * (x - m) / jnp.sqrt(v + EPS) + b


def setup_inputs(seed: int = 0) -> dict:
    key = jax.random.key(seed)
    ks = jax.random.split(key, 12)
    inp = {}
    inp['input'] = jax.random.normal(ks[0], (N, D_IN), dtype=jnp.float32)
    inp['edge_input'] = jax.random.normal(ks[1], (E, D_E), dtype=jnp.float32)
    inp['edge_list'] = jax.random.randint(ks[2], (E, 2), 0, N, dtype=jnp.int32)
    inp['edge_weights'] = jax.random.uniform(ks[3], (E,), dtype=jnp.float32)
    # learned parameters
    inp['W1'] = jax.random.normal(ks[4], (D_IN, D_H), dtype=jnp.float32) * 0.05
    inp['b1'] = jnp.zeros((D_H,), dtype=jnp.float32)
    inp['Wk0'] = jax.random.normal(ks[5], (D_E, KH), dtype=jnp.float32) * 0.05
    inp['bk0'] = jnp.zeros((KH,), dtype=jnp.float32)
    inp['Wk1'] = jax.random.normal(ks[6], (KH, (D_H + 1) * D_H), dtype=jnp.float32) * 0.05
    inp['bk1'] = jnp.zeros(((D_H + 1) * D_H,), dtype=jnp.float32)
    inp['W2'] = jax.random.normal(ks[7], (D_H, D_OUT), dtype=jnp.float32) * 0.05
    inp['b2'] = jnp.zeros((D_OUT,), dtype=jnp.float32)
    # batchnorm affine params
    inp['g_in'] = jnp.ones((D_IN,), dtype=jnp.float32)
    inp['bt_in'] = jnp.zeros((D_IN,), dtype=jnp.float32)
    inp['g_msg'] = jnp.ones((D_H,), dtype=jnp.float32)
    inp['bt_msg'] = jnp.zeros((D_H,), dtype=jnp.float32)
    inp['g_upd'] = jnp.ones((D_H,), dtype=jnp.float32)
    inp['bt_upd'] = jnp.zeros((D_H,), dtype=jnp.float32)
    inp['g_out'] = jnp.ones((D_OUT,), dtype=jnp.float32)
    inp['bt_out'] = jnp.zeros((D_OUT,), dtype=jnp.float32)
    return inp


def reference(input, edge_input, edge_list, edge_weights,
              W1, b1, Wk0, bk0, Wk1, bk1, W2, b2,
              g_in, bt_in, g_msg, bt_msg, g_upd, bt_upd, g_out, bt_out):
    x = _bn(input, g_in, bt_in)
    layer_input = jax.nn.relu(x)  # dropout rate 0 -> identity
    node_in = edge_list[:, 0]
    node_out = edge_list[:, 1]
    # message
    msg = layer_input[node_in] @ W1 + b1
    msg = _bn(msg, g_msg, bt_msg)
    msg = jax.nn.relu(msg)  # dropout_before_conv rate 0 -> identity
    # per-edge kernel MLP
    h = jax.nn.relu(edge_input @ Wk0 + bk0)
    kern = (h @ Wk1 + bk1).reshape(-1, D_H + 1, D_H)
    msg = jnp.einsum('ijk,ik->ij', kern[:, 1:, :], msg) + kern[:, 0, :]
    # aggregate (sum)
    upd = jax.ops.segment_sum(msg * edge_weights[:, None], node_out, num_segments=N)
    # update
    upd = jax.nn.relu(_bn(upd, g_upd, bt_upd))
    # combine
    out = upd @ W2 + b2
    out = _bn(out, g_out, bt_out)
    return out

if __name__ == "__main__":
    import jax
    _d = setup_inputs()
    print(jax.jit(kernel)(*tuple(_d.values())))

</pallas_src>

<mosaic_0001>
#map = affine_map<(d0, d1) -> (0, 0)>
module attributes {stable_mosaic.version = 14 : i64} {
  func.func @_sc_gather_body(%arg0: i32, %arg1: i32, %arg2: memref<10000x16xf32, #tpu.memory_space<hbm>>, %arg3: memref<2560x125xi32, #tpu.memory_space<hbm>>, %arg4: memref<320000x16xf32, #tpu.memory_space<hbm>>, %arg5: memref<16x125xi32, #tpu.memory_space<vmem>>, %arg6: memref<2000x16xf32, #tpu.memory_space<vmem>>, %arg7: memref<!tpu.dma_semaphore, #tpu.memory_space<semaphore_mem>>) attributes {dimension_semantics = [#tpu.dimension_semantics<core_parallel>, #tpu.dimension_semantics<subcore_parallel>], iteration_bounds = array<i64: 2, 16>, scalar_prefetch = 0 : i64, scratch_operands = 3 : i64, tpu.core_type = #tpu.core_type<sc_vector_subcore>, window_params = [{transform_indices = #map}, {transform_indices = #map}, {transform_indices = #map}]} {
    %mul3A = arith.constant 2 : i32
    %mul3A_0 = arith.muli %arg1, %mul3A : i32
    %add3A = arith.addi %mul3A_0, %arg0 : i32
    %scan3A = arith.constant 0 : i32
    %scan3A_1 = arith.constant 0 : i32
    %scan3A_2 = arith.constant 5 : i32
    %scan3A_3 = arith.addi %scan3A_1, %scan3A_2 : i32
    %scan3A_4 = arith.constant 1 : i32
    %scan3A_5 = scf.for %scan3A_7 = %scan3A_1 to %scan3A_3 step %scan3A_4 iter_args(%scan3A_8 = %scan3A) -> (i32)  : i32 {
      %mul3A_9 = arith.constant 10000 : i32
      %mul3A_10 = arith.muli %add3A, %mul3A_9 : i32
      %mul3A_11 = arith.constant 2000 : i32
      %mul3A_12 = arith.muli %scan3A_7, %mul3A_11 : i32
      %add3A_13 = arith.addi %mul3A_10, %mul3A_12 : i32
      %multiple_of3A = tpu.assume_multiple %add3A_13, 8 : i32
      %mul3A_14 = arith.constant 10000 : i32
      %mul3A_15 = arith.muli %add3A, %mul3A_14 : i32
      %mul3A_16 = arith.constant 2000 : i32
      %mul3A_17 = arith.muli %scan3A_7, %mul3A_16 : i32
      %add3A_18 = arith.addi %mul3A_15, %mul3A_17 : i32
      %jit3A = arith.constant 125 : i32
      %div3A = arith.divsi %add3A_18, %jit3A : i32
      %sign3A = arith.constant 0 : i32
      %sign3A_19 = arith.cmpi sgt, %add3A_18, %sign3A : i32
      %sign3A_20 = arith.extui %sign3A_19 : i1 to i32
      %sign3A_21 = arith.constant 0 : i32
      %sign3A_22 = arith.cmpi slt, %add3A_18, %sign3A_21 : i32
      %sign3A_23 = arith.extui %sign3A_22 : i1 to i32
      %sign3A_24 = arith.subi %sign3A_20, %sign3A_23 : i32
      %sign3A_25 = arith.constant 0 : i32
      %sign3A_26 = arith.cmpi sgt, %jit3A, %sign3A_25 : i32
      %sign3A_27 = arith.extui %sign3A_26 : i1 to i32
      %sign3A_28 = arith.constant 0 : i32
      %sign3A_29 = arith.cmpi slt, %jit3A, %sign3A_28 : i32
      %sign3A_30 = arith.extui %sign3A_29 : i1 to i32
      %sign3A_31 = arith.subi %sign3A_27, %sign3A_30 : i32
      %ne3A = arith.cmpi ne, %sign3A_24, %sign3A_31 : i32
      %rem3A = arith.remsi %add3A_18, %jit3A : i32
      %ne3A_32 = arith.constant 0 : i32
      %ne3A_33 = arith.cmpi ne, %rem3A, %ne3A_32 : i32
      %and3A = arith.andi %ne3A, %ne3A_33 : i1
      %sub3A = arith.constant 1 : i32
      %sub3A_34 = arith.subi %div3A, %sub3A : i32
      %select_n3A = arith.select %and3A, %sub3A_34, %div3A : i32
      %multiple_of3A_35 = tpu.assume_multiple %select_n3A, 16 : i32
      "tpu.region"() ({
        %run_scoped3A = tpu.sem_alloc : memref<!tpu.dma_semaphore, #tpu.memory_space<semaphore_mem>>
        %dma_start3A_355 = arith.constant 0 : i32
        %dma_start3A_356 = tpu.memref_slice %arg3[%multiple_of3A_35, %dma_start3A_355] : memref<2560x125xi32, #tpu.memory_space<hbm>> -> memref<16x125xi32, #tpu.memory_space<hbm>>
        %dma_start3A_357 = arith.constant 0 : i32
        %dma_start3A_358 = tpu.memref_slice %arg3[%multiple_of3A_35, %dma_start3A_357] : memref<2560x125xi32, #tpu.memory_space<hbm>> -> memref<16x125xi32, #tpu.memory_space<hbm>>
        tpu.enqueue_dma source(%dma_start3A_358 : memref<16x125xi32, #tpu.memory_space<hbm>>) target(%arg5 : memref<16x125xi32, #tpu.memory_space<vmem>>) target_semaphore(%run_scoped3A : memref<!tpu.dma_semaphore, #tpu.memory_space<semaphore_mem>>)
        %dma_wait3A_359 = arith.constant 0 : i32
        %dma_wait3A_360 = tpu.memref_slice %arg3[%multiple_of3A_35, %dma_wait3A_359] : memref<2560x125xi32, #tpu.memory_space<hbm>> -> memref<16x125xi32, #tpu.memory_space<hbm>>
        %dma_wait3A_361 = arith.constant 0 : i32
        %dma_wait3A_362 = tpu.memref_slice %arg3[%multiple_of3A_35, %dma_wait3A_361] : memref<2560x125xi32, #tpu.memory_space<hbm>> -> memref<16x125xi32, #tpu.memory_space<hbm>>
        tpu.wait_dma2 semaphore(%run_scoped3A : memref<!tpu.dma_semaphore, #tpu.memory_space<semaphore_mem>>) src(%dma_wait3A_362 : memref<16x125xi32, #tpu.memory_space<hbm>>) dst(%arg5 : memref<16x125xi32, #tpu.memory_space<vmem>>)
        tpu.yield
      }) : () -> ()
      %dma_start3A = arith.constant 0 : i32
      %dma_start3A_36 = arith.constant 0 : i32
      %dma_start3A_37 = arith.constant 0 : i32
      %dma_start3A_38 = tpu.memref_slice %arg6[%dma_start3A_36, %dma_start3A_37] : memref<2000x16xf32, #tpu.memory_space<vmem>> -> memref<125x16xf32, #tpu.memory_space<vmem>>
      %dma_start3A_39 = arith.constant 0 : i32
      %dma_start3A_40 = tpu.memref_slice %arg5[%dma_start3A, %dma_start3A_39] : memref<16x125xi32, #tpu.memory_space<vmem>> -> memref<1x125xi32, #tpu.memory_space<vmem>>
      %dma_start3A_41 = tpu.memref_squeeze %dma_start3A_40 : memref<1x125xi32, #tpu.memory_space<vmem>> -> memref<125xi32, #tpu.memory_space<vmem>>
      %dma_start3A_42 = arith.constant 0 : i32
      %dma_start3A_43 = arith.constant 0 : i32
      %dma_start3A_44 = tpu.memref_slice %arg2[%dma_start3A_42, %dma_start3A_43] : memref<10000x16xf32, #tpu.memory_space<hbm>> -> memref<10000x16xf32, #tpu.memory_space<hbm>>
      tpu.enqueue_indirect_dma source(%dma_start3A_44 : memref<10000x16xf32, #tpu.memory_space<hbm>>) target(%dma_start3A_38 : memref<125x16xf32, #tpu.memory_space<vmem>>) offsets(%dma_start3A_41 : memref<125xi32, #tpu.memory_space<vmem>>) semaphore(%arg7 : memref<!tpu.dma_semaphore, #tpu.memory_space<semaphore_mem>>)
      %dma_start3A_45 = arith.constant 1 : i32
      %dma_start3A_46 = arith.constant 125 : i32
      %dma_start3A_47 = arith.constant 0 : i32
      %dma_start3A_48 = tpu.memref_slice %arg6[%dma_start3A_46, %dma_start3A_47] : memref<2000x16xf32, #tpu.memory_space<vmem>> -> memref<125x16xf32, #tpu.memory_space<vmem>>
      %dma_start3A_49 = arith.constant 0 : i32
      %dma_start3A_50 = tpu.memref_slice %arg5[%dma_start3A_45, %dma_start3A_49] : memref<16x125xi32, #tpu.memory_space<vmem>> -> memref<1x125xi32, #tpu.memory_space<vmem>>
      %dma_start3A_51 = tpu.memref_squeeze %dma_start3A_50 : memref<1x125xi32, #tpu.memory_space<vmem>> -> memref<125xi32, #tpu.memory_space<vmem>>
      %dma_start3A_52 = arith.constant 0 : i32
      %dma_start3A_53 = arith.constant 0 : i32
      %dma_start3A_54 = tpu.memref_slice %arg2[%dma_start3A_52, %dma_start3A_53] : memref<10000x16xf32, #tpu.memory_space<hbm>> -> memref<10000x16xf32, #tpu.memory_space<hbm>>
      tpu.enqueue_indirect_dma source(%dma_start3A_54 : memref<10000x16xf32, #tpu.memory_space<hbm>>) target(%dma_start3A_48 : memref<125x16xf32, #tpu.memory_space<vmem>>) offsets(%dma_start3A_51 : memref<125xi32, #tpu.memory_space<vmem>>) semaphore(%arg7 : memref<!tpu.dma_semaphore, #tpu.memory_space<semaphore_mem>>)
      %dma_start3A_55 = arith.constant 2 : i32
      %dma_start3A_56 = arith.constant 250 : i32
      %dma_start3A_57 = arith.constant 0 : i32
      %dma_start3A_58 = tpu.memref_slice %arg6[%dma_start3A_56, %dma_start3A_57] : memref<2000x16xf32, #tpu.memory_space<vmem>> -> memref<125x16xf32, #tpu.memory_space<vmem>>
      %dma_start3A_59 = arith.constant 0 : i32
      %dma_start3A_60 = tpu.memref_slice %arg5[%dma_start3A_55, %dma_start3A_59] : memref<16x125xi32, #tpu.memory_space<vmem>> -> memref<1x125xi32, #tpu.memory_space<vmem>>
      %dma_start3A_61 = tpu.memref_squeeze %dma_start3A_60 : memref<1x125xi32, #tpu.memory_space<vmem>> -> memref<125xi32, #tpu.memory_space<vmem>>
      %dma_start3A_62 = arith.constant 0 : i32
      %dma_start3A_63 = arith.constant 0 : i32
      %dma_start3A_64 = tpu.memref_slice %arg2[%dma_start3A_62, %dma_start3A_63] : memref<10000x16xf32, #tpu.memory_space<hbm>> -> memref<10000x16xf32, #tpu.memory_space<hbm>>
      tpu.enqueue_indirect_dma source(%dma_start3A_64 : memref<10000x16xf32, #tpu.memory_space<hbm>>) target(%dma_start3A_58 : memref<125x16xf32, #tpu.memory_space<vmem>>) offsets(%dma_start3A_61 : memref<125xi32, #tpu.memory_space<vmem>>) semaphore(%arg7 : memref<!tpu.dma_semaphore, #tpu.memory_space<semaphore_mem>>)
      %dma_start3A_65 = arith.constant 3 : i32
      %dma_start3A_66 = arith.constant 375 : i32
      %dma_start3A_67 = arith.constant 0 : i32
      %dma_start3A_68 = tpu.memref_slice %arg6[%dma_start3A_66, %dma_start3A_67] : memref<2000x16xf32, #tpu.memory_space<vmem>> -> memref<125x16xf32, #tpu.memory_space<vmem>>
      %dma_start3A_69 = arith.constant 0 : i32
      %dma_start3A_70 = tpu.memref_slice %arg5[%dma_start3A_65, %dma_start3A_69] : memref<16x125xi32, #tpu.memory_space<vmem>> -> memref<1x125xi32, #tpu.memory_space<vmem>>
      %dma_start3A_71 = tpu.memref_squeeze %dma_start3A_70 : memref<1x125xi32, #tpu.memory_space<vmem>> -> memref<125xi32, #tpu.memory_space<vmem>>
      %dma_start3A_72 = arith.constant 0 : i32
      %dma_start3A_73 = arith.constant 0 : i32
      %dma_start3A_74 = tpu.memref_slice %arg2[%dma_start3A_72, %dma_start3A_73] : memref<10000x16xf32, #tpu.memory_space<hbm>> -> memref<10000x16xf32, #tpu.memory_space<hbm>>
      tpu.enqueue_indirect_dma source(%dma_start3A_74 : memref<10000x16xf32, #tpu.memory_space<hbm>>) target(%dma_start3A_68 : memref<125x16xf32, #tpu.memory_space<vmem>>) offsets(%dma_start3A_71 : memref<125xi32, #tpu.memory_space<vmem>>) semaphore(%arg7 : memref<!tpu.dma_semaphore, #tpu.memory_space<semaphore_mem>>)
      %dma_start3A_75 = arith.constant 4 : i32
      %dma_start3A_76 = arith.constant 500 : i32
      %dma_start3A_77 = arith.constant 0 : i32
      %dma_start3A_78 = tpu.memref_slice %arg6[%dma_start3A_76, %dma_start3A_77] : memref<2000x16xf32, #tpu.memory_space<vmem>> -> memref<125x16xf32, #tpu.memory_space<vmem>>
      %dma_start3A_79 = arith.constant 0 : i32
      %dma_start3A_80 = tpu.memref_slice %arg5[%dma_start3A_75, %dma_start3A_79] : memref<16x125xi32, #tpu.memory_space<vmem>> -> memref<1x125xi32, #tpu.memory_space<vmem>>
      %dma_start3A_81 = tpu.memref_squeeze %dma_start3A_80 : memref<1x125xi32, #tpu.memory_space<vmem>> -> memref<125xi32, #tpu.memory_space<vmem>>
      %dma_start3A_82 = arith.constant 0 : i32
      %dma_start3A_83 = arith.constant 0 : i32
      %dma_start3A_84 = tpu.memref_slice %arg2[%dma_start3A_82, %dma_start3A_83] : memref<10000x16xf32, #tpu.memory_space<hbm>> -> memref<10000x16xf32, #tpu.memory_space<hbm>>
      tpu.enqueue_indirect_dma source(%dma_start3A_84 : memref<10000x16xf32, #tpu.memory_space<hbm>>) target(%dma_start3A_78 : memref<125x16xf32, #tpu.memory_space<vmem>>) offsets(%dma_start3A_81 : memref<125xi32, #tpu.memory_space<vmem>>) semaphore(%arg7 : memref<!tpu.dma_semaphore, #tpu.memory_space<semaphore_mem>>)
      %dma_start3A_85 = arith.constant 5 : i32
      %dma_start3A_86 = arith.constant 625 : i32
      %dma_start3A_87 = arith.constant 0 : i32
      %dma_start3A_88 = tpu.memref_slice %arg6[%dma_start3A_86, %dma_start3A_87] : memref<2000x16xf32, #tpu.memory_space<vmem>> -> memref<125x16xf32, #tpu.memory_space<vmem>>
      %dma_start3A_89 = arith.constant 0 : i32
      %dma_start3A_90 = tpu.memref_slice %arg5[%dma_start3A_85, %dma_start3A_89] : memref<16x125xi32, #tpu.memory_space<vmem>> -> memref<1x125xi32, #tpu.memory_space<vmem>>
      %dma_start3A_91 = tpu.memref_squeeze %dma_start3A_90 : memref<1x125xi32, #tpu.memory_space<vmem>> -> memref<125xi32, #tpu.memory_space<vmem>>
      %dma_start3A_92 = arith.constant 0 : i32
      %dma_start3A_93 = arith.constant 0 : i32
      %dma_start3A_94 = tpu.memref_slice %arg2[%dma_start3A_92, %dma_start3A_93] : memref<10000x16xf32, #tpu.memory_space<hbm>> -> memref<10000x16xf32, #tpu.memory_space<hbm>>
      tpu.enqueue_indirect_dma source(%dma_start3A_94 : memref<10000x16xf32, #tpu.memory_space<hbm>>) target(%dma_start3A_88 : memref<125x16xf32, #tpu.memory_space<vmem>>) offsets(%dma_start3A_91 : memref<125xi32, #tpu.memory_space<vmem>>) semaphore(%arg7 : memref<!tpu.dma_semaphore, #tpu.memory_space<semaphore_mem>>)
      %dma_start3A_95 = arith.constant 6 : i32
      %dma_start3A_96 = arith.constant 750 : i32
      %dma_start3A_97 = arith.constant 0 : i32
      %dma_start3A_98 = tpu.memref_slice %arg6[%dma_start3A_96, %dma_start3A_97] : memref<2000x16xf32, #tpu.memory_space<vmem>> -> memref<125x16xf32, #tpu.memory_space<vmem>>
      %dma_start3A_99 = arith.constant 0 : i32
      %dma_start3A_100 = tpu.memref_slice %arg5[%dma_start3A_95, %dma_start3A_99] : memref<16x125xi32, #tpu.memory_space<vmem>> -> memref<1x125xi32, #tpu.memory_space<vmem>>
      %dma_start3A_101 = tpu.memref_squeeze %dma_start3A_100 : memref<1x125xi32, #tpu.memory_space<vmem>> -> memref<125xi32, #tpu.memory_space<vmem>>
      %dma_start3A_102 = arith.constant 0 : i32
      %dma_start3A_103 = arith.constant 0 : i32
      %dma_start3A_104 = tpu.memref_slice %arg2[%dma_start3A_102, %dma_start3A_103] : memref<10000x16xf32, #tpu.memory_space<hbm>> -> memref<10000x16xf32, #tpu.memory_space<hbm>>
      tpu.enqueue_indirect_dma source(%dma_start3A_104 : memref<10000x16xf32, #tpu.memory_space<hbm>>) target(%dma_start3A_98 : memref<125x16xf32, #tpu.memory_space<vmem>>) offsets(%dma_start3A_101 : memref<125xi32, #tpu.memory_space<vmem>>) semaphore(%arg7 : memref<!tpu.dma_semaphore, #tpu.memory_space<semaphore_mem>>)
      %dma_start3A_105 = arith.constant 7 : i32
      %dma_start3A_106 = arith.constant 875 : i32
      %dma_start3A_107 = arith.constant 0 : i32
      %dma_start3A_108 = tpu.memref_slice %arg6[%dma_start3A_106, %dma_start3A_107] : memref<2000x16xf32, #tpu.memory_space<vmem>> -> memref<125x16xf32, #tpu.memory_space<vmem>>
      %dma_start3A_109 = arith.constant 0 : i32
      %dma_start3A_110 = tpu.memref_slice %arg5[%dma_start3A_105, %dma_start3A_109] : memref<16x125xi32, #tpu.memory_space<vmem>> -> memref<1x125xi32, #tpu.memory_space<vmem>>
      %dma_start3A_111 = tpu.memref_squeeze %dma_start3A_110 : memref<1x125xi32, #tpu.memory_space<vmem>> -> memref<125xi32, #tpu.memory_space<vmem>>
      %dma_start3A_112 = arith.constant 0 : i32
      %dma_start3A_113 = arith.constant 0 : i32
      %dma_start3A_114 = tpu.memref_slice %arg2[%dma_start3A_112, %dma_start3A_113] : memref<10000x16xf32, #tpu.memory_space<hbm>> -> memref<10000x16xf32, #tpu.memory_space<hbm>>
      tpu.enqueue_indirect_dma source(%dma_start3A_114 : memref<10000x16xf32, #tpu.memory_space<hbm>>) target(%dma_start3A_108 : memref<125x16xf32, #tpu.memory_space<vmem>>) offsets(%dma_start3A_111 : memref<125xi32, #tpu.memory_space<vmem>>) semaphore(%arg7 : memref<!tpu.dma_semaphore, #tpu.memory_space<semaphore_mem>>)
      %dma_start3A_115 = arith.constant 8 : i32
      %dma_start3A_116 = arith.constant 1000 : i32
      %dma_start3A_117 = arith.constant 0 : i32
      %dma_start3A_118 = tpu.memref_slice %arg6[%dma_start3A_116, %dma_start3A_117] : memref<2000x16xf32, #tpu.memory_space<vmem>> -> memref<125x16xf32, #tpu.memory_space<vmem>>
      %dma_start3A_119 = arith.constant 0 : i32
      %dma_start3A_120 = tpu.memref_slice %arg5[%dma_start3A_115, %dma_start3A_119] : memref<16x125xi32, #tpu.memory_space<vmem>> -> memref<1x125xi32, #tpu.memory_space<vmem>>
      %dma_start3A_121 = tpu.memref_squeeze %dma_start3A_120 : memref<1x125xi32, #tpu.memory_space<vmem>> -> memref<125xi32, #tpu.memory_space<vmem>>
      %dma_start3A_122 = arith.constant 0 : i32
      %dma_start3A_123 = arith.constant 0 : i32
      %dma_start3A_124 = tpu.memref_slice %arg2[%dma_start3A_122, %dma_start3A_123] : memref<10000x16xf32, #tpu.memory_space<hbm>> -> memref<10000x16xf32, #tpu.memory_space<hbm>>
      tpu.enqueue_indirect_dma source(%dma_start3A_124 : memref<10000x16xf32, #tpu.memory_space<hbm>>) target(%dma_start3A_118 : memref<125x16xf32, #tpu.memory_space<vmem>>) offsets(%dma_start3A_121 : memref<125xi32, #tpu.memory_space<vmem>>) semaphore(%arg7 : memref<!tpu.dma_semaphore, #tpu.memory_space<semaphore_mem>>)
      %dma_start3A_125 = arith.constant 9 : i32
      %dma_start3A_126 = arith.constant 1125 : i32
      %dma_start3A_127 = arith.constant 0 : i32
      %dma_start3A_128 = tpu.memref_slice %arg6[%dma_start3A_126, %dma_start3A_127] : memref<2000x16xf32, #tpu.memory_space<vmem>> -> memref<125x16xf32, #tpu.memory_space<vmem>>
      %dma_start3A_129 = arith.constant 0 : i32
      %dma_start3A_130 = tpu.memref_slice %arg5[%dma_start3A_125, %dma_start3A_129] : memref<16x125xi32, #tpu.memory_space<vmem>> -> memref<1x125xi32, #tpu.memory_space<vmem>>
      %dma_start3A_131 = tpu.memref_squeeze %dma_start3A_130 : memref<1x125xi32, #tpu.memory_space<vmem>> -> memref<125xi32, #tpu.memory_space<vmem>>
      %dma_start3A_132 = arith.constant 0 : i32
      %dma_start3A_133 = arith.constant 0 : i32
      %dma_start3A_134 = tpu.memref_slice %arg2[%dma_start3A_132, %dma_start3A_133] : memref<10000x16xf32, #tpu.memory_space<hbm>> -> memref<10000x16xf32, #tpu.memory_space<hbm>>
      tpu.enqueue_indirect_dma source(%dma_start3A_134 : memref<10000x16xf32, #tpu.memory_space<hbm>>) target(%dma_start3A_128 : memref<125x16xf32, #tpu.memory_space<vmem>>) offsets(%dma_start3A_131 : memref<125xi32, #tpu.memory_space<vmem>>) semaphore(%arg7 : memref<!tpu.dma_semaphore, #tpu.memory_space<semaphore_mem>>)
      %dma_start3A_135 = arith.constant 10 : i32
      %dma_start3A_136 = arith.constant 1250 : i32
      %dma_start3A_137 = arith.constant 0 : i32
      %dma_start3A_138 = tpu.memref_slice %arg6[%dma_start3A_136, %dma_start3A_137] : memref<2000x16xf32, #tpu.memory_space<vmem>> -> memref<125x16xf32, #tpu.memory_space<vmem>>
      %dma_start3A_139 = arith.constant 0 : i32
      %dma_start3A_140 = tpu.memref_slice %arg5[%dma_start3A_135, %dma_start3A_139] : memref<16x125xi32, #tpu.memory_space<vmem>> -> memref<1x125xi32, #tpu.memory_space<vmem>>
      %dma_start3A_141 = tpu.memref_squeeze %dma_start3A_140 : memref<1x125xi32, #tpu.memory_space<vmem>> -> memref<125xi32, #tpu.memory_space<vmem>>
      %dma_start3A_142 = arith.constant 0 : i32
      %dma_start3A_143 = arith.constant 0 : i32
      %dma_start3A_144 = tpu.memref_slice %arg2[%dma_start3A_142, %dma_start3A_143] : memref<10000x16xf32, #tpu.memory_space<hbm>> -> memref<10000x16xf32, #tpu.memory_space<hbm>>
      tpu.enqueue_indirect_dma source(%dma_start3A_144 : memref<10000x16xf32, #tpu.memory_space<hbm>>) target(%dma_start3A_138 : memref<125x16xf32, #tpu.memory_space<vmem>>) offsets(%dma_start3A_141 : memref<125xi32, #tpu.memory_space<vmem>>) semaphore(%arg7 : memref<!tpu.dma_semaphore, #tpu.memory_space<semaphore_mem>>)
      %dma_start3A_145 = arith.constant 11 : i32
      %dma_start3A_146 = arith.constant 1375 : i32
      %dma_start3A_147 = arith.constant 0 : i32
      %dma_start3A_148 = tpu.memref_slice %arg6[%dma_start3A_146, %dma_start3A_147] : memref<2000x16xf32, #tpu.memory_space<vmem>> -> memref<125x16xf32, #tpu.memory_space<vmem>>
      %dma_start3A_149 = arith.constant 0 : i32
      %dma_start3A_150 = tpu.memref_slice %arg5[%dma_start3A_145, %dma_start3A_149] : memref<16x125xi32, #tpu.memory_space<vmem>> -> memref<1x125xi32, #tpu.memory_space<vmem>>
      %dma_start3A_151 = tpu.memref_squeeze %dma_start3A_150 : memref<1x125xi32, #tpu.memory_space<vmem>> -> memref<125xi32, #tpu.memory_space<vmem>>
      %dma_start3A_152 = arith.constant 0 : i32
      %dma_start3A_153 = arith.constant 0 : i32
      %dma_start3A_154 = tpu.memref_slice %arg2[%dma_start3A_152, %dma_start3A_153] : memref<10000x16xf32, #tpu.memory_space<hbm>> -> memref<10000x16xf32, #tpu.memory_space<hbm>>
      tpu.enqueue_indirect_dma source(%dma_start3A_154 : memref<10000x16xf32, #tpu.memory_space<hbm>>) target(%dma_start3A_148 : memref<125x16xf32, #tpu.memory_space<vmem>>) offsets(%dma_start3A_151 : memref<125xi32, #tpu.memory_space<vmem>>) semaphore(%arg7 : memref<!tpu.dma_semaphore, #tpu.memory_space<semaphore_mem>>)
      %dma_start3A_155 = arith.constant 12 : i32
      %dma_start3A_156 = arith.constant 1500 : i32
      %dma_start3A_157 = arith.constant 0 : i32
      %dma_start3A_158 = tpu.memref_slice %arg6[%dma_start3A_156, %dma_start3A_157] : memref<2000x16xf32, #tpu.memory_space<vmem>> -> memref<125x16xf32, #tpu.memory_space<vmem>>
      %dma_start3A_159 = arith.constant 0 : i32
      %dma_start3A_160 = tpu.memref_slice %arg5[%dma_start3A_155, %dma_start3A_159] : memref<16x125xi32, #tpu.memory_space<vmem>> -> memref<1x125xi32, #tpu.memory_space<vmem>>
      %dma_start3A_161 = tpu.memref_squeeze %dma_start3A_160 : memref<1x125xi32, #tpu.memory_space<vmem>> -> memref<125xi32, #tpu.memory_space<vmem>>
      %dma_start3A_162 = arith.constant 0 : i32
      %dma_start3A_163 = arith.constant 0 : i32
      %dma_start3A_164 = tpu.memref_slice %arg2[%dma_start3A_162, %dma_start3A_163] : memref<10000x16xf32, #tpu.memory_space<hbm>> -> memref<10000x16xf32, #tpu.memory_space<hbm>>
      tpu.enqueue_indirect_dma source(%dma_start3A_164 : memref<10000x16xf32, #tpu.memory_space<hbm>>) target(%dma_start3A_158 : memref<125x16xf32, #tpu.memory_space<vmem>>) offsets(%dma_start3A_161 : memref<125xi32, #tpu.memory_space<vmem>>) semaphore(%arg7 : memref<!tpu.dma_semaphore, #tpu.memory_space<semaphore_mem>>)
      %dma_start3A_165 = arith.constant 13 : i32
      %dma_start3A_166 = arith.constant 1625 : i32
      %dma_start3A_167 = arith.constant 0 : i32
      %dma_start3A_168 = tpu.memref_slice %arg6[%dma_start3A_166, %dma_start3A_167] : memref<2000x16xf32, #tpu.memory_space<vmem>> -> memref<125x16xf32, #tpu.memory_space<vmem>>
      %dma_start3A_169 = arith.constant 0 : i32
      %dma_start3A_170 = tpu.memref_slice %arg5[%dma_start3A_165, %dma_start3A_169] : memref<16x125xi32, #tpu.memory_space<vmem>> -> memref<1x125xi32, #tpu.memory_space<vmem>>
      %dma_start3A_171 = tpu.memref_squeeze %dma_start3A_170 : memref<1x125xi32, #tpu.memory_space<vmem>> -> memref<125xi32, #tpu.memory_space<vmem>>
      %dma_start3A_172 = arith.constant 0 : i32
      %dma_start3A_173 = arith.constant 0 : i32
      %dma_start3A_174 = tpu.memref_slice %arg2[%dma_start3A_172, %dma_start3A_173] : memref<10000x16xf32, #tpu.memory_space<hbm>> -> memref<10000x16xf32, #tpu.memory_space<hbm>>
      tpu.enqueue_indirect_dma source(%dma_start3A_174 : memref<10000x16xf32, #tpu.memory_space<hbm>>) target(%dma_start3A_168 : memref<125x16xf32, #tpu.memory_space<vmem>>) offsets(%dma_start3A_171 : memref<125xi32, #tpu.memory_space<vmem>>) semaphore(%arg7 : memref<!tpu.dma_semaphore, #tpu.memory_space<semaphore_mem>>)
      %dma_start3A_175 = arith.constant 14 : i32
      %dma_start3A_176 = arith.constant 1750 : i32
      %dma_start3A_177 = arith.constant 0 : i32
      %dma_start3A_178 = tpu.memref_slice %arg6[%dma_start3A_176, %dma_start3A_177] : memref<2000x16xf32, #tpu.memory_space<vmem>> -> memref<125x16xf32, #tpu.memory_space<vmem>>
      %dma_start3A_179 = arith.constant 0 : i32
      %dma_start3A_180 = tpu.memref_slice %arg5[%dma_start3A_175, %dma_start3A_179] : memref<16x125xi32, #tpu.memory_space<vmem>> -> memref<1x125xi32, #tpu.memory_space<vmem>>
      %dma_start3A_181 = tpu.memref_squeeze %dma_start3A_180 : memref<1x125xi32, #tpu.memory_space<vmem>> -> memref<125xi32, #tpu.memory_space<vmem>>
      %dma_start3A_182 = arith.constant 0 : i32
      %dma_start3A_183 = arith.constant 0 : i32
      %dma_start3A_184 = tpu.memref_slice %arg2[%dma_start3A_182, %dma_start3A_183] : memref<10000x16xf32, #tpu.memory_space<hbm>> -> memref<10000x16xf32, #tpu.memory_space<hbm>>
      tpu.enqueue_indirect_dma source(%dma_start3A_184 : memref<10000x16xf32, #tpu.memory_space<hbm>>) target(%dma_start3A_178 : memref<125x16xf32, #tpu.memory_space<vmem>>) offsets(%dma_start3A_181 : memref<125xi32, #tpu.memory_space<vmem>>) semaphore(%arg7 : memref<!tpu.dma_semaphore, #tpu.memory_space<semaphore_mem>>)
      %dma_start3A_185 = arith.constant 15 : i32
      %dma_start3A_186 = arith.constant 1875 : i32
      %dma_start3A_187 = arith.constant 0 : i32
      %dma_start3A_188 = tpu.memref_slice %arg6[%dma_start3A_186, %dma_start3A_187] : memref<2000x16xf32, #tpu.memory_space<vmem>> -> memref<125x16xf32, #tpu.memory_space<vmem>>
      %dma_start3A_189 = arith.constant 0 : i32
      %dma_start3A_190 = tpu.memref_slice %arg5[%dma_start3A_185, %dma_start3A_189] : memref<16x125xi32, #tpu.memory_space<vmem>> -> memref<1x125xi32, #tpu.memory_space<vmem>>
      %dma_start3A_191 = tpu.memref_squeeze %dma_start3A_190 : memref<1x125xi32, #tpu.memory_space<vmem>> -> memref<125xi32, #tpu.memory_space<vmem>>
      %dma_start3A_192 = arith.constant 0 : i32
      %dma_start3A_193 = arith.constant 0 : i32
      %dma_start3A_194 = tpu.memref_slice %arg2[%dma_start3A_192, %dma_start3A_193] : memref<10000x16xf32, #tpu.memory_space<hbm>> -> memref<10000x16xf32, #tpu.memory_space<hbm>>
      tpu.enqueue_indirect_dma source(%dma_start3A_194 : memref<10000x16xf32, #tpu.memory_space<hbm>>) target(%dma_start3A_188 : memref<125x16xf32, #tpu.memory_space<vmem>>) offsets(%dma_start3A_191 : memref<125xi32, #tpu.memory_space<vmem>>) semaphore(%arg7 : memref<!tpu.dma_semaphore, #tpu.memory_space<semaphore_mem>>)
      %dma_wait3A = arith.constant 0 : i32
      %dma_wait3A_195 = arith.constant 0 : i32
      %dma_wait3A_196 = arith.constant 0 : i32
      %dma_wait3A_197 = tpu.memref_slice %arg6[%dma_wait3A_195, %dma_wait3A_196] : memref<2000x16xf32, #tpu.memory_space<vmem>> -> memref<125x16xf32, #tpu.memory_space<vmem>>
      %dma_wait3A_198 = arith.constant 0 : i32
      %dma_wait3A_199 = tpu.memref_slice %arg5[%dma_wait3A, %dma_wait3A_198] : memref<16x125xi32, #tpu.memory_space<vmem>> -> memref<1x125xi32, #tpu.memory_space<vmem>>
      %dma_wait3A_200 = tpu.memref_squeeze %dma_wait3A_199 : memref<1x125xi32, #tpu.memory_space<vmem>> -> memref<125xi32, #tpu.memory_space<vmem>>
      %dma_wait3A_201 = arith.constant 0 : i32
      %dma_wait3A_202 = arith.constant 0 : i32
      %dma_wait3A_203 = tpu.memref_slice %arg2[%dma_wait3A_201, %dma_wait3A_202] : memref<10000x16xf32, #tpu.memory_space<hbm>> -> memref<10000x16xf32, #tpu.memory_space<hbm>>
      tpu.wait_indirect_dma semaphore(%arg7 : memref<!tpu.dma_semaphore, #tpu.memory_space<semaphore_mem>>) src(%dma_wait3A_203 : memref<10000x16xf32, #tpu.memory_space<hbm>>) dst(%dma_wait3A_197 : memref<125x16xf32, #tpu.memory_space<vmem>>)
      %dma_wait3A_204 = arith.constant 1 : i32
      %dma_wait3A_205 = arith.constant 125 : i32
      %dma_wait3A_206 = arith.constant 0 : i32
      %dma_wait3A_207 = tpu.memref_slice %arg6[%dma_wait3A_205, %dma_wait3A_206] : memref<2000x16xf32, #tpu.memory_space<vmem>> -> memref<125x16xf32, #tpu.memory_space<vmem>>
      %dma_wait3A_208 = arith.constant 0 : i32
      %dma_wait3A_209 = tpu.memref_slice %arg5[%dma_wait3A_204, %dma_wait3A_208] : memref<16x125xi32, #tpu.memory_space<vmem>> -> memref<1x125xi32, #tpu.memory_space<vmem>>
      %dma_wait3A_210 = tpu.memref_squeeze %dma_wait3A_209 : memref<1x125xi32, #tpu.memory_space<vmem>> -> memref<125xi32, #tpu.memory_space<vmem>>
      %dma_wait3A_211 = arith.constant 0 : i32
      %dma_wait3A_212 = arith.constant 0 : i32
      %dma_wait3A_213 = tpu.memref_slice %arg2[%dma_wait3A_211, %dma_wait3A_212] : memref<10000x16xf32, #tpu.memory_space<hbm>> -> memref<10000x16xf32, #tpu.memory_space<hbm>>
      tpu.wait_indirect_dma semaphore(%arg7 : memref<!tpu.dma_semaphore, #tpu.memory_space<semaphore_mem>>) src(%dma_wait3A_213 : memref<10000x16xf32, #tpu.memory_space<hbm>>) dst(%dma_wait3A_207 : memref<125x16xf32, #tpu.memory_space<vmem>>)
      %dma_wait3A_214 = arith.constant 2 : i32
      %dma_wait3A_215 = arith.constant 250 : i32
      %dma_wait3A_216 = arith.constant 0 : i32
      %dma_wait3A_217 = tpu.memref_slice %arg6[%dma_wait3A_215, %dma_wait3A_216] : memref<2000x16xf32, #tpu.memory_space<vmem>> -> memref<125x16xf32, #tpu.memory_space<vmem>>
      %dma_wait3A_218 = arith.constant 0 : i32
      %dma_wait3A_219 = tpu.memref_slice %arg5[%dma_wait3A_214, %dma_wait3A_218] : memref<16x125xi32, #tpu.memory_space<vmem>> -> memref<1x125xi32, #tpu.memory_space<vmem>>
      %dma_wait3A_220 = tpu.memref_squeeze %dma_wait3A_219 : memref<1x125xi32, #tpu.memory_space<vmem>> -> memref<125xi32, #tpu.memory_space<vmem>>
      %dma_wait3A_221 = arith.constant 0 : i32
      %dma_wait3A_222 = arith.constant 0 : i32
      %dma_wait3A_223 = tpu.memref_slice %arg2[%dma_wait3A_221, %dma_wait3A_222] : memref<10000x16xf32, #tpu.memory_space<hbm>> -> memref<10000x16xf32, #tpu.memory_space<hbm>>
      tpu.wait_indirect_dma semaphore(%arg7 : memref<!tpu.dma_semaphore, #tpu.memory_space<semaphore_mem>>) src(%dma_wait3A_223 : memref<10000x16xf32, #tpu.memory_space<hbm>>) dst(%dma_wait3A_217 : memref<125x16xf32, #tpu.memory_space<vmem>>)
      %dma_wait3A_224 = arith.constant 3 : i32
      %dma_wait3A_225 = arith.constant 375 : i32
      %dma_wait3A_226 = arith.constant 0 : i32
      %dma_wait3A_227 = tpu.memref_slice %arg6[%dma_wait3A_225, %dma_wait3A_226] : memref<2000x16xf32, #tpu.memory_space<vmem>> -> memref<125x16xf32, #tpu.memory_space<vmem>>
      %dma_wait3A_228 = arith.constant 0 : i32
      %dma_wait3A_229 = tpu.memref_slice %arg5[%dma_wait3A_224, %dma_wait3A_228] : memref<16x125xi32, #tpu.memory_space<vmem>> -> memref<1x125xi32, #tpu.memory_space<vmem>>
      %dma_wait3A_230 = tpu.memref_squeeze %dma_wait3A_229 : memref<1x125xi32, #tpu.memory_space<vmem>> -> memref<125xi32, #tpu.memory_space<vmem>>
      %dma_wait3A_231 = arith.constant 0 : i32
      %dma_wait3A_232 = arith.constant 0 : i32
      %dma_wait3A_233 = tpu.memref_slice %arg2[%dma_wait3A_231, %dma_wait3A_232] : memref<10000x16xf32, #tpu.memory_space<hbm>> -> memref<10000x16xf32, #tpu.memory_space<hbm>>
      tpu.wait_indirect_dma semaphore(%arg7 : memref<!tpu.dma_semaphore, #tpu.memory_space<semaphore_mem>>) src(%dma_wait3A_233 : memref<10000x16xf32, #tpu.memory_space<hbm>>) dst(%dma_wait3A_227 : memref<125x16xf32, #tpu.memory_space<vmem>>)
      %dma_wait3A_234 = arith.constant 4 : i32
      %dma_wait3A_235 = arith.constant 500 : i32
      %dma_wait3A_236 = arith.constant 0 : i32
      %dma_wait3A_237 = tpu.memref_slice %arg6[%dma_wait3A_235, %dma_wait3A_236] : memref<2000x16xf32, #tpu.memory_space<vmem>> -> memref<125x16xf32, #tpu.memory_space<vmem>>
      %dma_wait3A_238 = arith.constant 0 : i32
      %dma_wait3A_239 = tpu.memref_slice %arg5[%dma_wait3A_234, %dma_wait3A_238] : memref<16x125xi32, #tpu.memory_space<vmem>> -> memref<1x125xi32, #tpu.memory_space<vmem>>
      %dma_wait3A_240 = tpu.memref_squeeze %dma_wait3A_239 : memref<1x125xi32, #tpu.memory_space<vmem>> -> memref<125xi32, #tpu.memory_space<vmem>>
      %dma_wait3A_241 = arith.constant 0 : i32
      %dma_wait3A_242 = arith.constant 0 : i32
      %dma_wait3A_243 = tpu.memref_slice %arg2[%dma_wait3A_241, %dma_wait3A_242] : memref<10000x16xf32, #tpu.memory_space<hbm>> -> memref<10000x16xf32, #tpu.memory_space<hbm>>
      tpu.wait_indirect_dma semaphore(%arg7 : memref<!tpu.dma_semaphore, #tpu.memory_space<semaphore_mem>>) src(%dma_wait3A_243 : memref<10000x16xf32, #tpu.memory_space<hbm>>) dst(%dma_wait3A_237 : memref<125x16xf32, #tpu.memory_space<vmem>>)
      %dma_wait3A_244 = arith.constant 5 : i32
      %dma_wait3A_245 = arith.constant 625 : i32
      %dma_wait3A_246 = arith.constant 0 : i32
      %dma_wait3A_247 = tpu.memref_slice %arg6[%dma_wait3A_245, %dma_wait3A_246] : memref<2000x16xf32, #tpu.memory_space<vmem>> -> memref<125x16xf32, #tpu.memory_space<vmem>>
      %dma_wait3A_248 = arith.constant 0 : i32
      %dma_wait3A_249 = tpu.memref_slice %arg5[%dma_wait3A_244, %dma_wait3A_248] : memref<16x125xi32, #tpu.memory_space<vmem>> -> memref<1x125xi32, #tpu.memory_space<vmem>>
      %dma_wait3A_250 = tpu.memref_squeeze %dma_wait3A_249 : memref<1x125xi32, #tpu.memory_space<vmem>> -> memref<125xi32, #tpu.memory_space<vmem>>
      %dma_wait3A_251 = arith.constant 0 : i32
      %dma_wait3A_252 = arith.constant 0 : i32
      %dma_wait3A_253 = tpu.memref_slice %arg2[%dma_wait3A_251, %dma_wait3A_252] : memref<10000x16xf32, #tpu.memory_space<hbm>> -> memref<10000x16xf32, #tpu.memory_space<hbm>>
      tpu.wait_indirect_dma semaphore(%arg7 : memref<!tpu.dma_semaphore, #tpu.memory_space<semaphore_mem>>) src(%dma_wait3A_253 : memref<10000x16xf32, #tpu.memory_space<hbm>>) dst(%dma_wait3A_247 : memref<125x16xf32, #tpu.memory_space<vmem>>)
      %dma_wait3A_254 = arith.constant 6 : i32
      %dma_wait3A_255 = arith.constant 750 : i32
      %dma_wait3A_256 = arith.constant 0 : i32
      %dma_wait3A_257 = tpu.memref_slice %arg6[%dma_wait3A_255, %dma_wait3A_256] : memref<2000x16xf32, #tpu.memory_space<vmem>> -> memref<125x16xf32, #tpu.memory_space<vmem>>
      %dma_wait3A_258 = arith.constant 0 : i32
      %dma_wait3A_259 = tpu.memref_slice %arg5[%dma_wait3A_254, %dma_wait3A_258] : memref<16x125xi32, #tpu.memory_space<vmem>> -> memref<1x125xi32, #tpu.memory_space<vmem>>
      %dma_wait3A_260 = tpu.memref_squeeze %dma_wait3A_259 : memref<1x125xi32, #tpu.memory_space<vmem>> -> memref<125xi32, #tpu.memory_space<vmem>>
      %dma_wait3A_261 = arith.constant 0 : i32
      %dma_wait3A_262 = arith.constant 0 : i32
      %dma_wait3A_263 = tpu.memref_slice %arg2[%dma_wait3A_261, %dma_wait3A_262] : memref<10000x16xf32, #tpu.memory_space<hbm>> -> memref<10000x16xf32, #tpu.memory_space<hbm>>
      tpu.wait_indirect_dma semaphore(%arg7 : memref<!tpu.dma_semaphore, #tpu.memory_space<semaphore_mem>>) src(%dma_wait3A_263 : memref<10000x16xf32, #tpu.memory_space<hbm>>) dst(%dma_wait3A_257 : memref<125x16xf32, #tpu.memory_space<vmem>>)
      %dma_wait3A_264 = arith.constant 7 : i32
      %dma_wait3A_265 = arith.constant 875 : i32
      %dma_wait3A_266 = arith.constant 0 : i32
      %dma_wait3A_267 = tpu.memref_slice %arg6[%dma_wait3A_265, %dma_wait3A_266] : memref<2000x16xf32, #tpu.memory_space<vmem>> -> memref<125x16xf32, #tpu.memory_space<vmem>>
      %dma_wait3A_268 = arith.constant 0 : i32
      %dma_wait3A_269 = tpu.memref_slice %arg5[%dma_wait3A_264, %dma_wait3A_268] : memref<16x125xi32, #tpu.memory_space<vmem>> -> memref<1x125xi32, #tpu.memory_space<vmem>>
      %dma_wait3A_270 = tpu.memref_squeeze %dma_wait3A_269 : memref<1x125xi32, #tpu.memory_space<vmem>> -> memref<125xi32, #tpu.memory_space<vmem>>
      %dma_wait3A_271 = arith.constant 0 : i32
      %dma_wait3A_272 = arith.constant 0 : i32
      %dma_wait3A_273 = tpu.memref_slice %arg2[%dma_wait3A_271, %dma_wait3A_272] : memref<10000x16xf32, #tpu.memory_space<hbm>> -> memref<10000x16xf32, #tpu.memory_space<hbm>>
      tpu.wait_indirect_dma semaphore(%arg7 : memref<!tpu.dma_semaphore, #tpu.memory_space<semaphore_mem>>) src(%dma_wait3A_273 : memref<10000x16xf32, #tpu.memory_space<hbm>>) dst(%dma_wait3A_267 : memref<125x16xf32, #tpu.memory_space<vmem>>)
      %dma_wait3A_274 = arith.constant 8 : i32
      %dma_wait3A_275 = arith.constant 1000 : i32
      %dma_wait3A_276 = arith.constant 0 : i32
      %dma_wait3A_277 = tpu.memref_slice %arg6[%dma_wait3A_275, %dma_wait3A_276] : memref<2000x16xf32, #tpu.memory_space<vmem>> -> memref<125x16xf32, #tpu.memory_space<vmem>>
      %dma_wait3A_278 = arith.constant 0 : i32
      %dma_wait3A_279 = tpu.memref_slice %arg5[%dma_wait3A_274, %dma_wait3A_278] : memref<16x125xi32, #tpu.memory_space<vmem>> -> memref<1x125xi32, #tpu.memory_space<vmem>>
      %dma_wait3A_280 = tpu.memref_squeeze %dma_wait3A_279 : memref<1x125xi32, #tpu.memory_space<vmem>> -> memref<125xi32, #tpu.memory_space<vmem>>
      %dma_wait3A_281 = arith.constant 0 : i32
      %dma_wait3A_282 = arith.constant 0 : i32
      %dma_wait3A_283 = tpu.memref_slice %arg2[%dma_wait3A_281, %dma_wait3A_282] : memref<10000x16xf32, #tpu.memory_space<hbm>> -> memref<10000x16xf32, #tpu.memory_space<hbm>>
      tpu.wait_indirect_dma semaphore(%arg7 : memref<!tpu.dma_semaphore, #tpu.memory_space<semaphore_mem>>) src(%dma_wait3A_283 : memref<10000x16xf32, #tpu.memory_space<hbm>>) dst(%dma_wait3A_277 : memref<125x16xf32, #tpu.memory_space<vmem>>)
      %dma_wait3A_284 = arith.constant 9 : i32
      %dma_wait3A_285 = arith.constant 1125 : i32
      %dma_wait3A_286 = arith.constant 0 : i32
      %dma_wait3A_287 = tpu.memref_slice %arg6[%dma_wait3A_285, %dma_wait3A_286] : memref<2000x16xf32, #tpu.memory_space<vmem>> -> memref<125x16xf32, #tpu.memory_space<vmem>>
      %dma_wait3A_288 = arith.constant 0 : i32
      %dma_wait3A_289 = tpu.memref_slice %arg5[%dma_wait3A_284, %dma_wait3A_288] : memref<16x125xi32, #tpu.memory_space<vmem>> -> memref<1x125xi32, #tpu.memory_space<vmem>>
      %dma_wait3A_290 = tpu.memref_squeeze %dma_wait3A_289 : memref<1x125xi32, #tpu.memory_space<vmem>> -> memref<125xi32, #tpu.memory_space<vmem>>
      %dma_wait3A_291 = arith.constant 0 : i32
      %dma_wait3A_292 = arith.constant 0 : i32
      %dma_wait3A_293 = tpu.memref_slice %arg2[%dma_wait3A_291, %dma_wait3A_292] : memref<10000x16xf32, #tpu.memory_space<hbm>> -> memref<10000x16xf32, #tpu.memory_space<hbm>>
      tpu.wait_indirect_dma semaphore(%arg7 : memref<!tpu.dma_semaphore, #tpu.memory_space<semaphore_mem>>) src(%dma_wait3A_293 : memref<10000x16xf32, #tpu.memory_space<hbm>>) dst(%dma_wait3A_287 : memref<125x16xf32, #tpu.memory_space<vmem>>)
      %dma_wait3A_294 = arith.constant 10 : i32
      %dma_wait3A_295 = arith.constant 1250 : i32
      %dma_wait3A_296 = arith.constant 0 : i32
      %dma_wait3A_297 = tpu.memref_slice %arg6[%dma_wait3A_295, %dma_wait3A_296] : memref<2000x16xf32, #tpu.memory_space<vmem>> -> memref<125x16xf32, #tpu.memory_space<vmem>>
      %dma_wait3A_298 = arith.constant 0 : i32
      %dma_wait3A_299 = tpu.memref_slice %arg5[%dma_wait3A_294, %dma_wait3A_298] : memref<16x125xi32, #tpu.memory_space<vmem>> -> memref<1x125xi32, #tpu.memory_space<vmem>>
      %dma_wait3A_300 = tpu.memref_squeeze %dma_wait3A_299 : memref<1x125xi32, #tpu.memory_space<vmem>> -> memref<125xi32, #tpu.memory_space<vmem>>
      %dma_wait3A_301 = arith.constant 0 : i32
      %dma_wait3A_302 = arith.constant 0 : i32
      %dma_wait3A_303 = tpu.memref_slice %arg2[%dma_wait3A_301, %dma_wait3A_302] : memref<10000x16xf32, #tpu.memory_space<hbm>> -> memref<10000x16xf32, #tpu.memory_space<hbm>>
      tpu.wait_indirect_dma semaphore(%arg7 : memref<!tpu.dma_semaphore, #tpu.memory_space<semaphore_mem>>) src(%dma_wait3A_303 : memref<10000x16xf32, #tpu.memory_space<hbm>>) dst(%dma_wait3A_297 : memref<125x16xf32, #tpu.memory_space<vmem>>)
      %dma_wait3A_304 = arith.constant 11 : i32
      %dma_wait3A_305 = arith.constant 1375 : i32
      %dma_wait3A_306 = arith.constant 0 : i32
      %dma_wait3A_307 = tpu.memref_slice %arg6[%dma_wait3A_305, %dma_wait3A_306] : memref<2000x16xf32, #tpu.memory_space<vmem>> -> memref<125x16xf32, #tpu.memory_space<vmem>>
      %dma_wait3A_308 = arith.constant 0 : i32
      %dma_wait3A_309 = tpu.memref_slice %arg5[%dma_wait3A_304, %dma_wait3A_308] : memref<16x125xi32, #tpu.memory_space<vmem>> -> memref<1x125xi32, #tpu.memory_space<vmem>>
      %dma_wait3A_310 = tpu.memref_squeeze %dma_wait3A_309 : memref<1x125xi32, #tpu.memory_space<vmem>> -> memref<125xi32, #tpu.memory_space<vmem>>
      %dma_wait3A_311 = arith.constant 0 : i32
      %dma_wait3A_312 = arith.constant 0 : i32
      %dma_wait3A_313 = tpu.memref_slice %arg2[%dma_wait3A_311, %dma_wait3A_312] : memref<10000x16xf32, #tpu.memory_space<hbm>> -> memref<10000x16xf32, #tpu.memory_space<hbm>>
      tpu.wait_indirect_dma semaphore(%arg7 : memref<!tpu.dma_semaphore, #tpu.memory_space<semaphore_mem>>) src(%dma_wait3A_313 : memref<10000x16xf32, #tpu.memory_space<hbm>>) dst(%dma_wait3A_307 : memref<125x16xf32, #tpu.memory_space<vmem>>)
      %dma_wait3A_314 = arith.constant 12 : i32
      %dma_wait3A_315 = arith.constant 1500 : i32
      %dma_wait3A_316 = arith.constant 0 : i32
      %dma_wait3A_317 = tpu.memref_slice %arg6[%dma_wait3A_315, %dma_wait3A_316] : memref<2000x16xf32, #tpu.memory_space<vmem>> -> memref<125x16xf32, #tpu.memory_space<vmem>>
      %dma_wait3A_318 = arith.constant 0 : i32
      %dma_wait3A_319 = tpu.memref_slice %arg5[%dma_wait3A_314, %dma_wait3A_318] : memref<16x125xi32, #tpu.memory_space<vmem>> -> memref<1x125xi32, #tpu.memory_space<vmem>>
      %dma_wait3A_320 = tpu.memref_squeeze %dma_wait3A_319 : memref<1x125xi32, #tpu.memory_space<vmem>> -> memref<125xi32, #tpu.memory_space<vmem>>
      %dma_wait3A_321 = arith.constant 0 : i32
      %dma_wait3A_322 = arith.constant 0 : i32
      %dma_wait3A_323 = tpu.memref_slice %arg2[%dma_wait3A_321, %dma_wait3A_322] : memref<10000x16xf32, #tpu.memory_space<hbm>> -> memref<10000x16xf32, #tpu.memory_space<hbm>>
      tpu.wait_indirect_dma semaphore(%arg7 : memref<!tpu.dma_semaphore, #tpu.memory_space<semaphore_mem>>) src(%dma_wait3A_323 : memref<10000x16xf32, #tpu.memory_space<hbm>>) dst(%dma_wait3A_317 : memref<125x16xf32, #tpu.memory_space<vmem>>)
      %dma_wait3A_324 = arith.constant 13 : i32
      %dma_wait3A_325 = arith.constant 1625 : i32
      %dma_wait3A_326 = arith.constant 0 : i32
      %dma_wait3A_327 = tpu.memref_slice %arg6[%dma_wait3A_325, %dma_wait3A_326] : memref<2000x16xf32, #tpu.memory_space<vmem>> -> memref<125x16xf32, #tpu.memory_space<vmem>>
      %dma_wait3A_328 = arith.constant 0 : i32
      %dma_wait3A_329 = tpu.memref_slice %arg5[%dma_wait3A_324, %dma_wait3A_328] : memref<16x125xi32, #tpu.memory_space<vmem>> -> memref<1x125xi32, #tpu.memory_space<vmem>>
      %dma_wait3A_330 = tpu.memref_squeeze %dma_wait3A_329 : memref<1x125xi32, #tpu.memory_space<vmem>> -> memref<125xi32, #tpu.memory_space<vmem>>
      %dma_wait3A_331 = arith.constant 0 : i32
      %dma_wait3A_332 = arith.constant 0 : i32
      %dma_wait3A_333 = tpu.memref_slice %arg2[%dma_wait3A_331, %dma_wait3A_332] : memref<10000x16xf32, #tpu.memory_space<hbm>> -> memref<10000x16xf32, #tpu.memory_space<hbm>>
      tpu.wait_indirect_dma semaphore(%arg7 : memref<!tpu.dma_semaphore, #tpu.memory_space<semaphore_mem>>) src(%dma_wait3A_333 : memref<10000x16xf32, #tpu.memory_space<hbm>>) dst(%dma_wait3A_327 : memref<125x16xf32, #tpu.memory_space<vmem>>)
      %dma_wait3A_334 = arith.constant 14 : i32
      %dma_wait3A_335 = arith.constant 1750 : i32
      %dma_wait3A_336 = arith.constant 0 : i32
      %dma_wait3A_337 = tpu.memref_slice %arg6[%dma_wait3A_335, %dma_wait3A_336] : memref<2000x16xf32, #tpu.memory_space<vmem>> -> memref<125x16xf32, #tpu.memory_space<vmem>>
      %dma_wait3A_338 = arith.constant 0 : i32
      %dma_wait3A_339 = tpu.memref_slice %arg5[%dma_wait3A_334, %dma_wait3A_338] : memref<16x125xi32, #tpu.memory_space<vmem>> -> memref<1x125xi32, #tpu.memory_space<vmem>>
      %dma_wait3A_340 = tpu.memref_squeeze %dma_wait3A_339 : memref<1x125xi32, #tpu.memory_space<vmem>> -> memref<125xi32, #tpu.memory_space<vmem>>
      %dma_wait3A_341 = arith.constant 0 : i32
      %dma_wait3A_342 = arith.constant 0 : i32
      %dma_wait3A_343 = tpu.memref_slice %arg2[%dma_wait3A_341, %dma_wait3A_342] : memref<10000x16xf32, #tpu.memory_space<hbm>> -> memref<10000x16xf32, #tpu.memory_space<hbm>>
      tpu.wait_indirect_dma semaphore(%arg7 : memref<!tpu.dma_semaphore, #tpu.memory_space<semaphore_mem>>) src(%dma_wait3A_343 : memref<10000x16xf32, #tpu.memory_space<hbm>>) dst(%dma_wait3A_337 : memref<125x16xf32, #tpu.memory_space<vmem>>)
      %dma_wait3A_344 = arith.constant 15 : i32
      %dma_wait3A_345 = arith.constant 1875 : i32
      %dma_wait3A_346 = arith.constant 0 : i32
      %dma_wait3A_347 = tpu.memref_slice %arg6[%dma_wait3A_345, %dma_wait3A_346] : memref<2000x16xf32, #tpu.memory_space<vmem>> -> memref<125x16xf32, #tpu.memory_space<vmem>>
      %dma_wait3A_348 = arith.constant 0 : i32
      %dma_wait3A_349 = tpu.memref_slice %arg5[%dma_wait3A_344, %dma_wait3A_348] : memref<16x125xi32, #tpu.memory_space<vmem>> -> memref<1x125xi32, #tpu.memory_space<vmem>>
      %dma_wait3A_350 = tpu.memref_squeeze %dma_wait3A_349 : memref<1x125xi32, #tpu.memory_space<vmem>> -> memref<125xi32, #tpu.memory_space<vmem>>
      %dma_wait3A_351 = arith.constant 0 : i32
      %dma_wait3A_352 = arith.constant 0 : i32
      %dma_wait3A_353 = tpu.memref_slice %arg2[%dma_wait3A_351, %dma_wait3A_352] : memref<10000x16xf32, #tpu.memory_space<hbm>> -> memref<10000x16xf32, #tpu.memory_space<hbm>>
      tpu.wait_indirect_dma semaphore(%arg7 : memref<!tpu.dma_semaphore, #tpu.memory_space<semaphore_mem>>) src(%dma_wait3A_353 : memref<10000x16xf32, #tpu.memory_space<hbm>>) dst(%dma_wait3A_347 : memref<125x16xf32, #tpu.memory_space<vmem>>)
      "tpu.region"() ({
        %run_scoped3A = tpu.sem_alloc : memref<!tpu.dma_semaphore, #tpu.memory_space<semaphore_mem>>
        %dma_start3A_355 = arith.constant 0 : i32
        %dma_start3A_356 = tpu.memref_slice %arg4[%multiple_of3A, %dma_start3A_355] : memref<320000x16xf32, #tpu.memory_space<hbm>> -> memref<2000x16xf32, #tpu.memory_space<hbm>>
        %dma_start3A_357 = arith.constant 0 : i32
        %dma_start3A_358 = tpu.memref_slice %arg4[%multiple_of3A, %dma_start3A_357] : memref<320000x16xf32, #tpu.memory_space<hbm>> -> memref<2000x16xf32, #tpu.memory_space<hbm>>
        tpu.enqueue_dma source(%arg6 : memref<2000x16xf32, #tpu.memory_space<vmem>>) target(%dma_start3A_358 : memref<2000x16xf32, #tpu.memory_space<hbm>>) target_semaphore(%run_scoped3A : memref<!tpu.dma_semaphore, #tpu.memory_space<semaphore_mem>>)
        %dma_wait3A_359 = arith.constant 0 : i32
        %dma_wait3A_360 = tpu.memref_slice %arg4[%multiple_of3A, %dma_wait3A_359] : memref<320000x16xf32, #tpu.memory_space<hbm>> -> memref<2000x16xf32, #tpu.memory_space<hbm>>
        %dma_wait3A_361 = arith.constant 0 : i32
        %dma_wait3A_362 = tpu.memref_slice %arg4[%multiple_of3A, %dma_wait3A_361] : memref<320000x16xf32, #tpu.memory_space<hbm>> -> memref<2000x16xf32, #tpu.memory_space<hbm>>
        tpu.wait_dma2 semaphore(%run_scoped3A : memref<!tpu.dma_semaphore, #tpu.memory_space<semaphore_mem>>) src(%arg6 : memref<2000x16xf32, #tpu.memory_space<vmem>>) dst(%dma_wait3A_362 : memref<2000x16xf32, #tpu.memory_space<hbm>>)
        tpu.yield
      }) : () -> ()
      %scan3A_354 = arith.constant 0 : i32
      scf.yield %scan3A_354 : i32
    }
    %scan3A_6 = arith.constant 5 : i32
    return
  }
}

#map = affine_map<(d0, d1) -> (0)>
#map1 = affine_map<(d0, d1) -> (0, 0)>
module attributes {stable_mosaic.version = 14 : i64} {
  func.func @_sc_counts_body(%arg0: i32, %arg1: i32, %arg2: memref<320000xi32, #tpu.memory_space<hbm>>, %arg3: memref<32x10240xf32, #tpu.memory_space<hbm>>, %arg4: memref<10000xi32, #tpu.memory_space<vmem>>, %arg5: memref<10240xf32, #tpu.memory_space<vmem>>) attributes {dimension_semantics = [#tpu.dimension_semantics<core_parallel>, #tpu.dimension_semantics<subcore_parallel>], iteration_bounds = array<i64: 2, 16>, scalar_prefetch = 0 : i64, scratch_operands = 2 : i64, tpu.core_type = #tpu.core_type<sc_vector_subcore>, window_params = [{transform_indices = #map}, {transform_indices = #map1}]} {
    %mul3A = arith.constant 2 : i32
    %mul3A_0 = arith.muli %arg1, %mul3A : i32
    %add3A = arith.addi %mul3A_0, %arg0 : i32
    %mul3A_1 = arith.constant 10000 : i32
    %mul3A_2 = arith.muli %add3A, %mul3A_1 : i32
    %multiple_of3A = tpu.assume_multiple %mul3A_2, 8 : i32
    "tpu.region"() ({
      %run_scoped3A = tpu.sem_alloc : memref<!tpu.dma_semaphore, #tpu.memory_space<semaphore_mem>>
      %dma_start3A = tpu.memref_slice %arg2[%multiple_of3A] : memref<320000xi32, #tpu.memory_space<hbm>> -> memref<10000xi32, #tpu.memory_space<hbm>>
      %dma_start3A_19 = tpu.memref_slice %arg2[%multiple_of3A] : memref<320000xi32, #tpu.memory_space<hbm>> -> memref<10000xi32, #tpu.memory_space<hbm>>
      tpu.enqueue_dma source(%dma_start3A_19 : memref<10000xi32, #tpu.memory_space<hbm>>) target(%arg4 : memref<10000xi32, #tpu.memory_space<vmem>>) target_semaphore(%run_scoped3A : memref<!tpu.dma_semaphore, #tpu.memory_space<semaphore_mem>>)
      %dma_wait3A = tpu.memref_slice %arg2[%multiple_of3A] : memref<320000xi32, #tpu.memory_space<hbm>> -> memref<10000xi32, #tpu.memory_space<hbm>>
      %dma_wait3A_20 = tpu.memref_slice %arg2[%multiple_of3A] : memref<320000xi32, #tpu.memory_space<hbm>> -> memref<10000xi32, #tpu.memory_space<hbm>>
      tpu.wait_dma2 semaphore(%run_scoped3A : memref<!tpu.dma_semaphore, #tpu.memory_space<semaphore_mem>>) src(%dma_wait3A_20 : memref<10000xi32, #tpu.memory_space<hbm>>) dst(%arg4 : memref<10000xi32, #tpu.memory_space<vmem>>)
      tpu.yield
    }) : () -> ()
    %broadcast_in_dim3A = arith.constant 0.000000e+00 : f32
    %broadcast_in_dim3A_3 = vector.broadcast %broadcast_in_dim3A : f32 to vector<16xf32>
    %scan3A = arith.constant 0 : i32
    %scan3A_4 = arith.constant 0 : i32
    %scan3A_5 = arith.constant 640 : i32
    %scan3A_6 = arith.addi %scan3A_4, %scan3A_5 : i32
    %scan3A_7 = arith.constant 1 : i32
    %scan3A_8 = scf.for %scan3A_19 = %scan3A_4 to %scan3A_6 step %scan3A_7 iter_args(%scan3A_20 = %scan3A) -> (i32)  : i32 {
      %mul3A_21 = arith.constant 16 : i32
      %mul3A_22 = arith.muli %scan3A_19, %mul3A_21 : i32
      %swap3A = arith.index_cast %mul3A_22 : i32 to index
      %swap3A_23 = tpu.vector_load %arg5[%swap3A] {strides = array<i32>} : memref<10240xf32, #tpu.memory_space<vmem>>, vector<16xf32>,
      tpu.vector_store %arg5[%swap3A], %broadcast_in_dim3A_3 {strides = array<i32>} : memref<10240xf32, #tpu.memory_space<vmem>>, vector<16xf32>,
      %scan3A_24 = arith.constant 0 : i32
      scf.yield %scan3A_24 : i32
    }
    %scan3A_9 = arith.constant 640 : i32
    %broadcast_in_dim3A_10 = arith.constant 1.000000e+00 : f32
    %broadcast_in_dim3A_11 = vector.broadcast %broadcast_in_dim3A_10 : f32 to vector<16xf32>
    %scan3A_12 = arith.constant 0 : i32
    %scan3A_13 = arith.constant 0 : i32
    %scan3A_14 = arith.constant 625 : i32
    %scan3A_15 = arith.addi %scan3A_13, %scan3A_14 : i32
    %scan3A_16 = arith.constant 1 : i32
    %scan3A_17 = scf.for %scan3A_19 = %scan3A_13 to %scan3A_15 step %scan3A_16 iter_args(%scan3A_20 = %scan3A_12) -> (i32)  : i32 {
      %mul3A_21 = arith.constant 16 : i32
      %mul3A_22 = arith.muli %scan3A_19, %mul3A_21 : i32
      %get3A = arith.index_cast %mul3A_22 : i32 to index
      %get3A_23 = tpu.vector_load %arg4[%get3A] {strides = array<i32>} : memref<10000xi32, #tpu.memory_space<vmem>>, vector<16xi32>,
      tpu.vector_store_idx %arg5[%get3A_23], %broadcast_in_dim3A_11 {add = true} : memref<10240xf32, #tpu.memory_space<vmem>>[vector<16xi32>], vector<16xf32>,
      %scan3A_24 = arith.constant 0 : i32
      scf.yield %scan3A_24 : i32
    }
    %scan3A_18 = arith.constant 625 : i32
    "tpu.region"() ({
      %run_scoped3A = tpu.sem_alloc : memref<!tpu.dma_semaphore, #tpu.memory_space<semaphore_mem>>
      %dma_start3A = arith.constant 0 : i32
      %dma_start3A_19 = tpu.memref_slice %arg3[%add3A, %dma_start3A] : memref<32x10240xf32, #tpu.memory_space<hbm>> -> memref<1x10240xf32, #tpu.memory_space<hbm>>
      %dma_start3A_20 = tpu.memref_squeeze %dma_start3A_19 : memref<1x10240xf32, #tpu.memory_space<hbm>> -> memref<10240xf32, #tpu.memory_space<hbm>>
      %dma_start3A_21 = arith.constant 0 : i32
      %dma_start3A_22 = tpu.memref_slice %arg3[%add3A, %dma_start3A_21] : memref<32x10240xf32, #tpu.memory_space<hbm>> -> memref<1x10240xf32, #tpu.memory_space<hbm>>
      %dma_start3A_23 = tpu.memref_squeeze %dma_start3A_22 : memref<1x10240xf32, #tpu.memory_space<hbm>> -> memref<10240xf32, #tpu.memory_space<hbm>>
      tpu.enqueue_dma source(%arg5 : memref<10240xf32, #tpu.memory_space<vmem>>) target(%dma_start3A_23 : memref<10240xf32, #tpu.memory_space<hbm>>) target_semaphore(%run_scoped3A : memref<!tpu.dma_semaphore, #tpu.memory_space<semaphore_mem>>)
      %dma_wait3A = arith.constant 0 : i32
      %dma_wait3A_24 = tpu.memref_slice %arg3[%add3A, %dma_wait3A] : memref<32x10240xf32, #tpu.memory_space<hbm>> -> memref<1x10240xf32, #tpu.memory_space<hbm>>
      %dma_wait3A_25 = tpu.memref_squeeze %dma_wait3A_24 : memref<1x10240xf32, #tpu.memory_space<hbm>> -> memref<10240xf32, #tpu.memory_space<hbm>>
      %dma_wait3A_26 = arith.constant 0 : i32
      %dma_wait3A_27 = tpu.memref_slice %arg3[%add3A, %dma_wait3A_26] : memref<32x10240xf32, #tpu.memory_space<hbm>> -> memref<1x10240xf32, #tpu.memory_space<hbm>>
      %dma_wait3A_28 = tpu.memref_squeeze %dma_wait3A_27 : memref<1x10240xf32, #tpu.memory_space<hbm>> -> memref<10240xf32, #tpu.memory_space<hbm>>
      tpu.wait_dma2 semaphore(%run_scoped3A : memref<!tpu.dma_semaphore, #tpu.memory_space<semaphore_mem>>) src(%arg5 : memref<10240xf32, #tpu.memory_space<vmem>>) dst(%dma_wait3A_28 : memref<10240xf32, #tpu.memory_space<hbm>>)
      tpu.yield
    }) : () -> ()
    return
  }
}

#map = affine_map<(d0, d1) -> (0, 0)>
#map1 = affine_map<(d0, d1) -> (0, 0, 0)>
module attributes {stable_mosaic.version = 14 : i64} {
  func.func @_sc_scatter_body(%arg0: i32, %arg1: i32, %arg2: memref<320000x16xf32, #tpu.memory_space<hbm>>, %arg3: memref<2560x125xi32, #tpu.memory_space<hbm>>, %arg4: memref<10240x16xf32, #tpu.memory_space<hbm>>, %arg5: memref<2x10240x16xf32, #tpu.memory_space<hbm>>, %arg6: memref<16x125xi32, #tpu.memory_space<vmem>>, %arg7: memref<2000x16xf32, #tpu.memory_space<vmem>>, %arg8: memref<10240x16xf32, #tpu.memory_space<vmem_shared>>) attributes {dimension_semantics = [#tpu.dimension_semantics<core_parallel>, #tpu.dimension_semantics<subcore_parallel>], iteration_bounds = array<i64: 2, 16>, scalar_prefetch = 0 : i64, scratch_operands = 3 : i64, tpu.core_type = #tpu.core_type<sc_vector_subcore>, window_params = [{transform_indices = #map}, {transform_indices = #map}, {transform_indices = #map}, {transform_indices = #map1}]} {
    %mul3A = arith.constant 2 : i32
    %mul3A_0 = arith.muli %arg1, %mul3A : i32
    %add3A = arith.addi %mul3A_0, %arg0 : i32
    %eq3A = arith.constant 0 : i32
    %eq3A_1 = arith.cmpi eq, %arg1, %eq3A : i32
    %convert_element_type3A = arith.extui %eq3A_1 : i1 to i32
    %cond3A = arith.constant 0 : i32
    %cond3A_2 = arith.cmpi ne, %convert_element_type3A, %cond3A : i32
    scf.if %cond3A_2 {
      "tpu.region"() ({
        %run_scoped3A = tpu.sem_alloc : memref<!tpu.dma_semaphore, #tpu.memory_space<semaphore_mem>>
        tpu.enqueue_dma source(%arg4 : memref<10240x16xf32, #tpu.memory_space<hbm>>) target(%arg8 : memref<10240x16xf32, #tpu.memory_space<vmem_shared>>) target_semaphore(%run_scoped3A : memref<!tpu.dma_semaphore, #tpu.memory_space<semaphore_mem>>)
        tpu.wait_dma2 semaphore(%run_scoped3A : memref<!tpu.dma_semaphore, #tpu.memory_space<semaphore_mem>>) src(%arg4 : memref<10240x16xf32, #tpu.memory_space<hbm>>) dst(%arg8 : memref<10240x16xf32, #tpu.memory_space<vmem_shared>>)
        tpu.yield
      }) : () -> ()
    } else {
    }
    %barrier3A = arith.constant 0 : index
    tpu.barrier barrier_id(%barrier3A)
    %scan3A = arith.constant 0 : i32
    %scan3A_3 = arith.constant 0 : i32
    %scan3A_4 = arith.constant 5 : i32
    %scan3A_5 = arith.addi %scan3A_3, %scan3A_4 : i32
    %scan3A_6 = arith.constant 1 : i32
    %scan3A_7 = scf.for %scan3A_15 = %scan3A_3 to %scan3A_5 step %scan3A_6 iter_args(%scan3A_16 = %scan3A) -> (i32)  : i32 {
      %mul3A_17 = arith.constant 10000 : i32
      %mul3A_18 = arith.muli %add3A, %mul3A_17 : i32
      %mul3A_19 = arith.constant 2000 : i32
      %mul3A_20 = arith.muli %scan3A_15, %mul3A_19 : i32
      %add3A_21 = arith.addi %mul3A_18, %mul3A_20 : i32
      %multiple_of3A = tpu.assume_multiple %add3A_21, 8 : i32
      %mul3A_22 = arith.constant 10000 : i32
      %mul3A_23 = arith.muli %add3A, %mul3A_22 : i32
      %mul3A_24 = arith.constant 2000 : i32
      %mul3A_25 = arith.muli %scan3A_15, %mul3A_24 : i32
      %add3A_26 = arith.addi %mul3A_23, %mul3A_25 : i32
      %jit3A = arith.constant 125 : i32
      %div3A = arith.divsi %add3A_26, %jit3A : i32
      %sign3A = arith.constant 0 : i32
      %sign3A_27 = arith.cmpi sgt, %add3A_26, %sign3A : i32
      %sign3A_28 = arith.extui %sign3A_27 : i1 to i32
      %sign3A_29 = arith.constant 0 : i32
      %sign3A_30 = arith.cmpi slt, %add3A_26, %sign3A_29 : i32
      %sign3A_31 = arith.extui %sign3A_30 : i1 to i32
      %sign3A_32 = arith.subi %sign3A_28, %sign3A_31 : i32
      %sign3A_33 = arith.constant 0 : i32
      %sign3A_34 = arith.cmpi sgt, %jit3A, %sign3A_33 : i32
      %sign3A_35 = arith.extui %sign3A_34 : i1 to i32
      %sign3A_36 = arith.constant 0 : i32
      %sign3A_37 = arith.cmpi slt, %jit3A, %sign3A_36 : i32
      %sign3A_38 = arith.extui %sign3A_37 : i1 to i32
      %sign3A_39 = arith.subi %sign3A_35, %sign3A_38 : i32
      %ne3A = arith.cmpi ne, %sign3A_32, %sign3A_39 : i32
      %rem3A = arith.remsi %add3A_26, %jit3A : i32
      %ne3A_40 = arith.constant 0 : i32
      %ne3A_41 = arith.cmpi ne, %rem3A, %ne3A_40 : i32
      %and3A = arith.andi %ne3A, %ne3A_41 : i1
      %sub3A = arith.constant 1 : i32
      %sub3A_42 = arith.subi %div3A, %sub3A : i32
      %select_n3A = arith.select %and3A, %sub3A_42, %div3A : i32
      %multiple_of3A_43 = tpu.assume_multiple %select_n3A, 16 : i32
      "tpu.region"() ({
        %run_scoped3A_60 = tpu.sem_alloc : memref<!tpu.dma_semaphore, #tpu.memory_space<semaphore_mem>>
        %dma_start3A = arith.constant 0 : i32
        %dma_start3A_61 = tpu.memref_slice %arg3[%multiple_of3A_43, %dma_start3A] : memref<2560x125xi32, #tpu.memory_space<hbm>> -> memref<16x125xi32, #tpu.memory_space<hbm>>
        %dma_start3A_62 = arith.constant 0 : i32
        %dma_start3A_63 = tpu.memref_slice %arg3[%multiple_of3A_43, %dma_start3A_62] : memref<2560x125xi32, #tpu.memory_space<hbm>> -> memref<16x125xi32, #tpu.memory_space<hbm>>
        tpu.enqueue_dma source(%dma_start3A_63 : memref<16x125xi32, #tpu.memory_space<hbm>>) target(%arg6 : memref<16x125xi32, #tpu.memory_space<vmem>>) target_semaphore(%run_scoped3A_60 : memref<!tpu.dma_semaphore, #tpu.memory_space<semaphore_mem>>)
        %dma_wait3A = arith.constant 0 : i32
        %dma_wait3A_64 = tpu.memref_slice %arg3[%multiple_of3A_43, %dma_wait3A] : memref<2560x125xi32, #tpu.memory_space<hbm>> -> memref<16x125xi32, #tpu.memory_space<hbm>>
        %dma_wait3A_65 = arith.constant 0 : i32
        %dma_wait3A_66 = tpu.memref_slice %arg3[%multiple_of3A_43, %dma_wait3A_65] : memref<2560x125xi32, #tpu.memory_space<hbm>> -> memref<16x125xi32, #tpu.memory_space<hbm>>
        tpu.wait_dma2 semaphore(%run_scoped3A_60 : memref<!tpu.dma_semaphore, #tpu.memory_space<semaphore_mem>>) src(%dma_wait3A_66 : memref<16x125xi32, #tpu.memory_space<hbm>>) dst(%arg6 : memref<16x125xi32, #tpu.memory_space<vmem>>)
        tpu.yield
      }) : () -> ()
      "tpu.region"() ({
        %run_scoped3A_60 = tpu.sem_alloc : memref<!tpu.dma_semaphore, #tpu.memory_space<semaphore_mem>>
        %dma_start3A = arith.constant 0 : i32
        %dma_start3A_61 = tpu.memref_slice %arg2[%multiple_of3A, %dma_start3A] : memref<320000x16xf32, #tpu.memory_space<hbm>> -> memref<2000x16xf32, #tpu.memory_space<hbm>>
        %dma_start3A_62 = arith.constant 0 : i32
        %dma_start3A_63 = tpu.memref_slice %arg2[%multiple_of3A, %dma_start3A_62] : memref<320000x16xf32, #tpu.memory_space<hbm>> -> memref<2000x16xf32, #tpu.memory_space<hbm>>
        tpu.enqueue_dma source(%dma_start3A_63 : memref<2000x16xf32, #tpu.memory_space<hbm>>) target(%arg7 : memref<2000x16xf32, #tpu.memory_space<vmem>>) target_semaphore(%run_scoped3A_60 : memref<!tpu.dma_semaphore, #tpu.memory_space<semaphore_mem>>)
        %dma_wait3A = arith.constant 0 : i32
        %dma_wait3A_64 = tpu.memref_slice %arg2[%multiple_of3A, %dma_wait3A] : memref<320000x16xf32, #tpu.memory_space<hbm>> -> memref<2000x16xf32, #tpu.memory_space<hbm>>
        %dma_wait3A_65 = arith.constant 0 : i32
        %dma_wait3A_66 = tpu.memref_slice %arg2[%multiple_of3A, %dma_wait3A_65] : memref<320000x16xf32, #tpu.memory_space<hbm>> -> memref<2000x16xf32, #tpu.memory_space<hbm>>
        tpu.wait_dma2 semaphore(%run_scoped3A_60 : memref<!tpu.dma_semaphore, #tpu.memory_space<semaphore_mem>>) src(%dma_wait3A_66 : memref<2000x16xf32, #tpu.memory_space<hbm>>) dst(%arg7 : memref<2000x16xf32, #tpu.memory_space<vmem>>)
        tpu.yield
      }) : () -> ()
      %run_scoped3A = arith.constant 0 : i32
      "tpu.region"() ({
        %run_scoped3A_60 = tpu.sem_alloc : memref<!tpu.dma_semaphore, #tpu.memory_space<semaphore_mem>>
        %dma_start3A = arith.constant 0 : i32
        %dma_start3A_61 = arith.constant 0 : i32
        %dma_start3A_62 = tpu.memref_slice %arg7[%dma_start3A, %dma_start3A_61] : memref<2000x16xf32, #tpu.memory_space<vmem>> -> memref<125x16xf32, #tpu.memory_space<vmem>>
        %dma_start3A_63 = arith.constant 0 : i32
        %dma_start3A_64 = tpu.memref_slice %arg6[%run_scoped3A, %dma_start3A_63] : memref<16x125xi32, #tpu.memory_space<vmem>> -> memref<1x125xi32, #tpu.memory_space<vmem>>
        %dma_start3A_65 = tpu.memref_squeeze %dma_start3A_64 : memref<1x125xi32, #tpu.memory_space<vmem>> -> memref<125xi32, #tpu.memory_space<vmem>>
        %dma_start3A_66 = arith.constant 0 : i32
        %dma_start3A_67 = arith.constant 0 : i32
        %dma_start3A_68 = tpu.memref_slice %arg8[%dma_start3A_66, %dma_start3A_67] : memref<10240x16xf32, #tpu.memory_space<vmem_shared>> -> memref<10240x16xf32, #tpu.memory_space<vmem_shared>>
        tpu.enqueue_indirect_dma source(%dma_start3A_62 : memref<125x16xf32, #tpu.memory_space<vmem>>) target(%dma_start3A_68 : memref<10240x16xf32, #tpu.memory_space<vmem_shared>>) offsets(%dma_start3A_65 : memref<125xi32, #tpu.memory_space<vmem>>) semaphore(%run_scoped3A_60 : memref<!tpu.dma_semaphore, #tpu.memory_space<semaphore_mem>>) {add = true}
        %dma_wait3A = arith.constant 0 : i32
        %dma_wait3A_69 = arith.constant 0 : i32
        %dma_wait3A_70 = tpu.memref_slice %arg7[%dma_wait3A, %dma_wait3A_69] : memref<2000x16xf32, #tpu.memory_space<vmem>> -> memref<125x16xf32, #tpu.memory_space<vmem>>
        %dma_wait3A_71 = arith.constant 0 : i32
        %dma_wait3A_72 = tpu.memref_slice %arg6[%run_scoped3A, %dma_wait3A_71] : memref<16x125xi32, #tpu.memory_space<vmem>> -> memref<1x125xi32, #tpu.memory_space<vmem>>
        %dma_wait3A_73 = tpu.memref_squeeze %dma_wait3A_72 : memref<1x125xi32, #tpu.memory_space<vmem>> -> memref<125xi32, #tpu.memory_space<vmem>>
        %dma_wait3A_74 = arith.constant 0 : i32
        %dma_wait3A_75 = arith.constant 0 : i32
        %dma_wait3A_76 = tpu.memref_slice %arg8[%dma_wait3A_74, %dma_wait3A_75] : memref<10240x16xf32, #tpu.memory_space<vmem_shared>> -> memref<10240x16xf32, #tpu.memory_space<vmem_shared>>
        tpu.wait_indirect_dma semaphore(%run_scoped3A_60 : memref<!tpu.dma_semaphore, #tpu.memory_space<semaphore_mem>>) src(%dma_wait3A_70 : memref<125x16xf32, #tpu.memory_space<vmem>>) dst(%dma_wait3A_76 : memref<10240x16xf32, #tpu.memory_space<vmem_shared>>)
        tpu.yield
      }) : () -> ()
      %run_scoped3A_44 = arith.constant 1 : i32
      "tpu.region"() ({
        %run_scoped3A_60 = tpu.sem_alloc : memref<!tpu.dma_semaphore, #tpu.memory_space<semaphore_mem>>
        %dma_start3A = arith.constant 125 : i32
        %dma_start3A_61 = arith.constant 0 : i32
        %dma_start3A_62 = tpu.memref_slice %arg7[%dma_start3A, %dma_start3A_61] : memref<2000x16xf32, #tpu.memory_space<vmem>> -> memref<125x16xf32, #tpu.memory_space<vmem>>
        %dma_start3A_63 = arith.constant 0 : i32
        %dma_start3A_64 = tpu.memref_slice %arg6[%run_scoped3A_44, %dma_start3A_63] : memref<16x125xi32, #tpu.memory_space<vmem>> -> memref<1x125xi32, #tpu.memory_space<vmem>>
        %dma_start3A_65 = tpu.memref_squeeze %dma_start3A_64 : memref<1x125xi32, #tpu.memory_space<vmem>> -> memref<125xi32, #tpu.memory_space<vmem>>
        %dma_start3A_66 = arith.constant 0 : i32
        %dma_start3A_67 = arith.constant 0 : i32
        %dma_start3A_68 = tpu.memref_slice %arg8[%dma_start3A_66, %dma_start3A_67] : memref<10240x16xf32, #tpu.memory_space<vmem_shared>> -> memref<10240x16xf32, #tpu.memory_space<vmem_shared>>
        tpu.enqueue_indirect_dma source(%dma_start3A_62 : memref<125x16xf32, #tpu.memory_space<vmem>>) target(%dma_start3A_68 : memref<10240x16xf32, #tpu.memory_space<vmem_shared>>) offsets(%dma_start3A_65 : memref<125xi32, #tpu.memory_space<vmem>>) semaphore(%run_scoped3A_60 : memref<!tpu.dma_semaphore, #tpu.memory_space<semaphore_mem>>) {add = true}
        %dma_wait3A = arith.constant 125 : i32
        %dma_wait3A_69 = arith.constant 0 : i32
        %dma_wait3A_70 = tpu.memref_slice %arg7[%dma_wait3A, %dma_wait3A_69] : memref<2000x16xf32, #tpu.memory_space<vmem>> -> memref<125x16xf32, #tpu.memory_space<vmem>>
        %dma_wait3A_71 = arith.constant 0 : i32
        %dma_wait3A_72 = tpu.memref_slice %arg6[%run_scoped3A_44, %dma_wait3A_71] : memref<16x125xi32, #tpu.memory_space<vmem>> -> memref<1x125xi32, #tpu.memory_space<vmem>>
        %dma_wait3A_73 = tpu.memref_squeeze %dma_wait3A_72 : memref<1x125xi32, #tpu.memory_space<vmem>> -> memref<125xi32, #tpu.memory_space<vmem>>
        %dma_wait3A_74 = arith.constant 0 : i32
        %dma_wait3A_75 = arith.constant 0 : i32
        %dma_wait3A_76 = tpu.memref_slice %arg8[%dma_wait3A_74, %dma_wait3A_75] : memref<10240x16xf32, #tpu.memory_space<vmem_shared>> -> memref<10240x16xf32, #tpu.memory_space<vmem_shared>>
        tpu.wait_indirect_dma semaphore(%run_scoped3A_60 : memref<!tpu.dma_semaphore, #tpu.memory_space<semaphore_mem>>) src(%dma_wait3A_70 : memref<125x16xf32, #tpu.memory_space<vmem>>) dst(%dma_wait3A_76 : memref<10240x16xf32, #tpu.memory_space<vmem_shared>>)
        tpu.yield
      }) : () -> ()
      %run_scoped3A_45 = arith.constant 2 : i32
      "tpu.region"() ({
        %run_scoped3A_60 = tpu.sem_alloc : memref<!tpu.dma_semaphore, #tpu.memory_space<semaphore_mem>>
        %dma_start3A = arith.constant 250 : i32
        %dma_start3A_61 = arith.constant 0 : i32
        %dma_start3A_62 = tpu.memref_slice %arg7[%dma_start3A, %dma_start3A_61] : memref<2000x16xf32, #tpu.memory_space<vmem>> -> memref<125x16xf32, #tpu.memory_space<vmem>>
        %dma_start3A_63 = arith.constant 0 : i32
        %dma_start3A_64 = tpu.memref_slice %arg6[%run_scoped3A_45, %dma_start3A_63] : memref<16x125xi32, #tpu.memory_space<vmem>> -> memref<1x125xi32, #tpu.memory_space<vmem>>
        %dma_start3A_65 = tpu.memref_squeeze %dma_start3A_64 : memref<1x125xi32, #tpu.memory_space<vmem>> -> memref<125xi32, #tpu.memory_space<vmem>>
        %dma_start3A_66 = arith.constant 0 : i32
        %dma_start3A_67 = arith.constant 0 : i32
        %dma_start3A_68 = tpu.memref_slice %arg8[%dma_start3A_66, %dma_start3A_67] : memref<10240x16xf32, #tpu.memory_space<vmem_shared>> -> memref<10240x16xf32, #tpu.memory_space<vmem_shared>>
        tpu.enqueue_indirect_dma source(%dma_start3A_62 : memref<125x16xf32, #tpu.memory_space<vmem>>) target(%dma_start3A_68 : memref<10240x16xf32, #tpu.memory_space<vmem_shared>>) offsets(%dma_start3A_65 : memref<125xi32, #tpu.memory_space<vmem>>) semaphore(%run_scoped3A_60 : memref<!tpu.dma_semaphore, #tpu.memory_space<semaphore_mem>>) {add = true}
        %dma_wait3A = arith.constant 250 : i32
        %dma_wait3A_69 = arith.constant 0 : i32
        %dma_wait3A_70 = tpu.memref_slice %arg7[%dma_wait3A, %dma_wait3A_69] : memref<2000x16xf32, #tpu.memory_space<vmem>> -> memref<125x16xf32, #tpu.memory_space<vmem>>
        %dma_wait3A_71 = arith.constant 0 : i32
        %dma_wait3A_72 = tpu.memref_slice %arg6[%run_scoped3A_45, %dma_wait3A_71] : memref<16x125xi32, #tpu.memory_space<vmem>> -> memref<1x125xi32, #tpu.memory_space<vmem>>
        %dma_wait3A_73 = tpu.memref_squeeze %dma_wait3A_72 : memref<1x125xi32, #tpu.memory_space<vmem>> -> memref<125xi32, #tpu.memory_space<vmem>>
        %dma_wait3A_74 = arith.constant 0 : i32
        %dma_wait3A_75 = arith.constant 0 : i32
        %dma_wait3A_76 = tpu.memref_slice %arg8[%dma_wait3A_74, %dma_wait3A_75] : memref<10240x16xf32, #tpu.memory_space<vmem_shared>> -> memref<10240x16xf32, #tpu.memory_space<vmem_shared>>
        tpu.wait_indirect_dma semaphore(%run_scoped3A_60 : memref<!tpu.dma_semaphore, #tpu.memory_space<semaphore_mem>>) src(%dma_wait3A_70 : memref<125x16xf32, #tpu.memory_space<vmem>>) dst(%dma_wait3A_76 : memref<10240x16xf32, #tpu.memory_space<vmem_shared>>)
        tpu.yield
      }) : () -> ()
      %run_scoped3A_46 = arith.constant 3 : i32
      "tpu.region"() ({
        %run_scoped3A_60 = tpu.sem_alloc : memref<!tpu.dma_semaphore, #tpu.memory_space<semaphore_mem>>
        %dma_start3A = arith.constant 375 : i32
        %dma_start3A_61 = arith.constant 0 : i32
        %dma_start3A_62 = tpu.memref_slice %arg7[%dma_start3A, %dma_start3A_61] : memref<2000x16xf32, #tpu.memory_space<vmem>> -> memref<125x16xf32, #tpu.memory_space<vmem>>
        %dma_start3A_63 = arith.constant 0 : i32
        %dma_start3A_64 = tpu.memref_slice %arg6[%run_scoped3A_46, %dma_start3A_63] : memref<16x125xi32, #tpu.memory_space<vmem>> -> memref<1x125xi32, #tpu.memory_space<vmem>>
        %dma_start3A_65 = tpu.memref_squeeze %dma_start3A_64 : memref<1x125xi32, #tpu.memory_space<vmem>> -> memref<125xi32, #tpu.memory_space<vmem>>
        %dma_start3A_66 = arith.constant 0 : i32
        %dma_start3A_67 = arith.constant 0 : i32
        %dma_start3A_68 = tpu.memref_slice %arg8[%dma_start3A_66, %dma_start3A_67] : memref<10240x16xf32, #tpu.memory_space<vmem_shared>> -> memref<10240x16xf32, #tpu.memory_space<vmem_shared>>
        tpu.enqueue_indirect_dma source(%dma_start3A_62 : memref<125x16xf32, #tpu.memory_space<vmem>>) target(%dma_start3A_68 : memref<10240x16xf32, #tpu.memory_space<vmem_shared>>) offsets(%dma_start3A_65 : memref<125xi32, #tpu.memory_space<vmem>>) semaphore(%run_scoped3A_60 : memref<!tpu.dma_semaphore, #tpu.memory_space<semaphore_mem>>) {add = true}
        %dma_wait3A = arith.constant 375 : i32
        %dma_wait3A_69 = arith.constant 0 : i32
        %dma_wait3A_70 = tpu.memref_slice %arg7[%dma_wait3A, %dma_wait3A_69] : memref<2000x16xf32, #tpu.memory_space<vmem>> -> memref<125x16xf32, #tpu.memory_space<vmem>>
        %dma_wait3A_71 = arith.constant 0 : i32
        %dma_wait3A_72 = tpu.memref_slice %arg6[%run_scoped3A_46, %dma_wait3A_71] : memref<16x125xi32, #tpu.memory_space<vmem>> -> memref<1x125xi32, #tpu.memory_space<vmem>>
        %dma_wait3A_73 = tpu.memref_squeeze %dma_wait3A_72 : memref<1x125xi32, #tpu.memory_space<vmem>> -> memref<125xi32, #tpu.memory_space<vmem>>
        %dma_wait3A_74 = arith.constant 0 : i32
        %dma_wait3A_75 = arith.constant 0 : i32
        %dma_wait3A_76 = tpu.memref_slice %arg8[%dma_wait3A_74, %dma_wait3A_75] : memref<10240x16xf32, #tpu.memory_space<vmem_shared>> -> memref<10240x16xf32, #tpu.memory_space<vmem_shared>>
        tpu.wait_indirect_dma semaphore(%run_scoped3A_60 : memref<!tpu.dma_semaphore, #tpu.memory_space<semaphore_mem>>) src(%dma_wait3A_70 : memref<125x16xf32, #tpu.memory_space<vmem>>) dst(%dma_wait3A_76 : memref<10240x16xf32, #tpu.memory_space<vmem_shared>>)
        tpu.yield
      }) : () -> ()
      %run_scoped3A_47 = arith.constant 4 : i32
      "tpu.region"() ({
        %run_scoped3A_60 = tpu.sem_alloc : memref<!tpu.dma_semaphore, #tpu.memory_space<semaphore_mem>>
        %dma_start3A = arith.constant 500 : i32
        %dma_start3A_61 = arith.constant 0 : i32
        %dma_start3A_62 = tpu.memref_slice %arg7[%dma_start3A, %dma_start3A_61] : memref<2000x16xf32, #tpu.memory_space<vmem>> -> memref<125x16xf32, #tpu.memory_space<vmem>>
        %dma_start3A_63 = arith.constant 0 : i32
        %dma_start3A_64 = tpu.memref_slice %arg6[%run_scoped3A_47, %dma_start3A_63] : memref<16x125xi32, #tpu.memory_space<vmem>> -> memref<1x125xi32, #tpu.memory_space<vmem>>
        %dma_start3A_65 = tpu.memref_squeeze %dma_start3A_64 : memref<1x125xi32, #tpu.memory_space<vmem>> -> memref<125xi32, #tpu.memory_space<vmem>>
        %dma_start3A_66 = arith.constant 0 : i32
        %dma_start3A_67 = arith.constant 0 : i32
        %dma_start3A_68 = tpu.memref_slice %arg8[%dma_start3A_66, %dma_start3A_67] : memref<10240x16xf32, #tpu.memory_space<vmem_shared>> -> memref<10240x16xf32, #tpu.memory_space<vmem_shared>>
        tpu.enqueue_indirect_dma source(%dma_start3A_62 : memref<125x16xf32, #tpu.memory_space<vmem>>) target(%dma_start3A_68 : memref<10240x16xf32, #tpu.memory_space<vmem_shared>>) offsets(%dma_start3A_65 : memref<125xi32, #tpu.memory_space<vmem>>) semaphore(%run_scoped3A_60 : memref<!tpu.dma_semaphore, #tpu.memory_space<semaphore_mem>>) {add = true}
        %dma_wait3A = arith.constant 500 : i32
        %dma_wait3A_69 = arith.constant 0 : i32
        %dma_wait3A_70 = tpu.memref_slice %arg7[%dma_wait3A, %dma_wait3A_69] : memref<2000x16xf32, #tpu.memory_space<vmem>> -> memref<125x16xf32, #tpu.memory_space<vmem>>
        %dma_wait3A_71 = arith.constant 0 : i32
        %dma_wait3A_72 = tpu.memref_slice %arg6[%run_scoped3A_47, %dma_wait3A_71] : memref<16x125xi32, #tpu.memory_space<vmem>> -> memref<1x125xi32, #tpu.memory_space<vmem>>
        %dma_wait3A_73 = tpu.memref_squeeze %dma_wait3A_72 : memref<1x125xi32, #tpu.memory_space<vmem>> -> memref<125xi32, #tpu.memory_space<vmem>>
        %dma_wait3A_74 = arith.constant 0 : i32
        %dma_wait3A_75 = arith.constant 0 : i32
        %dma_wait3A_76 = tpu.memref_slice %arg8[%dma_wait3A_74, %dma_wait3A_75] : memref<10240x16xf32, #tpu.memory_space<vmem_shared>> -> memref<10240x16xf32, #tpu.memory_space<vmem_shared>>
        tpu.wait_indirect_dma semaphore(%run_scoped3A_60 : memref<!tpu.dma_semaphore, #tpu.memory_space<semaphore_mem>>) src(%dma_wait3A_70 : memref<125x16xf32, #tpu.memory_space<vmem>>) dst(%dma_wait3A_76 : memref<10240x16xf32, #tpu.memory_space<vmem_shared>>)
        tpu.yield
      }) : () -> ()
      %run_scoped3A_48 = arith.constant 5 : i32
      "tpu.region"() ({
        %run_scoped3A_60 = tpu.sem_alloc : memref<!tpu.dma_semaphore, #tpu.memory_space<semaphore_mem>>
        %dma_start3A = arith.constant 625 : i32
        %dma_start3A_61 = arith.constant 0 : i32
        %dma_start3A_62 = tpu.memref_slice %arg7[%dma_start3A, %dma_start3A_61] : memref<2000x16xf32, #tpu.memory_space<vmem>> -> memref<125x16xf32, #tpu.memory_space<vmem>>
        %dma_start3A_63 = arith.constant 0 : i32
        %dma_start3A_64 = tpu.memref_slice %arg6[%run_scoped3A_48, %dma_start3A_63] : memref<16x125xi32, #tpu.memory_space<vmem>> -> memref<1x125xi32, #tpu.memory_space<vmem>>
        %dma_start3A_65 = tpu.memref_squeeze %dma_start3A_64 : memref<1x125xi32, #tpu.memory_space<vmem>> -> memref<125xi32, #tpu.memory_space<vmem>>
        %dma_start3A_66 = arith.constant 0 : i32
        %dma_start3A_67 = arith.constant 0 : i32
        %dma_start3A_68 = tpu.memref_slice %arg8[%dma_start3A_66, %dma_start3A_67] : memref<10240x16xf32, #tpu.memory_space<vmem_shared>> -> memref<10240x16xf32, #tpu.memory_space<vmem_shared>>
        tpu.enqueue_indirect_dma source(%dma_start3A_62 : memref<125x16xf32, #tpu.memory_space<vmem>>) target(%dma_start3A_68 : memref<10240x16xf32, #tpu.memory_space<vmem_shared>>) offsets(%dma_start3A_65 : memref<125xi32, #tpu.memory_space<vmem>>) semaphore(%run_scoped3A_60 : memref<!tpu.dma_semaphore, #tpu.memory_space<semaphore_mem>>) {add = true}
        %dma_wait3A = arith.constant 625 : i32
        %dma_wait3A_69 = arith.constant 0 : i32
        %dma_wait3A_70 = tpu.memref_slice %arg7[%dma_wait3A, %dma_wait3A_69] : memref<2000x16xf32, #tpu.memory_space<vmem>> -> memref<125x16xf32, #tpu.memory_space<vmem>>
        %dma_wait3A_71 = arith.constant 0 : i32
        %dma_wait3A_72 = tpu.memref_slice %arg6[%run_scoped3A_48, %dma_wait3A_71] : memref<16x125xi32, #tpu.memory_space<vmem>> -> memref<1x125xi32, #tpu.memory_space<vmem>>
        %dma_wait3A_73 = tpu.memref_squeeze %dma_wait3A_72 : memref<1x125xi32, #tpu.memory_space<vmem>> -> memref<125xi32, #tpu.memory_space<vmem>>
        %dma_wait3A_74 = arith.constant 0 : i32
        %dma_wait3A_75 = arith.constant 0 : i32
        %dma_wait3A_76 = tpu.memref_slice %arg8[%dma_wait3A_74, %dma_wait3A_75] : memref<10240x16xf32, #tpu.memory_space<vmem_shared>> -> memref<10240x16xf32, #tpu.memory_space<vmem_shared>>
        tpu.wait_indirect_dma semaphore(%run_scoped3A_60 : memref<!tpu.dma_semaphore, #tpu.memory_space<semaphore_mem>>) src(%dma_wait3A_70 : memref<125x16xf32, #tpu.memory_space<vmem>>) dst(%dma_wait3A_76 : memref<10240x16xf32, #tpu.memory_space<vmem_shared>>)
        tpu.yield
      }) : () -> ()
      %run_scoped3A_49 = arith.constant 6 : i32
      "tpu.region"() ({
        %run_scoped3A_60 = tpu.sem_alloc : memref<!tpu.dma_semaphore, #tpu.memory_space<semaphore_mem>>
        %dma_start3A = arith.constant 750 : i32
        %dma_start3A_61 = arith.constant 0 : i32
        %dma_start3A_62 = tpu.memref_slice %arg7[%dma_start3A, %dma_start3A_61] : memref<2000x16xf32, #tpu.memory_space<vmem>> -> memref<125x16xf32, #tpu.memory_space<vmem>>
        %dma_start3A_63 = arith.constant 0 : i32
        %dma_start3A_64 = tpu.memref_slice %arg6[%run_scoped3A_49, %dma_start3A_63] : memref<16x125xi32, #tpu.memory_space<vmem>> -> memref<1x125xi32, #tpu.memory_space<vmem>>
        %dma_start3A_65 = tpu.memref_squeeze %dma_start3A_64 : memref<1x125xi32, #tpu.memory_space<vmem>> -> memref<125xi32, #tpu.memory_space<vmem>>
        %dma_start3A_66 = arith.constant 0 : i32
        %dma_start3A_67 = arith.constant 0 : i32
        %dma_start3A_68 = tpu.memref_slice %arg8[%dma_start3A_66, %dma_start3A_67] : memref<10240x16xf32, #tpu.memory_space<vmem_shared>> -> memref<10240x16xf32, #tpu.memory_space<vmem_shared>>
        tpu.enqueue_indirect_dma source(%dma_start3A_62 : memref<125x16xf32, #tpu.memory_space<vmem>>) target(%dma_start3A_68 : memref<10240x16xf32, #tpu.memory_space<vmem_shared>>) offsets(%dma_start3A_65 : memref<125xi32, #tpu.memory_space<vmem>>) semaphore(%run_scoped3A_60 : memref<!tpu.dma_semaphore, #tpu.memory_space<semaphore_mem>>) {add = true}
        %dma_wait3A = arith.constant 750 : i32
        %dma_wait3A_69 = arith.constant 0 : i32
        %dma_wait3A_70 = tpu.memref_slice %arg7[%dma_wait3A, %dma_wait3A_69] : memref<2000x16xf32, #tpu.memory_space<vmem>> -> memref<125x16xf32, #tpu.memory_space<vmem>>
        %dma_wait3A_71 = arith.constant 0 : i32
        %dma_wait3A_72 = tpu.memref_slice %arg6[%run_scoped3A_49, %dma_wait3A_71] : memref<16x125xi32, #tpu.memory_space<vmem>> -> memref<1x125xi32, #tpu.memory_space<vmem>>
        %dma_wait3A_73 = tpu.memref_squeeze %dma_wait3A_72 : memref<1x125xi32, #tpu.memory_space<vmem>> -> memref<125xi32, #tpu.memory_space<vmem>>
        %dma_wait3A_74 = arith.constant 0 : i32
        %dma_wait3A_75 = arith.constant 0 : i32
        %dma_wait3A_76 = tpu.memref_slice %arg8[%dma_wait3A_74, %dma_wait3A_75] : memref<10240x16xf32, #tpu.memory_space<vmem_shared>> -> memref<10240x16xf32, #tpu.memory_space<vmem_shared>>
        tpu.wait_indirect_dma semaphore(%run_scoped3A_60 : memref<!tpu.dma_semaphore, #tpu.memory_space<semaphore_mem>>) src(%dma_wait3A_70 : memref<125x16xf32, #tpu.memory_space<vmem>>) dst(%dma_wait3A_76 : memref<10240x16xf32, #tpu.memory_space<vmem_shared>>)
        tpu.yield
      }) : () -> ()
      %run_scoped3A_50 = arith.constant 7 : i32
      "tpu.region"() ({
        %run_scoped3A_60 = tpu.sem_alloc : memref<!tpu.dma_semaphore, #tpu.memory_space<semaphore_mem>>
        %dma_start3A = arith.constant 875 : i32
        %dma_start3A_61 = arith.constant 0 : i32
        %dma_start3A_62 = tpu.memref_slice %arg7[%dma_start3A, %dma_start3A_61] : memref<2000x16xf32, #tpu.memory_space<vmem>> -> memref<125x16xf32, #tpu.memory_space<vmem>>
        %dma_start3A_63 = arith.constant 0 : i32
        %dma_start3A_64 = tpu.memref_slice %arg6[%run_scoped3A_50, %dma_start3A_63] : memref<16x125xi32, #tpu.memory_space<vmem>> -> memref<1x125xi32, #tpu.memory_space<vmem>>
        %dma_start3A_65 = tpu.memref_squeeze %dma_start3A_64 : memref<1x125xi32, #tpu.memory_space<vmem>> -> memref<125xi32, #tpu.memory_space<vmem>>
        %dma_start3A_66 = arith.constant 0 : i32
        %dma_start3A_67 = arith.constant 0 : i32
        %dma_start3A_68 = tpu.memref_slice %arg8[%dma_start3A_66, %dma_start3A_67] : memref<10240x16xf32, #tpu.memory_space<vmem_shared>> -> memref<10240x16xf32, #tpu.memory_space<vmem_shared>>
        tpu.enqueue_indirect_dma source(%dma_start3A_62 : memref<125x16xf32, #tpu.memory_space<vmem>>) target(%dma_start3A_68 : memref<10240x16xf32, #tpu.memory_space<vmem_shared>>) offsets(%dma_start3A_65 : memref<125xi32, #tpu.memory_space<vmem>>) semaphore(%run_scoped3A_60 : memref<!tpu.dma_semaphore, #tpu.memory_space<semaphore_mem>>) {add = true}
        %dma_wait3A = arith.constant 875 : i32
        %dma_wait3A_69 = arith.constant 0 : i32
        %dma_wait3A_70 = tpu.memref_slice %arg7[%dma_wait3A, %dma_wait3A_69] : memref<2000x16xf32, #tpu.memory_space<vmem>> -> memref<125x16xf32, #tpu.memory_space<vmem>>
        %dma_wait3A_71 = arith.constant 0 : i32
        %dma_wait3A_72 = tpu.memref_slice %arg6[%run_scoped3A_50, %dma_wait3A_71] : memref<16x125xi32, #tpu.memory_space<vmem>> -> memref<1x125xi32, #tpu.memory_space<vmem>>
        %dma_wait3A_73 = tpu.memref_squeeze %dma_wait3A_72 : memref<1x125xi32, #tpu.memory_space<vmem>> -> memref<125xi32, #tpu.memory_space<vmem>>
        %dma_wait3A_74 = arith.constant 0 : i32
        %dma_wait3A_75 = arith.constant 0 : i32
        %dma_wait3A_76 = tpu.memref_slice %arg8[%dma_wait3A_74, %dma_wait3A_75] : memref<10240x16xf32, #tpu.memory_space<vmem_shared>> -> memref<10240x16xf32, #tpu.memory_space<vmem_shared>>
        tpu.wait_indirect_dma semaphore(%run_scoped3A_60 : memref<!tpu.dma_semaphore, #tpu.memory_space<semaphore_mem>>) src(%dma_wait3A_70 : memref<125x16xf32, #tpu.memory_space<vmem>>) dst(%dma_wait3A_76 : memref<10240x16xf32, #tpu.memory_space<vmem_shared>>)
        tpu.yield
      }) : () -> ()
      %run_scoped3A_51 = arith.constant 8 : i32
      "tpu.region"() ({
        %run_scoped3A_60 = tpu.sem_alloc : memref<!tpu.dma_semaphore, #tpu.memory_space<semaphore_mem>>
        %dma_start3A = arith.constant 1000 : i32
        %dma_start3A_61 = arith.constant 0 : i32
        %dma_start3A_62 = tpu.memref_slice %arg7[%dma_start3A, %dma_start3A_61] : memref<2000x16xf32, #tpu.memory_space<vmem>> -> memref<125x16xf32, #tpu.memory_space<vmem>>
        %dma_start3A_63 = arith.constant 0 : i32
        %dma_start3A_64 = tpu.memref_slice %arg6[%run_scoped3A_51, %dma_start3A_63] : memref<16x125xi32, #tpu.memory_space<vmem>> -> memref<1x125xi32, #tpu.memory_space<vmem>>
        %dma_start3A_65 = tpu.memref_squeeze %dma_start3A_64 : memref<1x125xi32, #tpu.memory_space<vmem>> -> memref<125xi32, #tpu.memory_space<vmem>>
        %dma_start3A_66 = arith.constant 0 : i32
        %dma_start3A_67 = arith.constant 0 : i32
        %dma_start3A_68 = tpu.memref_slice %arg8[%dma_start3A_66, %dma_start3A_67] : memref<10240x16xf32, #tpu.memory_space<vmem_shared>> -> memref<10240x16xf32, #tpu.memory_space<vmem_shared>>
        tpu.enqueue_indirect_dma source(%dma_start3A_62 : memref<125x16xf32, #tpu.memory_space<vmem>>) target(%dma_start3A_68 : memref<10240x16xf32, #tpu.memory_space<vmem_shared>>) offsets(%dma_start3A_65 : memref<125xi32, #tpu.memory_space<vmem>>) semaphore(%run_scoped3A_60 : memref<!tpu.dma_semaphore, #tpu.memory_space<semaphore_mem>>) {add = true}
        %dma_wait3A = arith.constant 1000 : i32
        %dma_wait3A_69 = arith.constant 0 : i32
        %dma_wait3A_70 = tpu.memref_slice %arg7[%dma_wait3A, %dma_wait3A_69] : memref<2000x16xf32, #tpu.memory_space<vmem>> -> memref<125x16xf32, #tpu.memory_space<vmem>>
        %dma_wait3A_71 = arith.constant 0 : i32
        %dma_wait3A_72 = tpu.memref_slice %arg6[%run_scoped3A_51, %dma_wait3A_71] : memref<16x125xi32, #tpu.memory_space<vmem>> -> memref<1x125xi32, #tpu.memory_space<vmem>>
        %dma_wait3A_73 = tpu.memref_squeeze %dma_wait3A_72 : memref<1x125xi32, #tpu.memory_space<vmem>> -> memref<125xi32, #tpu.memory_space<vmem>>
        %dma_wait3A_74 = arith.constant 0 : i32
        %dma_wait3A_75 = arith.constant 0 : i32
        %dma_wait3A_76 = tpu.memref_slice %arg8[%dma_wait3A_74, %dma_wait3A_75] : memref<10240x16xf32, #tpu.memory_space<vmem_shared>> -> memref<10240x16xf32, #tpu.memory_space<vmem_shared>>
        tpu.wait_indirect_dma semaphore(%run_scoped3A_60 : memref<!tpu.dma_semaphore, #tpu.memory_space<semaphore_mem>>) src(%dma_wait3A_70 : memref<125x16xf32, #tpu.memory_space<vmem>>) dst(%dma_wait3A_76 : memref<10240x16xf32, #tpu.memory_space<vmem_shared>>)
        tpu.yield
      }) : () -> ()
      %run_scoped3A_52 = arith.constant 9 : i32
      "tpu.region"() ({
        %run_scoped3A_60 = tpu.sem_alloc : memref<!tpu.dma_semaphore, #tpu.memory_space<semaphore_mem>>
        %dma_start3A = arith.constant 1125 : i32
        %dma_start3A_61 = arith.constant 0 : i32
        %dma_start3A_62 = tpu.memref_slice %arg7[%dma_start3A, %dma_start3A_61] : memref<2000x16xf32, #tpu.memory_space<vmem>> -> memref<125x16xf32, #tpu.memory_space<vmem>>
        %dma_start3A_63 = arith.constant 0 : i32
        %dma_start3A_64 = tpu.memref_slice %arg6[%run_scoped3A_52, %dma_start3A_63] : memref<16x125xi32, #tpu.memory_space<vmem>> -> memref<1x125xi32, #tpu.memory_space<vmem>>
        %dma_start3A_65 = tpu.memref_squeeze %dma_start3A_64 : memref<1x125xi32, #tpu.memory_space<vmem>> -> memref<125xi32, #tpu.memory_space<vmem>>
        %dma_start3A_66 = arith.constant 0 : i32
        %dma_start3A_67 = arith.constant 0 : i32
        %dma_start3A_68 = tpu.memref_slice %arg8[%dma_start3A_66, %dma_start3A_67] : memref<10240x16xf32, #tpu.memory_space<vmem_shared>> -> memref<10240x16xf32, #tpu.memory_space<vmem_shared>>
        tpu.enqueue_indirect_dma source(%dma_start3A_62 : memref<125x16xf32, #tpu.memory_space<vmem>>) target(%dma_start3A_68 : memref<10240x16xf32, #tpu.memory_space<vmem_shared>>) offsets(%dma_start3A_65 : memref<125xi32, #tpu.memory_space<vmem>>) semaphore(%run_scoped3A_60 : memref<!tpu.dma_semaphore, #tpu.memory_space<semaphore_mem>>) {add = true}
        %dma_wait3A = arith.constant 1125 : i32
        %dma_wait3A_69 = arith.constant 0 : i32
        %dma_wait3A_70 = tpu.memref_slice %arg7[%dma_wait3A, %dma_wait3A_69] : memref<2000x16xf32, #tpu.memory_space<vmem>> -> memref<125x16xf32, #tpu.memory_space<vmem>>
        %dma_wait3A_71 = arith.constant 0 : i32
        %dma_wait3A_72 = tpu.memref_slice %arg6[%run_scoped3A_52, %dma_wait3A_71] : memref<16x125xi32, #tpu.memory_space<vmem>> -> memref<1x125xi32, #tpu.memory_space<vmem>>
        %dma_wait3A_73 = tpu.memref_squeeze %dma_wait3A_72 : memref<1x125xi32, #tpu.memory_space<vmem>> -> memref<125xi32, #tpu.memory_space<vmem>>
        %dma_wait3A_74 = arith.constant 0 : i32
        %dma_wait3A_75 = arith.constant 0 : i32
        %dma_wait3A_76 = tpu.memref_slice %arg8[%dma_wait3A_74, %dma_wait3A_75] : memref<10240x16xf32, #tpu.memory_space<vmem_shared>> -> memref<10240x16xf32, #tpu.memory_space<vmem_shared>>
        tpu.wait_indirect_dma semaphore(%run_scoped3A_60 : memref<!tpu.dma_semaphore, #tpu.memory_space<semaphore_mem>>) src(%dma_wait3A_70 : memref<125x16xf32, #tpu.memory_space<vmem>>) dst(%dma_wait3A_76 : memref<10240x16xf32, #tpu.memory_space<vmem_shared>>)
        tpu.yield
      }) : () -> ()
      %run_scoped3A_53 = arith.constant 10 : i32
      "tpu.region"() ({
        %run_scoped3A_60 = tpu.sem_alloc : memref<!tpu.dma_semaphore, #tpu.memory_space<semaphore_mem>>
        %dma_start3A = arith.constant 1250 : i32
        %dma_start3A_61 = arith.constant 0 : i32
        %dma_start3A_62 = tpu.memref_slice %arg7[%dma_start3A, %dma_start3A_61] : memref<2000x16xf32, #tpu.memory_space<vmem>> -> memref<125x16xf32, #tpu.memory_space<vmem>>
        %dma_start3A_63 = arith.constant 0 : i32
        %dma_start3A_64 = tpu.memref_slice %arg6[%run_scoped3A_53, %dma_start3A_63] : memref<16x125xi32, #tpu.memory_space<vmem>> -> memref<1x125xi32, #tpu.memory_space<vmem>>
        %dma_start3A_65 = tpu.memref_squeeze %dma_start3A_64 : memref<1x125xi32, #tpu.memory_space<vmem>> -> memref<125xi32, #tpu.memory_space<vmem>>
        %dma_start3A_66 = arith.constant 0 : i32
        %dma_start3A_67 = arith.constant 0 : i32
        %dma_start3A_68 = tpu.memref_slice %arg8[%dma_start3A_66, %dma_start3A_67] : memref<10240x16xf32, #tpu.memory_space<vmem_shared>> -> memref<10240x16xf32, #tpu.memory_space<vmem_shared>>
        tpu.enqueue_indirect_dma source(%dma_start3A_62 : memref<125x16xf32, #tpu.memory_space<vmem>>) target(%dma_start3A_68 : memref<10240x16xf32, #tpu.memory_space<vmem_shared>>) offsets(%dma_start3A_65 : memref<125xi32, #tpu.memory_space<vmem>>) semaphore(%run_scoped3A_60 : memref<!tpu.dma_semaphore, #tpu.memory_space<semaphore_mem>>) {add = true}
        %dma_wait3A = arith.constant 1250 : i32
        %dma_wait3A_69 = arith.constant 0 : i32
        %dma_wait3A_70 = tpu.memref_slice %arg7[%dma_wait3A, %dma_wait3A_69] : memref<2000x16xf32, #tpu.memory_space<vmem>> -> memref<125x16xf32, #tpu.memory_space<vmem>>
        %dma_wait3A_71 = arith.constant 0 : i32
        %dma_wait3A_72 = tpu.memref_slice %arg6[%run_scoped3A_53, %dma_wait3A_71] : memref<16x125xi32, #tpu.memory_space<vmem>> -> memref<1x125xi32, #tpu.memory_space<vmem>>
        %dma_wait3A_73 = tpu.memref_squeeze %dma_wait3A_72 : memref<1x125xi32, #tpu.memory_space<vmem>> -> memref<125xi32, #tpu.memory_space<vmem>>
        %dma_wait3A_74 = arith.constant 0 : i32
        %dma_wait3A_75 = arith.constant 0 : i32
        %dma_wait3A_76 = tpu.memref_slice %arg8[%dma_wait3A_74, %dma_wait3A_75] : memref<10240x16xf32, #tpu.memory_space<vmem_shared>> -> memref<10240x16xf32, #tpu.memory_space<vmem_shared>>
        tpu.wait_indirect_dma semaphore(%run_scoped3A_60 : memref<!tpu.dma_semaphore, #tpu.memory_space<semaphore_mem>>) src(%dma_wait3A_70 : memref<125x16xf32, #tpu.memory_space<vmem>>) dst(%dma_wait3A_76 : memref<10240x16xf32, #tpu.memory_space<vmem_shared>>)
        tpu.yield
      }) : () -> ()
      %run_scoped3A_54 = arith.constant 11 : i32
      "tpu.region"() ({
        %run_scoped3A_60 = tpu.sem_alloc : memref<!tpu.dma_semaphore, #tpu.memory_space<semaphore_mem>>
        %dma_start3A = arith.constant 1375 : i32
        %dma_start3A_61 = arith.constant 0 : i32
        %dma_start3A_62 = tpu.memref_slice %arg7[%dma_start3A, %dma_start3A_61] : memref<2000x16xf32, #tpu.memory_space<vmem>> -> memref<125x16xf32, #tpu.memory_space<vmem>>
        %dma_start3A_63 = arith.constant 0 : i32
        %dma_start3A_64 = tpu.memref_slice %arg6[%run_scoped3A_54, %dma_start3A_63] : memref<16x125xi32, #tpu.memory_space<vmem>> -> memref<1x125xi32, #tpu.memory_space<vmem>>
        %dma_start3A_65 = tpu.memref_squeeze %dma_start3A_64 : memref<1x125xi32, #tpu.memory_space<vmem>> -> memref<125xi32, #tpu.memory_space<vmem>>
        %dma_start3A_66 = arith.constant 0 : i32
        %dma_start3A_67 = arith.constant 0 : i32
        %dma_start3A_68 = tpu.memref_slice %arg8[%dma_start3A_66, %dma_start3A_67] : memref<10240x16xf32, #tpu.memory_space<vmem_shared>> -> memref<10240x16xf32, #tpu.memory_space<vmem_shared>>
        tpu.enqueue_indirect_dma source(%dma_start3A_62 : memref<125x16xf32, #tpu.memory_space<vmem>>) target(%dma_start3A_68 : memref<10240x16xf32, #tpu.memory_space<vmem_shared>>) offsets(%dma_start3A_65 : memref<125xi32, #tpu.memory_space<vmem>>) semaphore(%run_scoped3A_60 : memref<!tpu.dma_semaphore, #tpu.memory_space<semaphore_mem>>) {add = true}
        %dma_wait3A = arith.constant 1375 : i32
        %dma_wait3A_69 = arith.constant 0 : i32
        %dma_wait3A_70 = tpu.memref_slice %arg7[%dma_wait3A, %dma_wait3A_69] : memref<2000x16xf32, #tpu.memory_space<vmem>> -> memref<125x16xf32, #tpu.memory_space<vmem>>
        %dma_wait3A_71 = arith.constant 0 : i32
        %dma_wait3A_72 = tpu.memref_slice %arg6[%run_scoped3A_54, %dma_wait3A_71] : memref<16x125xi32, #tpu.memory_space<vmem>> -> memref<1x125xi32, #tpu.memory_space<vmem>>
        %dma_wait3A_73 = tpu.memref_squeeze %dma_wait3A_72 : memref<1x125xi32, #tpu.memory_space<vmem>> -> memref<125xi32, #tpu.memory_space<vmem>>
        %dma_wait3A_74 = arith.constant 0 : i32
        %dma_wait3A_75 = arith.constant 0 : i32
        %dma_wait3A_76 = tpu.memref_slice %arg8[%dma_wait3A_74, %dma_wait3A_75] : memref<10240x16xf32, #tpu.memory_space<vmem_shared>> -> memref<10240x16xf32, #tpu.memory_space<vmem_shared>>
        tpu.wait_indirect_dma semaphore(%run_scoped3A_60 : memref<!tpu.dma_semaphore, #tpu.memory_space<semaphore_mem>>) src(%dma_wait3A_70 : memref<125x16xf32, #tpu.memory_space<vmem>>) dst(%dma_wait3A_76 : memref<10240x16xf32, #tpu.memory_space<vmem_shared>>)
        tpu.yield
      }) : () -> ()
      %run_scoped3A_55 = arith.constant 12 : i32
      "tpu.region"() ({
        %run_scoped3A_60 = tpu.sem_alloc : memref<!tpu.dma_semaphore, #tpu.memory_space<semaphore_mem>>
        %dma_start3A = arith.constant 1500 : i32
        %dma_start3A_61 = arith.constant 0 : i32
        %dma_start3A_62 = tpu.memref_slice %arg7[%dma_start3A, %dma_start3A_61] : memref<2000x16xf32, #tpu.memory_space<vmem>> -> memref<125x16xf32, #tpu.memory_space<vmem>>
        %dma_start3A_63 = arith.constant 0 : i32
        %dma_start3A_64 = tpu.memref_slice %arg6[%run_scoped3A_55, %dma_start3A_63] : memref<16x125xi32, #tpu.memory_space<vmem>> -> memref<1x125xi32, #tpu.memory_space<vmem>>
        %dma_start3A_65 = tpu.memref_squeeze %dma_start3A_64 : memref<1x125xi32, #tpu.memory_space<vmem>> -> memref<125xi32, #tpu.memory_space<vmem>>
        %dma_start3A_66 = arith.constant 0 : i32
        %dma_start3A_67 = arith.constant 0 : i32
        %dma_start3A_68 = tpu.memref_slice %arg8[%dma_start3A_66, %dma_start3A_67] : memref<10240x16xf32, #tpu.memory_space<vmem_shared>> -> memref<10240x16xf32, #tpu.memory_space<vmem_shared>>
        tpu.enqueue_indirect_dma source(%dma_start3A_62 : memref<125x16xf32, #tpu.memory_space<vmem>>) target(%dma_start3A_68 : memref<10240x16xf32, #tpu.memory_space<vmem_shared>>) offsets(%dma_start3A_65 : memref<125xi32, #tpu.memory_space<vmem>>) semaphore(%run_scoped3A_60 : memref<!tpu.dma_semaphore, #tpu.memory_space<semaphore_mem>>) {add = true}
        %dma_wait3A = arith.constant 1500 : i32
        %dma_wait3A_69 = arith.constant 0 : i32
        %dma_wait3A_70 = tpu.memref_slice %arg7[%dma_wait3A, %dma_wait3A_69] : memref<2000x16xf32, #tpu.memory_space<vmem>> -> memref<125x16xf32, #tpu.memory_space<vmem>>
        %dma_wait3A_71 = arith.constant 0 : i32
        %dma_wait3A_72 = tpu.memref_slice %arg6[%run_scoped3A_55, %dma_wait3A_71] : memref<16x125xi32, #tpu.memory_space<vmem>> -> memref<1x125xi32, #tpu.memory_space<vmem>>
        %dma_wait3A_73 = tpu.memref_squeeze %dma_wait3A_72 : memref<1x125xi32, #tpu.memory_space<vmem>> -> memref<125xi32, #tpu.memory_space<vmem>>
        %dma_wait3A_74 = arith.constant 0 : i32
        %dma_wait3A_75 = arith.constant 0 : i32
        %dma_wait3A_76 = tpu.memref_slice %arg8[%dma_wait3A_74, %dma_wait3A_75] : memref<10240x16xf32, #tpu.memory_space<vmem_shared>> -> memref<10240x16xf32, #tpu.memory_space<vmem_shared>>
        tpu.wait_indirect_dma semaphore(%run_scoped3A_60 : memref<!tpu.dma_semaphore, #tpu.memory_space<semaphore_mem>>) src(%dma_wait3A_70 : memref<125x16xf32, #tpu.memory_space<vmem>>) dst(%dma_wait3A_76 : memref<10240x16xf32, #tpu.memory_space<vmem_shared>>)
        tpu.yield
      }) : () -> ()
      %run_scoped3A_56 = arith.constant 13 : i32
      "tpu.region"() ({
        %run_scoped3A_60 = tpu.sem_alloc : memref<!tpu.dma_semaphore, #tpu.memory_space<semaphore_mem>>
        %dma_start3A = arith.constant 1625 : i32
        %dma_start3A_61 = arith.constant 0 : i32
        %dma_start3A_62 = tpu.memref_slice %arg7[%dma_start3A, %dma_start3A_61] : memref<2000x16xf32, #tpu.memory_space<vmem>> -> memref<125x16xf32, #tpu.memory_space<vmem>>
        %dma_start3A_63 = arith.constant 0 : i32
        %dma_start3A_64 = tpu.memref_slice %arg6[%run_scoped3A_56, %dma_start3A_63] : memref<16x125xi32, #tpu.memory_space<vmem>> -> memref<1x125xi32, #tpu.memory_space<vmem>>
        %dma_start3A_65 = tpu.memref_squeeze %dma_start3A_64 : memref<1x125xi32, #tpu.memory_space<vmem>> -> memref<125xi32, #tpu.memory_space<vmem>>
        %dma_start3A_66 = arith.constant 0 : i32
        %dma_start3A_67 = arith.constant 0 : i32
        %dma_start3A_68 = tpu.memref_slice %arg8[%dma_start3A_66, %dma_start3A_67] : memref<10240x16xf32, #tpu.memory_space<vmem_shared>> -> memref<10240x16xf32, #tpu.memory_space<vmem_shared>>
        tpu.enqueue_indirect_dma source(%dma_start3A_62 : memref<125x16xf32, #tpu.memory_space<vmem>>) target(%dma_start3A_68 : memref<10240x16xf32, #tpu.memory_space<vmem_shared>>) offsets(%dma_start3A_65 : memref<125xi32, #tpu.memory_space<vmem>>) semaphore(%run_scoped3A_60 : memref<!tpu.dma_semaphore, #tpu.memory_space<semaphore_mem>>) {add = true}
        %dma_wait3A = arith.constant 1625 : i32
        %dma_wait3A_69 = arith.constant 0 : i32
        %dma_wait3A_70 = tpu.memref_slice %arg7[%dma_wait3A, %dma_wait3A_69] : memref<2000x16xf32, #tpu.memory_space<vmem>> -> memref<125x16xf32, #tpu.memory_space<vmem>>
        %dma_wait3A_71 = arith.constant 0 : i32
        %dma_wait3A_72 = tpu.memref_slice %arg6[%run_scoped3A_56, %dma_wait3A_71] : memref<16x125xi32, #tpu.memory_space<vmem>> -> memref<1x125xi32, #tpu.memory_space<vmem>>
        %dma_wait3A_73 = tpu.memref_squeeze %dma_wait3A_72 : memref<1x125xi32, #tpu.memory_space<vmem>> -> memref<125xi32, #tpu.memory_space<vmem>>
        %dma_wait3A_74 = arith.constant 0 : i32
        %dma_wait3A_75 = arith.constant 0 : i32
        %dma_wait3A_76 = tpu.memref_slice %arg8[%dma_wait3A_74, %dma_wait3A_75] : memref<10240x16xf32, #tpu.memory_space<vmem_shared>> -> memref<10240x16xf32, #tpu.memory_space<vmem_shared>>
        tpu.wait_indirect_dma semaphore(%run_scoped3A_60 : memref<!tpu.dma_semaphore, #tpu.memory_space<semaphore_mem>>) src(%dma_wait3A_70 : memref<125x16xf32, #tpu.memory_space<vmem>>) dst(%dma_wait3A_76 : memref<10240x16xf32, #tpu.memory_space<vmem_shared>>)
        tpu.yield
      }) : () -> ()
      %run_scoped3A_57 = arith.constant 14 : i32
      "tpu.region"() ({
        %run_scoped3A_60 = tpu.sem_alloc : memref<!tpu.dma_semaphore, #tpu.memory_space<semaphore_mem>>
        %dma_start3A = arith.constant 1750 : i32
        %dma_start3A_61 = arith.constant 0 : i32
        %dma_start3A_62 = tpu.memref_slice %arg7[%dma_start3A, %dma_start3A_61] : memref<2000x16xf32, #tpu.memory_space<vmem>> -> memref<125x16xf32, #tpu.memory_space<vmem>>
        %dma_start3A_63 = arith.constant 0 : i32
        %dma_start3A_64 = tpu.memref_slice %arg6[%run_scoped3A_57, %dma_start3A_63] : memref<16x125xi32, #tpu.memory_space<vmem>> -> memref<1x125xi32, #tpu.memory_space<vmem>>
        %dma_start3A_65 = tpu.memref_squeeze %dma_start3A_64 : memref<1x125xi32, #tpu.memory_space<vmem>> -> memref<125xi32, #tpu.memory_space<vmem>>
        %dma_start3A_66 = arith.constant 0 : i32
        %dma_start3A_67 = arith.constant 0 : i32
        %dma_start3A_68 = tpu.memref_slice %arg8[%dma_start3A_66, %dma_start3A_67] : memref<10240x16xf32, #tpu.memory_space<vmem_shared>> -> memref<10240x16xf32, #tpu.memory_space<vmem_shared>>
        tpu.enqueue_indirect_dma source(%dma_start3A_62 : memref<125x16xf32, #tpu.memory_space<vmem>>) target(%dma_start3A_68 : memref<10240x16xf32, #tpu.memory_space<vmem_shared>>) offsets(%dma_start3A_65 : memref<125xi32, #tpu.memory_space<vmem>>) semaphore(%run_scoped3A_60 : memref<!tpu.dma_semaphore, #tpu.memory_space<semaphore_mem>>) {add = true}
        %dma_wait3A = arith.constant 1750 : i32
        %dma_wait3A_69 = arith.constant 0 : i32
        %dma_wait3A_70 = tpu.memref_slice %arg7[%dma_wait3A, %dma_wait3A_69] : memref<2000x16xf32, #tpu.memory_space<vmem>> -> memref<125x16xf32, #tpu.memory_space<vmem>>
        %dma_wait3A_71 = arith.constant 0 : i32
        %dma_wait3A_72 = tpu.memref_slice %arg6[%run_scoped3A_57, %dma_wait3A_71] : memref<16x125xi32, #tpu.memory_space<vmem>> -> memref<1x125xi32, #tpu.memory_space<vmem>>
        %dma_wait3A_73 = tpu.memref_squeeze %dma_wait3A_72 : memref<1x125xi32, #tpu.memory_space<vmem>> -> memref<125xi32, #tpu.memory_space<vmem>>
        %dma_wait3A_74 = arith.constant 0 : i32
        %dma_wait3A_75 = arith.constant 0 : i32
        %dma_wait3A_76 = tpu.memref_slice %arg8[%dma_wait3A_74, %dma_wait3A_75] : memref<10240x16xf32, #tpu.memory_space<vmem_shared>> -> memref<10240x16xf32, #tpu.memory_space<vmem_shared>>
        tpu.wait_indirect_dma semaphore(%run_scoped3A_60 : memref<!tpu.dma_semaphore, #tpu.memory_space<semaphore_mem>>) src(%dma_wait3A_70 : memref<125x16xf32, #tpu.memory_space<vmem>>) dst(%dma_wait3A_76 : memref<10240x16xf32, #tpu.memory_space<vmem_shared>>)
        tpu.yield
      }) : () -> ()
      %run_scoped3A_58 = arith.constant 15 : i32
      "tpu.region"() ({
        %run_scoped3A_60 = tpu.sem_alloc : memref<!tpu.dma_semaphore, #tpu.memory_space<semaphore_mem>>
        %dma_start3A = arith.constant 1875 : i32
        %dma_start3A_61 = arith.constant 0 : i32
        %dma_start3A_62 = tpu.memref_slice %arg7[%dma_start3A, %dma_start3A_61] : memref<2000x16xf32, #tpu.memory_space<vmem>> -> memref<125x16xf32, #tpu.memory_space<vmem>>
        %dma_start3A_63 = arith.constant 0 : i32
        %dma_start3A_64 = tpu.memref_slice %arg6[%run_scoped3A_58, %dma_start3A_63] : memref<16x125xi32, #tpu.memory_space<vmem>> -> memref<1x125xi32, #tpu.memory_space<vmem>>
        %dma_start3A_65 = tpu.memref_squeeze %dma_start3A_64 : memref<1x125xi32, #tpu.memory_space<vmem>> -> memref<125xi32, #tpu.memory_space<vmem>>
        %dma_start3A_66 = arith.constant 0 : i32
        %dma_start3A_67 = arith.constant 0 : i32
        %dma_start3A_68 = tpu.memref_slice %arg8[%dma_start3A_66, %dma_start3A_67] : memref<10240x16xf32, #tpu.memory_space<vmem_shared>> -> memref<10240x16xf32, #tpu.memory_space<vmem_shared>>
        tpu.enqueue_indirect_dma source(%dma_start3A_62 : memref<125x16xf32, #tpu.memory_space<vmem>>) target(%dma_start3A_68 : memref<10240x16xf32, #tpu.memory_space<vmem_shared>>) offsets(%dma_start3A_65 : memref<125xi32, #tpu.memory_space<vmem>>) semaphore(%run_scoped3A_60 : memref<!tpu.dma_semaphore, #tpu.memory_space<semaphore_mem>>) {add = true}
        %dma_wait3A = arith.constant 1875 : i32
        %dma_wait3A_69 = arith.constant 0 : i32
        %dma_wait3A_70 = tpu.memref_slice %arg7[%dma_wait3A, %dma_wait3A_69] : memref<2000x16xf32, #tpu.memory_space<vmem>> -> memref<125x16xf32, #tpu.memory_space<vmem>>
        %dma_wait3A_71 = arith.constant 0 : i32
        %dma_wait3A_72 = tpu.memref_slice %arg6[%run_scoped3A_58, %dma_wait3A_71] : memref<16x125xi32, #tpu.memory_space<vmem>> -> memref<1x125xi32, #tpu.memory_space<vmem>>
        %dma_wait3A_73 = tpu.memref_squeeze %dma_wait3A_72 : memref<1x125xi32, #tpu.memory_space<vmem>> -> memref<125xi32, #tpu.memory_space<vmem>>
        %dma_wait3A_74 = arith.constant 0 : i32
        %dma_wait3A_75 = arith.constant 0 : i32
        %dma_wait3A_76 = tpu.memref_slice %arg8[%dma_wait3A_74, %dma_wait3A_75] : memref<10240x16xf32, #tpu.memory_space<vmem_shared>> -> memref<10240x16xf32, #tpu.memory_space<vmem_shared>>
        tpu.wait_indirect_dma semaphore(%run_scoped3A_60 : memref<!tpu.dma_semaphore, #tpu.memory_space<semaphore_mem>>) src(%dma_wait3A_70 : memref<125x16xf32, #tpu.memory_space<vmem>>) dst(%dma_wait3A_76 : memref<10240x16xf32, #tpu.memory_space<vmem_shared>>)
        tpu.yield
      }) : () -> ()
      %scan3A_59 = arith.constant 0 : i32
      scf.yield %scan3A_59 : i32
    }
    %scan3A_8 = arith.constant 5 : i32
    %barrier3A_9 = arith.constant 0 : index
    tpu.barrier barrier_id(%barrier3A_9)
    %eq3A_10 = arith.constant 0 : i32
    %eq3A_11 = arith.cmpi eq, %arg1, %eq3A_10 : i32
    %convert_element_type3A_12 = arith.extui %eq3A_11 : i1 to i32
    %cond3A_13 = arith.constant 0 : i32
    %cond3A_14 = arith.cmpi ne, %convert_element_type3A_12, %cond3A_13 : i32
    scf.if %cond3A_14 {
      "tpu.region"() ({
        %run_scoped3A = tpu.sem_alloc : memref<!tpu.dma_semaphore, #tpu.memory_space<semaphore_mem>>
        %dma_start3A = arith.constant 0 : i32
        %dma_start3A_15 = arith.constant 0 : i32
        %dma_start3A_16 = tpu.memref_slice %arg5[%arg0, %dma_start3A, %dma_start3A_15] : memref<2x10240x16xf32, #tpu.memory_space<hbm>> -> memref<1x10240x16xf32, #tpu.memory_space<hbm>>
        %dma_start3A_17 = tpu.memref_squeeze %dma_start3A_16 : memref<1x10240x16xf32, #tpu.memory_space<hbm>> -> memref<10240x16xf32, #tpu.memory_space<hbm>>
        tpu.enqueue_dma source(%arg8 : memref<10240x16xf32, #tpu.memory_space<vmem_shared>>) target(%dma_start3A_17 : memref<10240x16xf32, #tpu.memory_space<hbm>>) target_semaphore(%run_scoped3A : memref<!tpu.dma_semaphore, #tpu.memory_space<semaphore_mem>>)
        %dma_wait3A = arith.constant 0 : i32
        %dma_wait3A_18 = arith.constant 0 : i32
        %dma_wait3A_19 = tpu.memref_slice %arg5[%arg0, %dma_wait3A, %dma_wait3A_18] : memref<2x10240x16xf32, #tpu.memory_space<hbm>> -> memref<1x10240x16xf32, #tpu.memory_space<hbm>>
        %dma_wait3A_20 = tpu.memref_squeeze %dma_wait3A_19 : memref<1x10240x16xf32, #tpu.memory_space<hbm>> -> memref<10240x16xf32, #tpu.memory_space<hbm>>
        tpu.wait_dma2 semaphore(%run_scoped3A : memref<!tpu.dma_semaphore, #tpu.memory_space<semaphore_mem>>) src(%arg8 : memref<10240x16xf32, #tpu.memory_space<vmem_shared>>) dst(%dma_wait3A_20 : memref<10240x16xf32, #tpu.memory_space<hbm>>)
        tpu.yield
      }) : () -> ()
    } else {
    }
    return
  }
}

module attributes {stable_mosaic.version = 14 : i64} {
  func.func @_tc_pre_body(%arg0: memref<10000x128xf32, #tpu.memory_space<vmem>>, %arg1: memref<32x10240xf32, #tpu.memory_space<vmem>>, %arg2: memref<128x16xf32, #tpu.memory_space<vmem>>, %arg3: memref<1x16xf32, #tpu.memory_space<vmem>>, %arg4: memref<1x128xf32, #tpu.memory_space<vmem>>, %arg5: memref<1x128xf32, #tpu.memory_space<vmem>>, %arg6: memref<1x16xf32, #tpu.memory_space<vmem>>, %arg7: memref<1x16xf32, #tpu.memory_space<vmem>>, %arg8: memref<10000x16xf32, #tpu.memory_space<vmem>>) attributes {dimension_semantics = [], scalar_prefetch = 0 : i64, scratch_operands = 0 : i64, tpu.core_type = #tpu.core_type<tc>} {
    %get3A = arith.constant 0 : index
    %get3A_0 = arith.constant 0 : index
    %get3A_1 = vector.load %arg0[%get3A, %get3A_0] : memref<10000x128xf32, #tpu.memory_space<vmem>>, vector<10000x128xf32>
    %reduce_sum3A = arith.constant dense<0.000000e+00> : vector<128xf32>
    %reduce_sum3A_2 = vector.multi_reduction <add>, %get3A_1, %reduce_sum3A [0] : vector<10000x128xf32> to vector<128xf32>
    %broadcast_in_dim3A = vector.shape_cast %reduce_sum3A_2 : vector<128xf32> to vector<1x128xf32>
    %div3A = arith.constant 1.000000e+04 : f32
    %div3A_3 = vector.broadcast %div3A : f32 to vector<1x128xf32>
    %div3A_4 = arith.divf %broadcast_in_dim3A, %div3A_3 : vector<1x128xf32>
    %mul3A = arith.mulf %get3A_1, %get3A_1 : vector<10000x128xf32>
    %reduce_sum3A_5 = arith.constant dense<0.000000e+00> : vector<128xf32>
    %reduce_sum3A_6 = vector.multi_reduction <add>, %mul3A, %reduce_sum3A_5 [0] : vector<10000x128xf32> to vector<128xf32>
    %broadcast_in_dim3A_7 = vector.shape_cast %reduce_sum3A_6 : vector<128xf32> to vector<1x128xf32>
    %div3A_8 = arith.constant 1.000000e+04 : f32
    %div3A_9 = vector.broadcast %div3A_8 : f32 to vector<1x128xf32>
    %div3A_10 = arith.divf %broadcast_in_dim3A_7, %div3A_9 : vector<1x128xf32>
    %mul3A_11 = arith.mulf %div3A_4, %div3A_4 : vector<1x128xf32>
    %sub3A = arith.subf %div3A_10, %mul3A_11 : vector<1x128xf32>
    %get3A_12 = arith.constant 0 : index
    %get3A_13 = arith.constant 0 : index
    %get3A_14 = vector.load %arg4[%get3A_12, %get3A_13] : memref<1x128xf32, #tpu.memory_space<vmem>>, vector<1x128xf32>
    %sub3A_15 = vector.broadcast %div3A_4 : vector<1x128xf32> to vector<10000x128xf32>
    %sub3A_16 = arith.subf %get3A_1, %sub3A_15 : vector<10000x128xf32>
    %mul3A_17 = vector.broadcast %get3A_14 : vector<1x128xf32> to vector<10000x128xf32>
    %mul3A_18 = arith.mulf %mul3A_17, %sub3A_16 : vector<10000x128xf32>
    %add3A = arith.constant 9.99999974E-6 : f32
    %add3A_19 = vector.broadcast %add3A : f32 to vector<1x128xf32>
    %add3A_20 = arith.addf %sub3A, %add3A_19 : vector<1x128xf32>
    %sqrt3A = math.sqrt %add3A_20 : vector<1x128xf32>
    %div3A_21 = vector.broadcast %sqrt3A : vector<1x128xf32> to vector<10000x128xf32>
    %div3A_22 = arith.divf %mul3A_18, %div3A_21 : vector<10000x128xf32>
    %get3A_23 = arith.constant 0 : index
    %get3A_24 = arith.constant 0 : index
    %get3A_25 = vector.load %arg5[%get3A_23, %get3A_24] : memref<1x128xf32, #tpu.memory_space<vmem>>, vector<1x128xf32>
    %add3A_26 = vector.broadcast %get3A_25 : vector<1x128xf32> to vector<10000x128xf32>
    %add3A_27 = arith.addf %div3A_22, %add3A_26 : vector<10000x128xf32>
    %max3A = arith.constant 0.000000e+00 : f32
    %max3A_28 = vector.broadcast %max3A : f32 to vector<10000x128xf32>
    %max3A_29 = arith.maximumf %add3A_27, %max3A_28 : vector<10000x128xf32>
    %get3A_30 = arith.constant 0 : index
    %get3A_31 = arith.constant 0 : index
    %get3A_32 = vector.load %arg2[%get3A_30, %get3A_31] : memref<128x16xf32, #tpu.memory_space<vmem>>, vector<128x16xf32>
    %dot_general3A = arith.constant dense<0.000000e+00> : vector<10000x16xf32>
    %dot_general3A_33 = tpu.matmul %max3A_29, %get3A_32, %dot_general3A {dimension_numbers = #tpu.dot_dimension_numbers<[1], [0], [0], [1], [0, 0, 1, 1], [], []>, transpose_lhs_hint = false} : vector<10000x128xf32>, vector<128x16xf32>, vector<10000x16xf32> -> vector<10000x16xf32>
    %get3A_34 = arith.constant 0 : index
    %get3A_35 = arith.constant 0 : index
    %get3A_36 = vector.load %arg3[%get3A_34, %get3A_35] : memref<1x16xf32, #tpu.memory_space<vmem>>, vector<1x16xf32>
    %add3A_37 = vector.broadcast %get3A_36 : vector<1x16xf32> to vector<10000x16xf32>
    %add3A_38 = arith.addf %dot_general3A_33, %add3A_37 : vector<10000x16xf32>
    %get3A_39 = arith.constant 0 : index
    %get3A_40 = arith.constant 0 : index
    %get3A_41 = vector.load %arg1[%get3A_39, %get3A_40] : memref<32x10240xf32, #tpu.memory_space<vmem>>, vector<32x10240xf32>
    %reduce_sum3A_42 = arith.constant dense<0.000000e+00> : vector<10240xf32>
    %reduce_sum3A_43 = vector.multi_reduction <add>, %get3A_41, %reduce_sum3A_42 [0] : vector<32x10240xf32> to vector<10240xf32>
    %broadcast_in_dim3A_44 = vector.shape_cast %reduce_sum3A_43 : vector<10240xf32> to vector<1x10240xf32>
    %slice3A = vector.extract_strided_slice %broadcast_in_dim3A_44 {offsets = [0, 0], sizes = [1, 10000], strides = [1, 1]} : vector<1x10240xf32> to vector<1x10000xf32>
    %dot_general3A_45 = arith.constant dense<0.000000e+00> : vector<1x16xf32>
    %dot_general3A_46 = tpu.matmul %slice3A, %add3A_38, %dot_general3A_45 {dimension_numbers = #tpu.dot_dimension_numbers<[1], [0], [0], [1], [0, 0, 1, 1], [], []>, transpose_lhs_hint = false} : vector<1x10000xf32>, vector<10000x16xf32>, vector<1x16xf32> -> vector<1x16xf32>
    %mul3A_47 = arith.mulf %add3A_38, %add3A_38 : vector<10000x16xf32>
    %dot_general3A_48 = arith.constant dense<0.000000e+00> : vector<1x16xf32>
    %dot_general3A_49 = tpu.matmul %slice3A, %mul3A_47, %dot_general3A_48 {dimension_numbers = #tpu.dot_dimension_numbers<[1], [0], [0], [1], [0, 0, 1, 1], [], []>, transpose_lhs_hint = false} : vector<1x10000xf32>, vector<10000x16xf32>, vector<1x16xf32> -> vector<1x16xf32>
    %div3A_50 = arith.constant 3.200000e+05 : f32
    %div3A_51 = vector.broadcast %div3A_50 : f32 to vector<1x16xf32>
    %div3A_52 = arith.divf %dot_general3A_46, %div3A_51 : vector<1x16xf32>
    %div3A_53 = arith.constant 3.200000e+05 : f32
    %div3A_54 = vector.broadcast %div3A_53 : f32 to vector<1x16xf32>
    %div3A_55 = arith.divf %dot_general3A_49, %div3A_54 : vector<1x16xf32>
    %mul3A_56 = arith.mulf %div3A_52, %div3A_52 : vector<1x16xf32>
    %sub3A_57 = arith.subf %div3A_55, %mul3A_56 : vector<1x16xf32>
    %get3A_58 = arith.constant 0 : index
    %get3A_59 = arith.constant 0 : index
    %get3A_60 = vector.load %arg6[%get3A_58, %get3A_59] : memref<1x16xf32, #tpu.memory_space<vmem>>, vector<1x16xf32>
    %sub3A_61 = vector.broadcast %div3A_52 : vector<1x16xf32> to vector<10000x16xf32>
    %sub3A_62 = arith.subf %add3A_38, %sub3A_61 : vector<10000x16xf32>
    %mul3A_63 = vector.broadcast %get3A_60 : vector<1x16xf32> to vector<10000x16xf32>
    %mul3A_64 = arith.mulf %mul3A_63, %sub3A_62 : vector<10000x16xf32>
    %add3A_65 = arith.constant 9.99999974E-6 : f32
    %add3A_66 = vector.broadcast %add3A_65 : f32 to vector<1x16xf32>
    %add3A_67 = arith.addf %sub3A_57, %add3A_66 : vector<1x16xf32>
    %sqrt3A_68 = math.sqrt %add3A_67 : vector<1x16xf32>
    %div3A_69 = vector.broadcast %sqrt3A_68 : vector<1x16xf32> to vector<10000x16xf32>
    %div3A_70 = arith.divf %mul3A_64, %div3A_69 : vector<10000x16xf32>
    %get3A_71 = arith.constant 0 : index
    %get3A_72 = arith.constant 0 : index
    %get3A_73 = vector.load %arg7[%get3A_71, %get3A_72] : memref<1x16xf32, #tpu.memory_space<vmem>>, vector<1x16xf32>
    %add3A_74 = vector.broadcast %get3A_73 : vector<1x16xf32> to vector<10000x16xf32>
    %add3A_75 = arith.addf %div3A_70, %add3A_74 : vector<10000x16xf32>
    %max3A_76 = arith.constant 0.000000e+00 : f32
    %max3A_77 = vector.broadcast %max3A_76 : f32 to vector<10000x16xf32>
    %max3A_78 = arith.maximumf %add3A_75, %max3A_77 : vector<10000x16xf32>
    %swap3A = arith.constant 0 : index
    %swap3A_79 = arith.constant 0 : index
    %swap3A_80 = vector.load %arg8[%swap3A, %swap3A_79] : memref<10000x16xf32, #tpu.memory_space<vmem>>, vector<10000x16xf32>
    tpu.vector_store %arg8[%swap3A, %swap3A_79], %max3A_78 {strides = array<i32>} : memref<10000x16xf32, #tpu.memory_space<vmem>>, vector<10000x16xf32>,
    return
  }
}

module attributes {stable_mosaic.version = 14 : i64} {
  func.func @_tc_edge_body(%arg0: i32, %arg1: memref<16x12800xf32, #tpu.memory_space<vmem>>, %arg2: memref<1600x128xf32, #tpu.memory_space<vmem>>, %arg3: memref<1600x128xf32, #tpu.memory_space<vmem>>, %arg4: memref<32x16xf32, #tpu.memory_space<vmem>>, %arg5: memref<32x1xf32, #tpu.memory_space<vmem>>, %arg6: memref<32x256xf32, #tpu.memory_space<vmem>>, %arg7: memref<16x256xf32, #tpu.memory_space<vmem>>, %arg8: memref<304x16xf32, #tpu.memory_space<vmem>>, %arg9: memref<1x16xf32, #tpu.memory_space<vmem>>, %arg10: memref<1600x128xf32, #tpu.memory_space<vmem>>) attributes {dimension_semantics = [#tpu.dimension_semantics<arbitrary>], iteration_bounds = array<i64: 25>, scalar_prefetch = 0 : i64, scratch_operands = 0 : i64, tpu.core_type = #tpu.core_type<tc>, window_params = [{transform_indices = @transform_0, window_bounds = array<i64: 16, 12800>}, {transform_indices = @transform_1, window_bounds = array<i64: 1600, 128>}, {transform_indices = @transform_2, window_bounds = array<i64: 1600, 128>}, {pipeline_mode = #tpu.pipeline_mode<synchronous>, transform_indices = @transform_3, window_bounds = array<i64: 32, 16>}, {pipeline_mode = #tpu.pipeline_mode<synchronous>, transform_indices = @transform_4, window_bounds = array<i64: 32, 1>}, {pipeline_mode = #tpu.pipeline_mode<synchronous>, transform_indices = @transform_5, window_bounds = array<i64: 32, 256>}, {pipeline_mode = #tpu.pipeline_mode<synchronous>, transform_indices = @transform_6, window_bounds = array<i64: 16, 256>}, {pipeline_mode = #tpu.pipeline_mode<synchronous>, transform_indices = @transform_7, window_bounds = array<i64: 304, 16>}, {pipeline_mode = #tpu.pipeline_mode<synchronous>, transform_indices = @transform_8, window_bounds = array<i64: 1, 16>}, {transform_indices = @transform_9, window_bounds = array<i64: 1600, 128>}]} {
    %get3A = arith.constant 0 : index
    %get3A_0 = arith.constant 0 : index
    %get3A_1 = vector.load %arg2[%get3A, %get3A_0] : memref<1600x128xf32, #tpu.memory_space<vmem>>, vector<1600x128xf32>
    %slice3A = vector.extract_strided_slice %get3A_1 {offsets = [0, 0], sizes = [1600, 16], strides = [1, 1]} : vector<1600x128xf32> to vector<1600x16xf32>
    %slice3A_2 = vector.extract_strided_slice %get3A_1 {offsets = [0, 16], sizes = [1600, 16], strides = [1, 1]} : vector<1600x128xf32> to vector<1600x16xf32>
    %slice3A_3 = vector.extract_strided_slice %get3A_1 {offsets = [0, 32], sizes = [1600, 16], strides = [1, 1]} : vector<1600x128xf32> to vector<1600x16xf32>
    %slice3A_4 = vector.extract_strided_slice %get3A_1 {offsets = [0, 48], sizes = [1600, 16], strides = [1, 1]} : vector<1600x128xf32> to vector<1600x16xf32>
    %slice3A_5 = vector.extract_strided_slice %get3A_1 {offsets = [0, 64], sizes = [1600, 16], strides = [1, 1]} : vector<1600x128xf32> to vector<1600x16xf32>
    %slice3A_6 = vector.extract_strided_slice %get3A_1 {offsets = [0, 80], sizes = [1600, 16], strides = [1, 1]} : vector<1600x128xf32> to vector<1600x16xf32>
    %slice3A_7 = vector.extract_strided_slice %get3A_1 {offsets = [0, 96], sizes = [1600, 16], strides = [1, 1]} : vector<1600x128xf32> to vector<1600x16xf32>
    %slice3A_8 = vector.extract_strided_slice %get3A_1 {offsets = [0, 112], sizes = [1600, 16], strides = [1, 1]} : vector<1600x128xf32> to vector<1600x16xf32>
    %concatenate3A = tpu.concatenate %slice3A, %slice3A_2, %slice3A_3, %slice3A_4, %slice3A_5, %slice3A_6, %slice3A_7, %slice3A_8 in 0 : vector<1600x16xf32>, vector<1600x16xf32>, vector<1600x16xf32>, vector<1600x16xf32>, vector<1600x16xf32>, vector<1600x16xf32>, vector<1600x16xf32>, vector<1600x16xf32> -> vector<12800x16xf32>
    %get3A_9 = arith.constant 0 : index
    %get3A_10 = arith.constant 0 : index
    %get3A_11 = vector.load %arg4[%get3A_9, %get3A_10] : memref<32x16xf32, #tpu.memory_space<vmem>>, vector<32x16xf32>
    %get3A_12 = arith.constant 0 : index
    %get3A_13 = arith.constant 0 : index
    %get3A_14 = vector.load %arg1[%get3A_12, %get3A_13] : memref<16x12800xf32, #tpu.memory_space<vmem>>, vector<16x12800xf32>
    %dot_general3A = arith.constant dense<0.000000e+00> : vector<32x12800xf32>
    %dot_general3A_15 = tpu.matmul %get3A_11, %get3A_14, %dot_general3A {dimension_numbers = #tpu.dot_dimension_numbers<[1], [0], [0], [1], [0, 0, 1, 1], [], []>, transpose_lhs_hint = false} : vector<32x16xf32>, vector<16x12800xf32>, vector<32x12800xf32> -> vector<32x12800xf32>
    %get3A_16 = arith.constant 0 : index
    %get3A_17 = arith.constant 0 : index
    %get3A_18 = vector.load %arg5[%get3A_16, %get3A_17] : memref<32x1xf32, #tpu.memory_space<vmem>>, vector<32x1xf32>
    %add3A = vector.broadcast %get3A_18 : vector<32x1xf32> to vector<32x12800xf32>
    %add3A_19 = arith.addf %dot_general3A_15, %add3A : vector<32x12800xf32>
    %max3A = arith.constant 0.000000e+00 : f32
    %max3A_20 = vector.broadcast %max3A : f32 to vector<32x12800xf32>
    %max3A_21 = arith.maximumf %add3A_19, %max3A_20 : vector<32x12800xf32>
    %transpose3A = tpu.transpose %max3A_21, [1, 0] : vector<32x12800xf32> -> vector<12800x32xf32>
    %get3A_22 = arith.constant 0 : index
    %get3A_23 = arith.constant 0 : index
    %get3A_24 = vector.load %arg6[%get3A_22, %get3A_23] : memref<32x256xf32, #tpu.memory_space<vmem>>, vector<32x256xf32>
    %dot_general3A_25 = arith.constant dense<0.000000e+00> : vector<12800x256xf32>
    %dot_general3A_26 = tpu.matmul %transpose3A, %get3A_24, %dot_general3A_25 {dimension_numbers = #tpu.dot_dimension_numbers<[1], [0], [0], [1], [0, 0, 1, 1], [], []>, transpose_lhs_hint = false} : vector<12800x32xf32>, vector<32x256xf32>, vector<12800x256xf32> -> vector<12800x256xf32>
    %get3A_27 = arith.constant 0 : index
    %get3A_28 = arith.constant 0 : index
    %get3A_29 = vector.load %arg7[%get3A_27, %get3A_28] : memref<16x256xf32, #tpu.memory_space<vmem>>, vector<16x256xf32>
    %dot_general3A_30 = arith.constant dense<0.000000e+00> : vector<12800x256xf32>
    %dot_general3A_31 = tpu.matmul %concatenate3A, %get3A_29, %dot_general3A_30 {dimension_numbers = #tpu.dot_dimension_numbers<[1], [0], [0], [1], [0, 0, 1, 1], [], []>, transpose_lhs_hint = false} : vector<12800x16xf32>, vector<16x256xf32>, vector<12800x256xf32> -> vector<12800x256xf32>
    %mul3A = arith.mulf %dot_general3A_26, %dot_general3A_31 : vector<12800x256xf32>
    %concatenate3A_32 = tpu.concatenate %mul3A, %concatenate3A, %transpose3A in 1 : vector<12800x256xf32>, vector<12800x16xf32>, vector<12800x32xf32> -> vector<12800x304xf32>
    %get3A_33 = arith.constant 0 : index
    %get3A_34 = arith.constant 0 : index
    %get3A_35 = vector.load %arg8[%get3A_33, %get3A_34] : memref<304x16xf32, #tpu.memory_space<vmem>>, vector<304x16xf32>
    %dot_general3A_36 = arith.constant dense<0.000000e+00> : vector<12800x16xf32>
    %dot_general3A_37 = tpu.matmul %concatenate3A_32, %get3A_35, %dot_general3A_36 {dimension_numbers = #tpu.dot_dimension_numbers<[1], [0], [0], [1], [0, 0, 1, 1], [], []>, transpose_lhs_hint = false} : vector<12800x304xf32>, vector<304x16xf32>, vector<12800x16xf32> -> vector<12800x16xf32>
    %get3A_38 = arith.constant 0 : index
    %get3A_39 = arith.constant 0 : index
    %get3A_40 = vector.load %arg9[%get3A_38, %get3A_39] : memref<1x16xf32, #tpu.memory_space<vmem>>, vector<1x16xf32>
    %add3A_41 = vector.broadcast %get3A_40 : vector<1x16xf32> to vector<12800x16xf32>
    %add3A_42 = arith.addf %dot_general3A_37, %add3A_41 : vector<12800x16xf32>
    %slice3A_43 = vector.extract_strided_slice %add3A_42 {offsets = [0, 0], sizes = [1600, 16], strides = [1, 1]} : vector<12800x16xf32> to vector<1600x16xf32>
    %slice3A_44 = vector.extract_strided_slice %add3A_42 {offsets = [1600, 0], sizes = [1600, 16], strides = [1, 1]} : vector<12800x16xf32> to vector<1600x16xf32>
    %slice3A_45 = vector.extract_strided_slice %add3A_42 {offsets = [3200, 0], sizes = [1600, 16], strides = [1, 1]} : vector<12800x16xf32> to vector<1600x16xf32>
    %slice3A_46 = vector.extract_strided_slice %add3A_42 {offsets = [4800, 0], sizes = [1600, 16], strides = [1, 1]} : vector<12800x16xf32> to vector<1600x16xf32>
    %slice3A_47 = vector.extract_strided_slice %add3A_42 {offsets = [6400, 0], sizes = [1600, 16], strides = [1, 1]} : vector<12800x16xf32> to vector<1600x16xf32>
    %slice3A_48 = vector.extract_strided_slice %add3A_42 {offsets = [8000, 0], sizes = [1600, 16], strides = [1, 1]} : vector<12800x16xf32> to vector<1600x16xf32>
    %slice3A_49 = vector.extract_strided_slice %add3A_42 {offsets = [9600, 0], sizes = [1600, 16], strides = [1, 1]} : vector<12800x16xf32> to vector<1600x16xf32>
    %slice3A_50 = vector.extract_strided_slice %add3A_42 {offsets = [11200, 0], sizes = [1600, 16], strides = [1, 1]} : vector<12800x16xf32> to vector<1600x16xf32>
    %concatenate3A_51 = tpu.concatenate %slice3A_43, %slice3A_44, %slice3A_45, %slice3A_46, %slice3A_47, %slice3A_48, %slice3A_49, %slice3A_50 in 1 : vector<1600x16xf32>, vector<1600x16xf32>, vector<1600x16xf32>, vector<1600x16xf32>, vector<1600x16xf32>, vector<1600x16xf32>, vector<1600x16xf32>, vector<1600x16xf32> -> vector<1600x128xf32>
    %get3A_52 = arith.constant 0 : index
    %get3A_53 = arith.constant 0 : index
    %get3A_54 = vector.load %arg3[%get3A_52, %get3A_53] : memref<1600x128xf32, #tpu.memory_space<vmem>>, vector<1600x128xf32>
    %mul3A_55 = arith.mulf %concatenate3A_51, %get3A_54 : vector<1600x128xf32>
    %swap3A = arith.constant 0 : index
    %swap3A_56 = arith.constant 0 : index
    %swap3A_57 = vector.load %arg10[%swap3A, %swap3A_56] : memref<1600x128xf32, #tpu.memory_space<vmem>>, vector<1600x128xf32>
    tpu.vector_store %arg10[%swap3A, %swap3A_56], %mul3A_55 {strides = array<i32>} : memref<1600x128xf32, #tpu.memory_space<vmem>>, vector<1600x128xf32>,
    return
  }
  func.func @transform_0(%arg0: i32) -> (i32, i32) {
    %c0_i32 = arith.constant 0 : i32
    %c0_i32_0 = arith.constant 0 : i32
    return %c0_i32, %arg0 : i32, i32
  }
  func.func @transform_1(%arg0: i32) -> (i32, i32) {
    %c0_i32 = arith.constant 0 : i32
    %c0_i32_0 = arith.constant 0 : i32
    return %arg0, %c0_i32 : i32, i32
  }
  func.func @transform_2(%arg0: i32) -> (i32, i32) {
    %c0_i32 = arith.constant 0 : i32
    %c0_i32_0 = arith.constant 0 : i32
    return %arg0, %c0_i32 : i32, i32
  }
  func.func @transform_3(%arg0: i32) -> (i32, i32) {
    %c0_i32 = arith.constant 0 : i32
    %c0_i32_0 = arith.constant 0 : i32
    %c0_i32_1 = arith.constant 0 : i32
    return %c0_i32, %c0_i32_0 : i32, i32
  }
  func.func @transform_4(%arg0: i32) -> (i32, i32) {
    %c0_i32 = arith.constant 0 : i32
    %c0_i32_0 = arith.constant 0 : i32
    %c0_i32_1 = arith.constant 0 : i32
    return %c0_i32, %c0_i32_0 : i32, i32
  }
  func.func @transform_5(%arg0: i32) -> (i32, i32) {
    %c0_i32 = arith.constant 0 : i32
    %c0_i32_0 = arith.constant 0 : i32
    %c0_i32_1 = arith.constant 0 : i32
    return %c0_i32, %c0_i32_0 : i32, i32
  }
  func.func @transform_6(%arg0: i32) -> (i32, i32) {
    %c0_i32 = arith.constant 0 : i32
    %c0_i32_0 = arith.constant 0 : i32
    %c0_i32_1 = arith.constant 0 : i32
    return %c0_i32, %c0_i32_0 : i32, i32
  }
  func.func @transform_7(%arg0: i32) -> (i32, i32) {
    %c0_i32 = arith.constant 0 : i32
    %c0_i32_0 = arith.constant 0 : i32
    %c0_i32_1 = arith.constant 0 : i32
    return %c0_i32, %c0_i32_0 : i32, i32
  }
  func.func @transform_8(%arg0: i32) -> (i32, i32) {
    %c0_i32 = arith.constant 0 : i32
    %c0_i32_0 = arith.constant 0 : i32
    %c0_i32_1 = arith.constant 0 : i32
    return %c0_i32, %c0_i32_0 : i32, i32
  }
  func.func @transform_9(%arg0: i32) -> (i32, i32) {
    %c0_i32 = arith.constant 0 : i32
    %c0_i32_0 = arith.constant 0 : i32
    return %arg0, %c0_i32 : i32, i32
  }
}

module attributes {stable_mosaic.version = 14 : i64} {
  func.func @_tc_post_body(%arg0: memref<2x10240x16xf32, #tpu.memory_space<vmem>>, %arg1: memref<16x128xf32, #tpu.memory_space<vmem>>, %arg2: memref<1x128xf32, #tpu.memory_space<vmem>>, %arg3: memref<1x16xf32, #tpu.memory_space<vmem>>, %arg4: memref<1x16xf32, #tpu.memory_space<vmem>>, %arg5: memref<1x128xf32, #tpu.memory_space<vmem>>, %arg6: memref<1x128xf32, #tpu.memory_space<vmem>>, %arg7: memref<10000x128xf32, #tpu.memory_space<vmem>>) attributes {dimension_semantics = [], scalar_prefetch = 0 : i64, scratch_operands = 0 : i64, tpu.core_type = #tpu.core_type<tc>} {
    %get3A = arith.constant 0 : index
    %get3A_0 = arith.constant 0 : index
    %get3A_1 = arith.constant 0 : index
    %get3A_2 = vector.load %arg0[%get3A, %get3A_0, %get3A_1] : memref<2x10240x16xf32, #tpu.memory_space<vmem>>, vector<2x10240x16xf32>
    %reduce_sum3A = arith.constant dense<0.000000e+00> : vector<10240x16xf32>
    %reduce_sum3A_3 = vector.multi_reduction <add>, %get3A_2, %reduce_sum3A [0] : vector<2x10240x16xf32> to vector<10240x16xf32>
    %slice3A = vector.extract_strided_slice %reduce_sum3A_3 {offsets = [0, 0], sizes = [10000, 16], strides = [1, 1]} : vector<10240x16xf32> to vector<10000x16xf32>
    %reduce_sum3A_4 = arith.constant dense<0.000000e+00> : vector<16xf32>
    %reduce_sum3A_5 = vector.multi_reduction <add>, %slice3A, %reduce_sum3A_4 [0] : vector<10000x16xf32> to vector<16xf32>
    %broadcast_in_dim3A = vector.shape_cast %reduce_sum3A_5 : vector<16xf32> to vector<1x16xf32>
    %div3A = arith.constant 1.000000e+04 : f32
    %div3A_6 = vector.broadcast %div3A : f32 to vector<1x16xf32>
    %div3A_7 = arith.divf %broadcast_in_dim3A, %div3A_6 : vector<1x16xf32>
    %mul3A = arith.mulf %slice3A, %slice3A : vector<10000x16xf32>
    %reduce_sum3A_8 = arith.constant dense<0.000000e+00> : vector<16xf32>
    %reduce_sum3A_9 = vector.multi_reduction <add>, %mul3A, %reduce_sum3A_8 [0] : vector<10000x16xf32> to vector<16xf32>
    %broadcast_in_dim3A_10 = vector.shape_cast %reduce_sum3A_9 : vector<16xf32> to vector<1x16xf32>
    %div3A_11 = arith.constant 1.000000e+04 : f32
    %div3A_12 = vector.broadcast %div3A_11 : f32 to vector<1x16xf32>
    %div3A_13 = arith.divf %broadcast_in_dim3A_10, %div3A_12 : vector<1x16xf32>
    %mul3A_14 = arith.mulf %div3A_7, %div3A_7 : vector<1x16xf32>
    %sub3A = arith.subf %div3A_13, %mul3A_14 : vector<1x16xf32>
    %get3A_15 = arith.constant 0 : index
    %get3A_16 = arith.constant 0 : index
    %get3A_17 = vector.load %arg3[%get3A_15, %get3A_16] : memref<1x16xf32, #tpu.memory_space<vmem>>, vector<1x16xf32>
    %sub3A_18 = vector.broadcast %div3A_7 : vector<1x16xf32> to vector<10000x16xf32>
    %sub3A_19 = arith.subf %slice3A, %sub3A_18 : vector<10000x16xf32>
    %mul3A_20 = vector.broadcast %get3A_17 : vector<1x16xf32> to vector<10000x16xf32>
    %mul3A_21 = arith.mulf %mul3A_20, %sub3A_19 : vector<10000x16xf32>
    %add3A = arith.constant 9.99999974E-6 : f32
    %add3A_22 = vector.broadcast %add3A : f32 to vector<1x16xf32>
    %add3A_23 = arith.addf %sub3A, %add3A_22 : vector<1x16xf32>
    %sqrt3A = math.sqrt %add3A_23 : vector<1x16xf32>
    %div3A_24 = vector.broadcast %sqrt3A : vector<1x16xf32> to vector<10000x16xf32>
    %div3A_25 = arith.divf %mul3A_21, %div3A_24 : vector<10000x16xf32>
    %get3A_26 = arith.constant 0 : index
    %get3A_27 = arith.constant 0 : index
    %get3A_28 = vector.load %arg4[%get3A_26, %get3A_27] : memref<1x16xf32, #tpu.memory_space<vmem>>, vector<1x16xf32>
    %add3A_29 = vector.broadcast %get3A_28 : vector<1x16xf32> to vector<10000x16xf32>
    %add3A_30 = arith.addf %div3A_25, %add3A_29 : vector<10000x16xf32>
    %max3A = arith.constant 0.000000e+00 : f32
    %max3A_31 = vector.broadcast %max3A : f32 to vector<10000x16xf32>
    %max3A_32 = arith.maximumf %add3A_30, %max3A_31 : vector<10000x16xf32>
    %get3A_33 = arith.constant 0 : index
    %get3A_34 = arith.constant 0 : index
    %get3A_35 = vector.load %arg1[%get3A_33, %get3A_34] : memref<16x128xf32, #tpu.memory_space<vmem>>, vector<16x128xf32>
    %dot_general3A = arith.constant dense<0.000000e+00> : vector<10000x128xf32>
    %dot_general3A_36 = tpu.matmul %max3A_32, %get3A_35, %dot_general3A {dimension_numbers = #tpu.dot_dimension_numbers<[1], [0], [0], [1], [0, 0, 1, 1], [], []>, transpose_lhs_hint = false} : vector<10000x16xf32>, vector<16x128xf32>, vector<10000x128xf32> -> vector<10000x128xf32>
    %get3A_37 = arith.constant 0 : index
    %get3A_38 = arith.constant 0 : index
    %get3A_39 = vector.load %arg2[%get3A_37, %get3A_38] : memref<1x128xf32, #tpu.memory_space<vmem>>, vector<1x128xf32>
    %add3A_40 = vector.broadcast %get3A_39 : vector<1x128xf32> to vector<10000x128xf32>
    %add3A_41 = arith.addf %dot_general3A_36, %add3A_40 : vector<10000x128xf32>
    %reduce_sum3A_42 = arith.constant dense<0.000000e+00> : vector<128xf32>
    %reduce_sum3A_43 = vector.multi_reduction <add>, %add3A_41, %reduce_sum3A_42 [0] : vector<10000x128xf32> to vector<128xf32>
    %broadcast_in_dim3A_44 = vector.shape_cast %reduce_sum3A_43 : vector<128xf32> to vector<1x128xf32>
    %div3A_45 = arith.constant 1.000000e+04 : f32
    %div3A_46 = vector.broadcast %div3A_45 : f32 to vector<1x128xf32>
    %div3A_47 = arith.divf %broadcast_in_dim3A_44, %div3A_46 : vector<1x128xf32>
    %mul3A_48 = arith.mulf %add3A_41, %add3A_41 : vector<10000x128xf32>
    %reduce_sum3A_49 = arith.constant dense<0.000000e+00> : vector<128xf32>
    %reduce_sum3A_50 = vector.multi_reduction <add>, %mul3A_48, %reduce_sum3A_49 [0] : vector<10000x128xf32> to vector<128xf32>
    %broadcast_in_dim3A_51 = vector.shape_cast %reduce_sum3A_50 : vector<128xf32> to vector<1x128xf32>
    %div3A_52 = arith.constant 1.000000e+04 : f32
    %div3A_53 = vector.broadcast %div3A_52 : f32 to vector<1x128xf32>
    %div3A_54 = arith.divf %broadcast_in_dim3A_51, %div3A_53 : vector<1x128xf32>
    %mul3A_55 = arith.mulf %div3A_47, %div3A_47 : vector<1x128xf32>
    %sub3A_56 = arith.subf %div3A_54, %mul3A_55 : vector<1x128xf32>
    %get3A_57 = arith.constant 0 : index
    %get3A_58 = arith.constant 0 : index
    %get3A_59 = vector.load %arg5[%get3A_57, %get3A_58] : memref<1x128xf32, #tpu.memory_space<vmem>>, vector<1x128xf32>
    %sub3A_60 = vector.broadcast %div3A_47 : vector<1x128xf32> to vector<10000x128xf32>
    %sub3A_61 = arith.subf %add3A_41, %sub3A_60 : vector<10000x128xf32>
    %mul3A_62 = vector.broadcast %get3A_59 : vector<1x128xf32> to vector<10000x128xf32>
    %mul3A_63 = arith.mulf %mul3A_62, %sub3A_61 : vector<10000x128xf32>
    %add3A_64 = arith.constant 9.99999974E-6 : f32
    %add3A_65 = vector.broadcast %add3A_64 : f32 to vector<1x128xf32>
    %add3A_66 = arith.addf %sub3A_56, %add3A_65 : vector<1x128xf32>
    %sqrt3A_67 = math.sqrt %add3A_66 : vector<1x128xf32>
    %div3A_68 = vector.broadcast %sqrt3A_67 : vector<1x128xf32> to vector<10000x128xf32>
    %div3A_69 = arith.divf %mul3A_63, %div3A_68 : vector<10000x128xf32>
    %get3A_70 = arith.constant 0 : index
    %get3A_71 = arith.constant 0 : index
    %get3A_72 = vector.load %arg6[%get3A_70, %get3A_71] : memref<1x128xf32, #tpu.memory_space<vmem>>, vector<1x128xf32>
    %add3A_73 = vector.broadcast %get3A_72 : vector<1x128xf32> to vector<10000x128xf32>
    %add3A_74 = arith.addf %div3A_69, %add3A_73 : vector<10000x128xf32>
    %swap3A = arith.constant 0 : index
    %swap3A_75 = arith.constant 0 : index
    %swap3A_76 = vector.load %arg7[%swap3A, %swap3A_75] : memref<10000x128xf32, #tpu.memory_space<vmem>>, vector<10000x128xf32>
    tpu.vector_store %arg7[%swap3A, %swap3A_75], %add3A_74 {strides = array<i32>} : memref<10000x128xf32, #tpu.memory_space<vmem>>, vector<10000x128xf32>,
    return
  }
}

</mosaic_0001>

<sc_bundles>
// kernel: kernel.11.cloned.1.call-start
scs
__scs_entry_jumppad:
0x0: {  	(pc) =	sbr.rel $0x88, $3  }
0x1: {  	(tag) =	ssettag $0x0;
	lr =	simm.s32 $0x1  }
0x2: {  	[smem:$0x3F8D] =	sst lr;
	_ =	strace $0xD0000000  }
0x3: {  	_ = 	snop  }
0x4: {  	_ = 	snop  }
0x5: {  	_ = 	snop  }
0x6: {  	_ = 	snop  }
0x7: {  	_ = 	snop  }
__scs_overlays_trampoline_lowered:
0x8: {  	[smem:$0x3F9C] =	sst s0  }
0x9: {  	[smem:$0x3F9D] =	sst s1  }
0xa: {  	[smem:$0x3F9E] =	sst s2  }
0xb: {  	[smem:$0x3F9F] =	sst s3  }
0xc: {  	[smem:$0x3FA0] =	sst s4  }
0xd: {  	[smem:$0x3FA1] =	sst s5  }
0xe: {  	[smem:$0x3FA2] =	sst s6  }
0xf: {  	[smem:$0x3FA3] =	sst s7  }
0x10: {  	[smem:$0x3FA4] =	sst s8  }
0x11: {  	[smem:$0x3FA5] =	sst s9;
	s0 =	simm.s32 @!p0 $0x0  }
0x12: {  	s1 =	sld [smem:$0x3F8B];
	s0 =	simm.s32 @p0 $0x1  }
0x13: {  	[smem:$0x3FA6] =	sst s0;
	s0 =	simm.s32 @!p1 $0x0  }
0x14: {  	s2 =	sld [smem:$0x3F8A];
	s0 =	simm.s32 @p1 $0x1  }
0x15: {  	[smem:$0x3FA7] =	sst s0;
	s0 =	simm.s32 @!p2 $0x0  }
0x16: {  	s3 =	sld [smem:$0x3FDB];
	s0 =	simm.s32 @p2 $0x1  }
0x17: {  	s4 =	simm.s32 $0x1BF5;
	[smem:$0x3FA9] =	sst s0  }
0x18: {  	s0 =	sld [smem:$0x3F8C];
	_ =	swait.ge [sflag:s4], $0x0  }
0x19: {  	s7 =	sld [smem:$0x3F8D]  }
0x1a: {  	s8 =	sadd.s32 $0xFFFFE003, lr  }
0x1b: {  	s9 =	sadd.s32 $0xFFFFFEF7, lr;
	s5 =	simm.s32 $0xFFFFFFFF;
	p2 =	slt.u32 s8, $0xFFFFF086  }
0x1c: {  	p1 =	slt.u32 s9, $0xF7A;
	s5 =	simm.s32 @!p2 $0x0  }
0x1d: {  	s5 =	simm.s32 @p1 $0x1;
	p0 =	seq.s32 s7, s2  }
0x1e: {  	s7 =	smul.u32 @!p0 $0xF7A, s2;
	p2 =	seq.s32 @!p0 s5, $0x0  }
0x1f: {  	s9 =	smul.u32 $0xF7A, s1;
	s8 =	simm.s32 @!p0 $0x1BF5;
	p2 =	por !p2, p0  }
0x20: {  	[sflag:s8] =	ssyncset.s32 @!p0 $0xFFFFF086;
	s6 =	sadd.s32 @!p0 s3, s7;
	s7 =	simm.s32 @!p0 $0x108  }
0x21: {  	s3 =	sadd.s32 s3, s9;
	s6 =	sadd.s32 @!p0 $0x88, s6;
	s7 =	simm.s32 @p2 $0x1082  }
0x22: {  	[simem:s7], [sflag:s8] =	dma.local @!p0 [hbm:s6], $0xF7A  }
0x23: {  	s9 =	sor.u32 $0xD0000000, s2;
	s6 =	simm.s32 $0x108;
	_ =	swait.ge @!p0 [sflag:s8], $0x0  }
0x24: {  	s3 =	sadd.s32 $0x88, s3;
	s6 =	simm.s32 @!p1 $0x1082;
	[sflag:s4] =	ssyncset.s32 $0xFFFFF086  }
0x25: {  	[simem:s6], [sflag:s4] =	dma.local [hbm:s3], $0xF7A  }
0x26: {  	[smem:$0x3F8D] =	sst s1;
	(tag) =	ssettag s2;
	_ =	strace s9  }
0x27: {  	s1 =	sld [smem:$0x3F9D]  }
0x28: {  	s2 =	sld [smem:$0x3F9E]  }
0x29: {  	s4 =	sld [smem:$0x3FA0]  }
0x2a: {  	p0 =	seq.s32 s5, $0x0;
	s5 =	sld [smem:$0x3FA1]  }
0x2b: {  	s6 =	sld [smem:$0x3FA2]  }
0x2c: {  	s7 =	sld [smem:$0x3FA3]  }
0x2d: {  	s3 =	simm.s32 $0x108;
	s8 =	sld [smem:$0x3FA4]  }
0x2e: {  	s3 =	simm.s32 @!p0 $0x1082;
	s9 =	sld [smem:$0x3FA5]  }
0x2f: {  	lr =	sadd.s32 s0, s3;
	s0 =	sld [smem:$0x3F9C]  }
0x30: {  	s3 =	sld [smem:$0x3F9F]  }
0x31: {  	[smem:$0x3FA8] =	sst s10  }
0x32: {  	s10 =	sld [smem:$0x3FA6];
	_ =	sdelay $0x3  }
0x33: {  	p0 =	seq.s32 s10, $0x1;
	s10 =	sld [smem:$0x3FA8];
	_ =	sdelay $0x3  }
0x34: {  	[smem:$0x3FA8] =	sst s10  }
0x35: {  	s10 =	sld [smem:$0x3FA7];
	_ =	sdelay $0x3  }
0x36: {  	p1 =	seq.s32 s10, $0x1;
	s10 =	sld [smem:$0x3FA8];
	_ =	sdelay $0x3  }
0x37: {  	[smem:$0x3FA8] =	sst s10  }
0x38: {  	s10 =	sld [smem:$0x3FA9]  }
0x39: {  	_ = 	snop;
	(pc) =	sbr.ind lr, $3  }
0x3a: {  	_ = 	snop  }
0x3b: {  	_ = 	snop  }
0x3c: {  	p2 =	seq.s32 s10, $0x1;
	s10 =	sld [smem:$0x3FA8]  }
0x3d: {  	_ =	shalt  }
0x3e: {  	_ =	shalt  }
0x3f: {  	_ =	shalt  }
0x40: {  	_ =	shalt  }
0x41: {  	_ =	shalt  }
0x42: {  	_ =	shalt  }
0x43: {  	_ =	shalt  }
0x44: {  	_ =	shalt  }
0x45: {  	_ =	shalt  }
0x46: {  	_ =	shalt  }
0x47: {  	_ =	shalt  }
0x48: {  	_ =	shalt  }
0x49: {  	_ =	shalt  }
0x4a: {  	_ =	shalt  }
0x4b: {  	_ =	shalt  }
0x4c: {  	_ =	shalt  }
0x4d: {  	_ =	shalt  }
0x4e: {  	_ =	shalt  }
0x4f: {  	_ =	shalt  }
0x50: {  	_ =	shalt  }
0x51: {  	_ =	shalt  }
0x52: {  	_ =	shalt  }
0x53: {  	_ =	shalt  }
0x54: {  	_ =	shalt  }
0x55: {  	_ =	shalt  }
0x56: {  	_ =	shalt  }
0x57: {  	_ =	shalt  }
0x58: {  	_ =	shalt  }
0x59: {  	_ =	shalt  }
0x5a: {  	_ =	shalt  }
0x5b: {  	_ =	shalt  }
0x5c: {  	_ =	shalt  }
0x5d: {  	_ =	shalt  }
0x5e: {  	_ =	shalt  }
0x5f: {  	_ =	shalt  }
0x60: {  	_ =	shalt  }
0x61: {  	_ =	shalt  }
0x62: {  	_ =	shalt  }
0x63: {  	_ =	shalt  }
0x64: {  	_ =	shalt  }
0x65: {  	_ =	shalt  }
0x66: {  	_ =	shalt  }
0x67: {  	_ =	shalt  }
0x68: {  	_ =	shalt  }
0x69: {  	_ =	shalt  }
0x6a: {  	_ =	shalt  }
0x6b: {  	_ =	shalt  }
0x6c: {  	_ =	shalt  }
0x6d: {  	_ =	shalt  }
0x6e: {  	_ =	shalt  }
0x6f: {  	_ =	shalt  }
0x70: {  	_ =	shalt  }
0x71: {  	_ =	shalt  }
0x72: {  	_ =	shalt  }
0x73: {  	_ =	shalt  }
0x74: {  	_ =	shalt  }
0x75: {  	_ =	shalt  }
0x76: {  	_ =	shalt  }
0x77: {  	_ =	shalt  }
0x78: {  	_ =	shalt  }
0x79: {  	_ =	shalt  }
0x7a: {  	_ =	shalt  }
0x7b: {  	_ =	shalt  }
0x7c: {  	_ =	shalt  }
0x7d: {  	_ =	shalt  }
0x7e: {  	_ =	shalt  }
0x7f: {  	_ =	shalt  }
0x80: {  	_ =	shalt  }
0x81: {  	_ =	shalt  }
0x82: {  	_ =	shalt  }
0x83: {  	_ =	shalt  }
0x84: {  	_ =	shalt  }
0x85: {  	_ =	shalt  }
0x86: {  	_ =	shalt  }
0x87: {  	_ =	shalt  }
.Lfunc_end0:
.L_simem_size_0:
called_computation.1_lowered:
.L_overlay_start_0:
0x88: {  	s2 =	sld [smem:$0x3FD9]  }
0x89: {  	s3 =	sld [smem:$0x3FFE];
	_ =	sdelay $0x1  }
0x8a: {  	s1 =	srdreg.scid  }
0x8b: {  	s0 =	sand.u32 $0x1, s1  }
0x8c: {  	s17 =	sshll.u32 s0, $0xA;
	s2 =	sadd.s32 s3, s2  }
0x8d: {  	s2 =	sadd.s32 s2, s17  }
0x8e: {  	[smem:$0x3FB4] =	sst s2  }
0x8f: {  	_ = 	snop  }
0x90: {  	s2 =	sld [smem:$0x3FD0];
	(tm) =	ssettm $0x1  }
0x91: {  	s18 =	sld [smem:$0x3FFB];
	_ =	sdelay $0x3  }
0x92: {  	_ =	strace s18  }
0x93: {  	s3 =	sld [smem:$0x3FFC];
	_ =	sdelay $0x3  }
0x94: {  	_ =	strace s3  }
0x95: {  	s3 =	sld [smem:$0x3FFD];
	_ =	sdelay $0x3  }
0x96: {  	_ =	strace s3  }
0x97: {  	_ =	strace $0x8FFFFFFF  }
0x98: {  	s19 =	sld [smem:$0x3FDB];
	_ =	sdelay $0x1  }
0x99: {  	s4 =	simm.s32 $_scs_section_size  }
0x9a: {  	s5 =	simm.s32 $_size__tile_overlayer_lowered;
	s6 =	simm.s32 $_tile_overlayer_lowered  }
0x9b: {  	s22 =	simm.s32 $0x1BFF;
	s21 =	sshll.u32 s6, $0x1;
	s3 =	sadd.s32 s4, s19  }
0x9c: {  	s7 =	simm.s32 $0x0;
	s20 =	sshll.u32 s5, $0x1;
	s5 =	sadd.s32 s21, s3  }
0x9d: {  	[timem:s7], [sflag:s22] =	dma.local [hbm:s5], s20  }
0x9e: {  	_ =	swait.ge [sflag:s22], s20  }
0x9f: {  	s4 =	ssub.s32 $0x0, s20;
	[sflag:s22] =	ssyncset.done $0x0  }
0xa0: {  	[sflag:s22] =	ssyncadd.s32 s4;
	_ =	sdelay $0x1  }
0xa1: {  	s23 =	simm.s32 $0x1B8B  }
0xa2: {  	_ =	swait.ge [sflag:s23], $0x1  }
0xa3: {  	[sflag:s23] =	ssyncset.done $0x0  }
0xa4: {  	s25 =	simm.s32 $0x1B8E;
	s24 =	sld [smem:$0x3FFE];
	[sflag:s23] =	ssyncadd.s32 $0xFFFFFFFF  }
0xa5: {  	s26 =	simm.s32 $execute0_lowered;
	[smem:$0x3FD2] =	sst s25  }
0xa6: {  	s5 =	sshll.u32 s26, $0x1;
	_ =	strace $0x80000049;
	[dreg:$0x1] =	wrdreg $0xFFFFFFFF  }
0xa7: {  	s28 =	simm.s32 $_size_execute0_lowered;
	s3 =	sadd.s32 s3, s5;
	[dreg:$0x0] =	wrdreg $0x0  }
0xa8: {  	s5 =	sshll.u32 s28, $0x1;
	[dreg:$0x2] =	wrdreg s3  }
0xa9: {  	[dreg:$0x3] =	wrdreg s5  }
0xaa: {  	[dreg:$0x4] =	wrdreg $0xC0  }
0xab: {  	_ =	task [dreg:s7], $0x5FFFF  }
0xac: {  	[dreg:$0x1] =	wrdreg $0xFFFFFFFF  }
0xad: {  	[dreg:$0x0] =	wrdreg $0x60  }
0xae: {  	[dreg:$0x2] =	wrdreg s24  }
0xaf: {  	[dreg:$0x3] =	wrdreg s2  }
0xb0: {  	[dreg:$0x4] =	wrdreg $0x9  }
0xb1: {  	_ =	task.clear_ibuf [dreg:s7], $0x5FFFF;
	_ =	strace $0x90000049  }
0xb2: {  	s29 =	simm.s32 $0x9;
	_ =	strace $0x8000004B  }
0xb3: {  	_ =	swait.ge [sflag:s29], $0x1  }
0xb4: {  	[sflag:s29] =	ssyncadd.s32 $0xFFFFFFFF  }
0xb5: {  	_ =	strace $0x9000004B  }
0xb6: {  	_ =	sfence  }
0xb7: {  	s30 =	sld [smem:$0x0];
	_ =	sdelay $0x2  }
0xb8: {  	s31 =	sshll.u32 s1, $0xD;
	s1 =	sshrl.u32 s1, $0x2  }
0xb9: {  	s3 =	sand.u32 $0x4000, s31;
	s1 =	sadd.s32 s1, s30  }
0xba: {  	s0 =	sor.u32 s3, s0;
	s1 =	sshll.u32 s1, $0x11  }
0xbb: {  	s0 =	sor.u32 s1, s0  }
0xbc: {  	s0 =	sadd.s32 $0x8F2B, s0  }
0xbd: {  	[sflag:s0] =	ssyncadd.remote.s32 $0x1  }
0xbe: {  	_ =	sfence.sel $0xFFFF  }
0xbf: {  	[dreg:$0x0] =	wrdreg $0xFFFFFFFF;
	(pc) =	sbr.abs _section_cstart, $3  }
0xc0: {  	[dreg:$0x1] =	wrdreg $0xFFFFFFFF  }
0xc1: {  	_ =	task.clear_ibuf [dreg:s7], $0x2FFFF;
	_ =	strace $0x9FFFFFFF  }
0xc2: {  	(tm) =	ssettm $0x7FFFFFFF  }
0xc3: {  	_ =	shalt  }
tec
execute0_lowered:
.L_overlay_start_1:
0x0: {  	(tag) =	ssettag $0x1  }
0x1: {  	s0 =	rddreg [dreg:$0x0]  }
0x2: {  	s1 =	rddreg [dreg:$0x1];
	s2 =	simm.s32 $0x0;
	s6 =	stileid.u32  }
0x3: {  	s5 =	srdreg.scid;
	s9 =	simm.s32 $0x80;
	s18 =	simm.s32 $0xFD0  }
0x4: {  	s19 =	simm.s32 $0x100;
	s20 =	simm.s32 $0x17A0;
	s21 =	simm.s32 $0x180  }
0x5: {  	s22 =	simm.s32 $0x1F70;
	s23 =	simm.s32 $0x200;
	s24 =	simm.s32 $0x2740  }
0x6: {  	s25 =	simm.s32 $0x280;
	s26 =	simm.s32 $0x2F10;
	[smem:$0x7FF] =	sst s2  }
0x7: {  	s31 =	simm.s32 $0x300;
	_ =	strace $0x8000004A;
	[dreg:$0x3] =	wrdreg s9  }
0x8: {  	s10 =	simm.s32 $0x36E0;
	s11 =	simm.s32 $0x380;
	[dreg:$0x4] =	wrdreg s18  }
0x9: {  	s12 =	simm.s32 $0x3EB0;
	s13 =	simm.s32 $0x400;
	[dreg:$0x5] =	wrdreg s19  }
0xa: {  	s14 =	simm.s32 $0x4680;
	s15 =	simm.s32 $0x480;
	[dreg:$0x6] =	wrdreg s20  }
0xb: {  	s16 =	simm.s32 $0x4E50;
	s28 =	simm.s32 $0x780;
	[dreg:$0x7] =	wrdreg s21  }
0xc: {  	s29 =	simm.s32 $0x7D30;
	s30 =	simm.s32 $0x1;
	[dreg:$0x8] =	wrdreg s22  }
0xd: {  	s4 =	smul.u32 $0x9C40, s6;
	s3 =	sadd.s32 $0x3A00, s0;
	[dreg:$0x9] =	wrdreg s23  }
0xe: {  	s5 =	sand.u32 $0x1, s5;
	s6 =	smul.u32 $0x4E20, s6;
	[dreg:$0xa] =	wrdreg s24  }
0xf: {  	s17 =	ssub.s32 $0x2, s5;
	s8 =	smul.u32 $0x2710, s5;
	[dreg:$0xb] =	wrdreg s25  }
0x10: {  	s5 =	smul.u32 $0x4E20, s5;
	[dreg:$0xc] =	wrdreg s26;
	s9 =	simm.s32 $0x800  }
0x11: {  	[dreg:$0xd] =	wrdreg s31;
	s18 =	simm.s32 $0x5620;
	s19 =	simm.s32 $0x580  }
0x12: {  	s20 =	simm.s32 $0x5DF0;
	s21 =	simm.s32 $0x600;
	s22 =	simm.s32 $0x65C0  }
0x13: {  	s23 =	simm.s32 $0x680;
	s24 =	simm.s32 $0x6D90;
	s25 =	simm.s32 $0x700  }
0x14: {  	s26 =	simm.s32 $0x7560;
	s7 =	sshrl.u32 s17, $0x1;
	s6 =	sadd.s32 s8, s6  }
0x15: {  	s0 =	sadd.s32 s4, s0;
	s4 =	ssub.s32 s17, s7;
	s6 =	smulhi.u32 $0x20C49BB, s6  }
0x16: {  	s0 =	sadd.s32 s5, s0;
	s7 =	simm.s32 $0x2;
	s4 =	smax.u32 s4, $0x1  }
0x17: {  	s0 =	sadd.s32 $0x8A00, s0;
	[dreg:$0xe] =	wrdreg s4;
	s6 =	sshll.u32 s6, $0x4  }
0x18: {  	s8 =	simm.s32 $0x7D;
	[dreg:$0x10] =	wrdreg s0;
	s1 =	sadd.s32 s6, s1  }
0x19: {  	s17 =	simm.s32 $0x500;
	[dreg:$0xf] =	wrdreg s1;
	s1 =	simm.s32 $0x0  }
.LBB2_1:
0x1a: {  	[dreg:$0x11] =	wrdreg s1  }
0x1b: {  	s1 =	rddreg [dreg:$0xf]  }
0x1c: {  	[tilespmem:s2], [sflag:$0x2] =	stream.linear.gather [hbm4b:s1+s2], $0x800, $0x38;
	[tilespmem:$0x8500] =	vst v63  }
0x1d: {  	_ =	swait.ge [sflag:s7], $0x800  }
0x1e: {  	s0 =	rddreg [dreg:$0x5]  }
0x1f: {  	s4 =	rddreg [dreg:$0x3]  }
0x20: {  	[sflag:s7] =	ssyncset.done $0x0;
	s5 =	rddreg [dreg:$0x4]  }
0x21: {  	s6 =	rddreg [dreg:$0x6];
	[sflag:s7] =	ssyncadd.s32 $0xFFFFF800  }
0x22: {  	[tilespmem:s9], [sflag:$0x1] =	stream.indirect.gather [hbm4b:s3+s8], $0x10, s2, s8, $0xb8;
	[tilespmem:$0x8500] =	vst v63  }
0x23: {  	s31 =	rddreg [dreg:$0x9]  }
0x24: {  	[tilespmem:s5], [sflag:$0x1] =	stream.indirect.gather [hbm4b:s3+s8], $0x10, s4, s8, $0xb8;
	[tilespmem:$0x8500] =	vst v63  }
0x25: {  	s4 =	rddreg [dreg:$0x7]  }
0x26: {  	s5 =	rddreg [dreg:$0x8]  }
0x27: {  	[tilespmem:s6], [sflag:$0x1] =	stream.indirect.gather [hbm4b:s3+s8], $0x10, s0, s8, $0xb8;
	[tilespmem:$0x8500] =	vst v63  }
0x28: {  	s6 =	rddreg [dreg:$0xa]  }
0x29: {  	[tilespmem:s5], [sflag:$0x1] =	stream.indirect.gather [hbm4b:s3+s8], $0x10, s4, s8, $0xb8;
	[tilespmem:$0x8500] =	vst v63  }
0x2a: {  	s4 =	rddreg [dreg:$0xc]  }
0x2b: {  	[tilespmem:s6], [sflag:$0x1] =	stream.indirect.gather [hbm4b:s3+s8], $0x10, s31, s8, $0xb8;
	[tilespmem:$0x8500] =	vst v63  }
0x2c: {  	s5 =	rddreg [dreg:$0xb]  }
0x2d: {  	[tilespmem:s4], [sflag:$0x1] =	stream.indirect.gather [hbm4b:s3+s8], $0x10, s5, s8, $0xb8;
	[tilespmem:$0x8500] =	vst v63  }
0x2e: {  	s31 =	rddreg [dreg:$0xd]  }
0x2f: {  	[tilespmem:s10], [sflag:$0x1] =	stream.indirect.gather [hbm4b:s3+s8], $0x10, s31, s8, $0xb8;
	[tilespmem:$0x8500] =	vst v63  }
0x30: {  	_ = 	snop  }
0x31: {  	[tilespmem:s12], [sflag:$0x1] =	stream.indirect.gather [hbm4b:s3+s8], $0x10, s11, s8, $0xb8;
	[tilespmem:$0x8500] =	vst v63  }
0x32: {  	_ = 	snop  }
0x33: {  	[tilespmem:s14], [sflag:$0x1] =	stream.indirect.gather [hbm4b:s3+s8], $0x10, s13, s8, $0xb8;
	[tilespmem:$0x8500] =	vst v63  }
0x34: {  	_ = 	snop  }
0x35: {  	[tilespmem:s16], [sflag:$0x1] =	stream.indirect.gather [hbm4b:s3+s8], $0x10, s15, s8, $0xb8;
	[tilespmem:$0x8500] =	vst v63  }
0x36: {  	_ = 	snop  }
0x37: {  	[tilespmem:s18], [sflag:$0x1] =	stream.indirect.gather [hbm4b:s3+s8], $0x10, s17, s8, $0xb8;
	[tilespmem:$0x8500] =	vst v63  }
0x38: {  	_ = 	snop  }
0x39: {  	[tilespmem:s20], [sflag:$0x1] =	stream.indirect.gather [hbm4b:s3+s8], $0x10, s19, s8, $0xb8;
	[tilespmem:$0x8500] =	vst v63  }
0x3a: {  	_ = 	snop  }
0x3b: {  	[tilespmem:s22], [sflag:$0x1] =	stream.indirect.gather [hbm4b:s3+s8], $0x10, s21, s8, $0xb8;
	[tilespmem:$0x8500] =	vst v63  }
0x3c: {  	_ = 	snop  }
0x3d: {  	[tilespmem:s24], [sflag:$0x1] =	stream.indirect.gather [hbm4b:s3+s8], $0x10, s23, s8, $0xb8;
	[tilespmem:$0x8500] =	vst v63  }
0x3e: {  	_ = 	snop  }
0x3f: {  	[tilespmem:s26], [sflag:$0x1] =	stream.indirect.gather [hbm4b:s3+s8], $0x10, s25, s8, $0xb8;
	[tilespmem:$0x8500] =	vst v63  }
0x40: {  	_ = 	snop  }
0x41: {  	[tilespmem:s29], [sflag:$0x1] =	stream.indirect.gather [hbm4b:s3+s8], $0x10, s28, s8, $0xb8;
	[tilespmem:$0x8500] =	vst v63  }
0x42: {  	_ =	swait.ge [sflag:s30], $0x7D0  }
0x43: {  	[sflag:s30] =	ssyncset.done $0x0  }
0x44: {  	[sflag:s30] =	ssyncadd.s32 $0xFFFFF830  }
0x45: {  	_ =	swait.ge [sflag:s30], $0x7D0  }
0x46: {  	[sflag:s30] =	ssyncset.done $0x0  }
0x47: {  	[sflag:s30] =	ssyncadd.s32 $0xFFFFF830  }
0x48: {  	_ =	swait.ge [sflag:s30], $0x7D0  }
0x49: {  	[sflag:s30] =	ssyncset.done $0x0  }
0x4a: {  	[sflag:s30] =	ssyncadd.s32 $0xFFFFF830  }
0x4b: {  	_ =	swait.ge [sflag:s30], $0x7D0  }
0x4c: {  	[sflag:s30] =	ssyncset.done $0x0  }
0x4d: {  	[sflag:s30] =	ssyncadd.s32 $0xFFFFF830  }
0x4e: {  	_ =	swait.ge [sflag:s30], $0x7D0  }
0x4f: {  	[sflag:s30] =	ssyncset.done $0x0  }
0x50: {  	[sflag:s30] =	ssyncadd.s32 $0xFFFFF830  }
0x51: {  	_ =	swait.ge [sflag:s30], $0x7D0  }
0x52: {  	[sflag:s30] =	ssyncset.done $0x0  }
0x53: {  	[sflag:s30] =	ssyncadd.s32 $0xFFFFF830  }
0x54: {  	_ =	swait.ge [sflag:s30], $0x7D0  }
0x55: {  	[sflag:s30] =	ssyncset.done $0x0  }
0x56: {  	[sflag:s30] =	ssyncadd.s32 $0xFFFFF830  }
0x57: {  	_ =	swait.ge [sflag:s30], $0x7D0  }
0x58: {  	[sflag:s30] =	ssyncset.done $0x0  }
0x59: {  	[sflag:s30] =	ssyncadd.s32 $0xFFFFF830  }
0x5a: {  	_ =	swait.ge [sflag:s30], $0x7D0  }
0x5b: {  	[sflag:s30] =	ssyncset.done $0x0  }
0x5c: {  	[sflag:s30] =	ssyncadd.s32 $0xFFFFF830  }
0x5d: {  	_ =	swait.ge [sflag:s30], $0x7D0  }
0x5e: {  	[sflag:s30] =	ssyncset.done $0x0  }
0x5f: {  	[sflag:s30] =	ssyncadd.s32 $0xFFFFF830  }
0x60: {  	_ =	swait.ge [sflag:s30], $0x7D0  }
0x61: {  	[sflag:s30] =	ssyncset.done $0x0  }
0x62: {  	[sflag:s30] =	ssyncadd.s32 $0xFFFFF830  }
0x63: {  	_ =	swait.ge [sflag:s30], $0x7D0  }
0x64: {  	[sflag:s30] =	ssyncset.done $0x0  }
0x65: {  	[sflag:s30] =	ssyncadd.s32 $0xFFFFF830  }
0x66: {  	_ =	swait.ge [sflag:s30], $0x7D0  }
0x67: {  	[sflag:s30] =	ssyncset.done $0x0  }
0x68: {  	[sflag:s30] =	ssyncadd.s32 $0xFFFFF830  }
0x69: {  	_ =	swait.ge [sflag:s30], $0x7D0  }
0x6a: {  	[sflag:s30] =	ssyncset.done $0x0  }
0x6b: {  	[sflag:s30] =	ssyncadd.s32 $0xFFFFF830  }
0x6c: {  	_ =	swait.ge [sflag:s30], $0x7D0  }
0x6d: {  	[sflag:s30] =	ssyncset.done $0x0  }
0x6e: {  	[sflag:s30] =	ssyncadd.s32 $0xFFFFF830  }
0x6f: {  	_ =	swait.ge [sflag:s30], $0x7D0  }
0x70: {  	s0 =	simm.s32 $0x10;
	s4 =	rddreg [dreg:$0x10]  }
0x71: {  	s5 =	smov.u32 s1;
	[sflag:s30] =	ssyncset.done $0x0;
	s6 =	smov.u32 s4  }
.LBB2_2:
0x72: {  	[sflag:s30] =	ssyncadd.s32 $0xFFFFF830  }
0x73: {  	[hbm4b:s4+s2] =	stream.linear.scatter [tilespmem:s9], [sflag:$0x2], $0x7D00, $0x38;
	[tilespmem:$0x8500] =	vst v63  }
0x74: {  	_ =	swait.ge [sflag:s7], $0x7D00  }
0x75: {  	[sflag:s7] =	ssyncset.done $0x0  }
0x76: {  	s5 =	sadd.s32 $0x100, s5;
	[sflag:s7] =	ssyncadd.s32 $0xFFFF8300  }
0x77: {  	[tilespmem:s2], [sflag:$0x2] =	stream.linear.gather [hbm4b:s5+s2], $0x800, $0x38;
	[tilespmem:$0x8500] =	vst v63  }
0x78: {  	_ =	swait.ge [sflag:s7], $0x800  }
0x79: {  	s1 =	rddreg [dreg:$0xc]  }
0x7a: {  	s31 =	rddreg [dreg:$0xa]  }
0x7b: {  	s10 =	rddreg [dreg:$0x7]  }
0x7c: {  	[sflag:s7] =	ssyncset.done $0x0;
	s11 =	rddreg [dreg:$0x5]  }
0x7d: {  	s12 =	rddreg [dreg:$0x3];
	[sflag:s7] =	ssyncadd.s32 $0xFFFFF800  }
0x7e: {  	[tilespmem:s9], [sflag:$0x1] =	stream.indirect.gather [hbm4b:s3+s8], $0x10, s2, s8, $0xb8;
	[tilespmem:$0x8500] =	vst v63  }
0x7f: {  	s13 =	rddreg [dreg:$0x4]  }
0x80: {  	[tilespmem:s13], [sflag:$0x1] =	stream.indirect.gather [hbm4b:s3+s8], $0x10, s12, s8, $0xb8;
	[tilespmem:$0x8500] =	vst v63  }
0x81: {  	s14 =	rddreg [dreg:$0x6]  }
0x82: {  	[tilespmem:s14], [sflag:$0x1] =	stream.indirect.gather [hbm4b:s3+s8], $0x10, s11, s8, $0xb8;
	[tilespmem:$0x8500] =	vst v63  }
0x83: {  	s12 =	rddreg [dreg:$0x8]  }
0x84: {  	[tilespmem:s12], [sflag:$0x1] =	stream.indirect.gather [hbm4b:s3+s8], $0x10, s10, s8, $0xb8;
	[tilespmem:$0x8500] =	vst v63  }
0x85: {  	s11 =	rddreg [dreg:$0x9]  }
0x86: {  	[tilespmem:s31], [sflag:$0x1] =	stream.indirect.gather [hbm4b:s3+s8], $0x10, s11, s8, $0xb8;
	[tilespmem:$0x8500] =	vst v63  }
0x87: {  	s10 =	rddreg [dreg:$0xb]  }
0x88: {  	[tilespmem:s1], [sflag:$0x1] =	stream.indirect.gather [hbm4b:s3+s8], $0x10, s10, s8, $0xb8;
	[tilespmem:$0x8500] =	vst v63  }
0x89: {  	s31 =	rddreg [dreg:$0xd];
	s10 =	simm.s32 $0x36E0  }
0x8a: {  	[tilespmem:s10], [sflag:$0x1] =	stream.indirect.gather [hbm4b:s3+s8], $0x10, s31, s8, $0xb8;
	[tilespmem:$0x8500] =	vst v63  }
0x8b: {  	s12 =	simm.s32 $0x3EB0;
	s11 =	simm.s32 $0x380  }
0x8c: {  	[tilespmem:s12], [sflag:$0x1] =	stream.indirect.gather [hbm4b:s3+s8], $0x10, s11, s8, $0xb8;
	[tilespmem:$0x8500] =	vst v63  }
0x8d: {  	s13 =	simm.s32 $0x400;
	s14 =	simm.s32 $0x4680  }
0x8e: {  	[tilespmem:s14], [sflag:$0x1] =	stream.indirect.gather [hbm4b:s3+s8], $0x10, s13, s8, $0xb8;
	[tilespmem:$0x8500] =	vst v63  }
0x8f: {  	_ = 	snop  }
0x90: {  	[tilespmem:s16], [sflag:$0x1] =	stream.indirect.gather [hbm4b:s3+s8], $0x10, s15, s8, $0xb8;
	[tilespmem:$0x8500] =	vst v63  }
0x91: {  	_ = 	snop  }
0x92: {  	[tilespmem:s18], [sflag:$0x1] =	stream.indirect.gather [hbm4b:s3+s8], $0x10, s17, s8, $0xb8;
	[tilespmem:$0x8500] =	vst v63  }
0x93: {  	_ = 	snop  }
0x94: {  	[tilespmem:s20], [sflag:$0x1] =	stream.indirect.gather [hbm4b:s3+s8], $0x10, s19, s8, $0xb8;
	[tilespmem:$0x8500] =	vst v63  }
0x95: {  	_ = 	snop  }
0x96: {  	[tilespmem:s22], [sflag:$0x1] =	stream.indirect.gather [hbm4b:s3+s8], $0x10, s21, s8, $0xb8;
	[tilespmem:$0x8500] =	vst v63  }
0x97: {  	_ = 	snop  }
0x98: {  	[tilespmem:s24], [sflag:$0x1] =	stream.indirect.gather [hbm4b:s3+s8], $0x10, s23, s8, $0xb8;
	[tilespmem:$0x8500] =	vst v63  }
0x99: {  	_ = 	snop  }
0x9a: {  	[tilespmem:s26], [sflag:$0x1] =	stream.indirect.gather [hbm4b:s3+s8], $0x10, s25, s8, $0xb8;
	[tilespmem:$0x8500] =	vst v63  }
0x9b: {  	_ = 	snop  }
0x9c: {  	[tilespmem:s29], [sflag:$0x1] =	stream.indirect.gather [hbm4b:s3+s8], $0x10, s28, s8, $0xb8;
	[tilespmem:$0x8500] =	vst v63  }
0x9d: {  	_ =	swait.ge [sflag:s30], $0x7D0  }
0x9e: {  	[sflag:s30] =	ssyncset.done $0x0  }
0x9f: {  	[sflag:s30] =	ssyncadd.s32 $0xFFFFF830  }
0xa0: {  	_ =	swait.ge [sflag:s30], $0x7D0  }
0xa1: {  	[sflag:s30] =	ssyncset.done $0x0  }
0xa2: {  	[sflag:s30] =	ssyncadd.s32 $0xFFFFF830  }
0xa3: {  	_ =	swait.ge [sflag:s30], $0x7D0  }
0xa4: {  	[sflag:s30] =	ssyncset.done $0x0  }
0xa5: {  	[sflag:s30] =	ssyncadd.s32 $0xFFFFF830  }
0xa6: {  	_ =	swait.ge [sflag:s30], $0x7D0  }
0xa7: {  	[sflag:s30] =	ssyncset.done $0x0  }
0xa8: {  	[sflag:s30] =	ssyncadd.s32 $0xFFFFF830  }
0xa9: {  	_ =	swait.ge [sflag:s30], $0x7D0  }
0xaa: {  	[sflag:s30] =	ssyncset.done $0x0  }
0xab: {  	[sflag:s30] =	ssyncadd.s32 $0xFFFFF830  }
0xac: {  	_ =	swait.ge [sflag:s30], $0x7D0  }
0xad: {  	[sflag:s30] =	ssyncset.done $0x0  }
0xae: {  	[sflag:s30] =	ssyncadd.s32 $0xFFFFF830  }
0xaf: {  	_ =	swait.ge [sflag:s30], $0x7D0  }
0xb0: {  	[sflag:s30] =	ssyncset.done $0x0  }
0xb1: {  	[sflag:s30] =	ssyncadd.s32 $0xFFFFF830  }
0xb2: {  	_ =	swait.ge [sflag:s30], $0x7D0  }
0xb3: {  	[sflag:s30] =	ssyncset.done $0x0  }
0xb4: {  	[sflag:s30] =	ssyncadd.s32 $0xFFFFF830  }
0xb5: {  	_ =	swait.ge [sflag:s30], $0x7D0  }
0xb6: {  	[sflag:s30] =	ssyncset.done $0x0  }
0xb7: {  	[sflag:s30] =	ssyncadd.s32 $0xFFFFF830  }
0xb8: {  	_ =	swait.ge [sflag:s30], $0x7D0  }
0xb9: {  	[sflag:s30] =	ssyncset.done $0x0  }
0xba: {  	[sflag:s30] =	ssyncadd.s32 $0xFFFFF830  }
0xbb: {  	_ =	swait.ge [sflag:s30], $0x7D0  }
0xbc: {  	[sflag:s30] =	ssyncset.done $0x0  }
0xbd: {  	[sflag:s30] =	ssyncadd.s32 $0xFFFFF830  }
0xbe: {  	_ =	swait.ge [sflag:s30], $0x7D0  }
0xbf: {  	[sflag:s30] =	ssyncset.done $0x0  }
0xc0: {  	[sflag:s30] =	ssyncadd.s32 $0xFFFFF830  }
0xc1: {  	_ =	swait.ge [sflag:s30], $0x7D0  }
0xc2: {  	[sflag:s30] =	ssyncset.done $0x0  }
0xc3: {  	[sflag:s30] =	ssyncadd.s32 $0xFFFFF830  }
0xc4: {  	_ =	swait.ge [sflag:s30], $0x7D0  }
0xc5: {  	[sflag:s30] =	ssyncset.done $0x0  }
0xc6: {  	p0 =	sne.s32 s0, $0x40;
	[sflag:s30] =	ssyncadd.s32 $0xFFFFF830  }
.Ltmp0:
0xc7: {  	_ =	swait.ge [sflag:s30], $0x7D0;
	(pc) =	sbr.rel @p0 .LBB2_2-.Ltmp0, $4  }
0xc8: {  	[sflag:s30] =	ssyncset.done $0x0  }
0xc9: {  	[sflag:s30] =	ssyncadd.s32 $0xFFFFF830  }
0xca: {  	s6 =	sadd.s32 $0xFA0, s6;
	_ =	swait.ge [sflag:s30], $0x7D0  }
0xcb: {  	s0 =	sadd.s32 $0x10, s0;
	s4 =	smov.u32 s6;
	[sflag:s30] =	ssyncset.done $0x0  }
0xcc: {  	[sflag:s30] =	ssyncadd.s32 $0xFFFFF830  }
0xcd: {  	[hbm4b:s4+s2] =	stream.linear.scatter [tilespmem:s9], [sflag:$0x2], $0x7D00, $0x38;
	[tilespmem:$0x8500] =	vst v63  }
0xce: {  	_ =	swait.ge [sflag:s7], $0x7D00  }
0xcf: {  	s1 =	rddreg [dreg:$0x11]  }
0xd0: {  	s0 =	rddreg [dreg:$0xe];
	s1 =	sadd.s32 $0x1, s1  }
0xd1: {  	p0 =	sne.s32 s1, s0  }
.Ltmp1:
0xd2: {  	_ = 	snop;
	(pc) =	sbr.rel @p0 .LBB2_1-.Ltmp1, $3  }
0xd3: {  	_ =	sdelay $0x1  }
0xd4: {  	[sflag:s7] =	ssyncset.done $0x0  }
0xd5: {  	[sflag:s7] =	ssyncadd.s32 $0xFFFF8300  }
0xd6: {  	_ =	sfence.sel $0x180000  }
0xd7: {  	[bflag:$0x0] =	sbarrier.arrive $0xFFFF  }
0xd8: {  	_ =	strace $0x9000004A  }
0xd9: {  	s0 =	stileid.u32;
	[bflag:$0x2] =	sbarrier.arrive $0xFFFF  }
0xda: {  	p0 =	sne.s32 s0, $0x0;
	s0 =	rddreg [dreg:$0x2]  }
0xdb: {  	s0 =	sadd.s32 @!p0 $0x100000, s0  }
0xdc: {  	[sflag:s0] =	ssyncadd.tile.s32 @!p0 $0x1;
	_ =	shalt  }
.Lfunc_end2:
_tile_overlayer_lowered:
.L_overlay_start_2:
0xdd: {  	(tag) =	ssettag $0x2  }
0xde: {  	s0 =	rddreg [dreg:$0x0];
	s2 =	stileid.u32  }
0xdf: {  	s1 =	rddreg [dreg:$0x1];
	p0 =	sne.s32 s2, $0x0  }
0xe0: {  	s3 =	rddreg [dreg:$0x2];
	[bflag:$0x3] =	sbarrier.arrive $0xFFFF;
	s2 =	simm.s32 @!p0 $0x1C02  }
0xe1: {  	[timem:s3], [sflag:s2] =	dma.local @!p0 [hbm:s0], s1  }
0xe2: {  	s0 =	simm.s32 @!p0 $0x2  }
0xe3: {  	_ =	swait.ge @!p0 [sflag:s0], s1  }
0xe4: {  	s1 =	ssub.s32 @!p0 $0x0, s1;
	[sflag:s0] =	ssyncset.done @!p0 $0x0  }
0xe5: {  	[sflag:s0] =	ssyncadd.s32 @!p0 s1  }
0xe6: {  	[bflag:$0x3] =	sbarrier.arrive $0xFFFF  }
0xe7: {  	_ =	shalt  }

// kernel: kernel.14.cloned.1.call-start
scs
__scs_entry_jumppad:
0x0: {  	(pc) =	sbr.rel $0x88, $3  }
0x1: {  	(tag) =	ssettag $0x0;
	lr =	simm.s32 $0x1  }
0x2: {  	[smem:$0x3F8D] =	sst lr;
	_ =	strace $0xD0000000  }
0x3: {  	_ = 	snop  }
0x4: {  	_ = 	snop  }
0x5: {  	_ = 	snop  }
0x6: {  	_ = 	snop  }
0x7: {  	_ = 	snop  }
__scs_overlays_trampoline_lowered:
0x8: {  	[smem:$0x3F9C] =	sst s0  }
0x9: {  	[smem:$0x3F9D] =	sst s1  }
0xa: {  	[smem:$0x3F9E] =	sst s2  }
0xb: {  	[smem:$0x3F9F] =	sst s3  }
0xc: {  	[smem:$0x3FA0] =	sst s4  }
0xd: {  	[smem:$0x3FA1] =	sst s5  }
0xe: {  	[smem:$0x3FA2] =	sst s6  }
0xf: {  	[smem:$0x3FA3] =	sst s7  }
0x10: {  	[smem:$0x3FA4] =	sst s8  }
0x11: {  	[smem:$0x3FA5] =	sst s9;
	s0 =	simm.s32 @!p0 $0x0  }
0x12: {  	s1 =	sld [smem:$0x3F8B];
	s0 =	simm.s32 @p0 $0x1  }
0x13: {  	[smem:$0x3FA6] =	sst s0;
	s0 =	simm.s32 @!p1 $0x0  }
0x14: {  	s2 =	sld [smem:$0x3F8A];
	s0 =	simm.s32 @p1 $0x1  }
0x15: {  	[smem:$0x3FA7] =	sst s0;
	s0 =	simm.s32 @!p2 $0x0  }
0x16: {  	s3 =	sld [smem:$0x3FDB];
	s0 =	simm.s32 @p2 $0x1  }
0x17: {  	s4 =	simm.s32 $0x1BF5;
	[smem:$0x3FA9] =	sst s0  }
0x18: {  	s0 =	sld [smem:$0x3F8C];
	_ =	swait.ge [sflag:s4], $0x0  }
0x19: {  	s7 =	sld [smem:$0x3F8D]  }
0x1a: {  	s8 =	sadd.s32 $0xFFFFE003, lr  }
0x1b: {  	s9 =	sadd.s32 $0xFFFFFEF7, lr;
	s5 =	simm.s32 $0xFFFFFFFF;
	p2 =	slt.u32 s8, $0xFFFFF086  }
0x1c: {  	p1 =	slt.u32 s9, $0xF7A;
	s5 =	simm.s32 @!p2 $0x0  }
0x1d: {  	s5 =	simm.s32 @p1 $0x1;
	p0 =	seq.s32 s7, s2  }
0x1e: {  	s7 =	smul.u32 @!p0 $0xF7A, s2;
	p2 =	seq.s32 @!p0 s5, $0x0  }
0x1f: {  	s9 =	smul.u32 $0xF7A, s1;
	s8 =	simm.s32 @!p0 $0x1BF5;
	p2 =	por !p2, p0  }
0x20: {  	[sflag:s8] =	ssyncset.s32 @!p0 $0xFFFFF086;
	s6 =	sadd.s32 @!p0 s3, s7;
	s7 =	simm.s32 @!p0 $0x108  }
0x21: {  	s3 =	sadd.s32 s3, s9;
	s6 =	sadd.s32 @!p0 $0x88, s6;
	s7 =	simm.s32 @p2 $0x1082  }
0x22: {  	[simem:s7], [sflag:s8] =	dma.local @!p0 [hbm:s6], $0xF7A  }
0x23: {  	s9 =	sor.u32 $0xD0000000, s2;
	s6 =	simm.s32 $0x108;
	_ =	swait.ge @!p0 [sflag:s8], $0x0  }
0x24: {  	s3 =	sadd.s32 $0x88, s3;
	s6 =	simm.s32 @!p1 $0x1082;
	[sflag:s4] =	ssyncset.s32 $0xFFFFF086  }
0x25: {  	[simem:s6], [sflag:s4] =	dma.local [hbm:s3], $0xF7A  }
0x26: {  	[smem:$0x3F8D] =	sst s1;
	(tag) =	ssettag s2;
	_ =	strace s9  }
0x27: {  	s1 =	sld [smem:$0x3F9D]  }
0x28: {  	s2 =	sld [smem:$0x3F9E]  }
0x29: {  	s4 =	sld [smem:$0x3FA0]  }
0x2a: {  	p0 =	seq.s32 s5, $0x0;
	s5 =	sld [smem:$0x3FA1]  }
0x2b: {  	s6 =	sld [smem:$0x3FA2]  }
0x2c: {  	s7 =	sld [smem:$0x3FA3]  }
0x2d: {  	s3 =	simm.s32 $0x108;
	s8 =	sld [smem:$0x3FA4]  }
0x2e: {  	s3 =	simm.s32 @!p0 $0x1082;
	s9 =	sld [smem:$0x3FA5]  }
0x2f: {  	lr =	sadd.s32 s0, s3;
	s0 =	sld [smem:$0x3F9C]  }
0x30: {  	s3 =	sld [smem:$0x3F9F]  }
0x31: {  	[smem:$0x3FA8] =	sst s10  }
0x32: {  	s10 =	sld [smem:$0x3FA6];
	_ =	sdelay $0x3  }
0x33: {  	p0 =	seq.s32 s10, $0x1;
	s10 =	sld [smem:$0x3FA8];
	_ =	sdelay $0x3  }
0x34: {  	[smem:$0x3FA8] =	sst s10  }
0x35: {  	s10 =	sld [smem:$0x3FA7];
	_ =	sdelay $0x3  }
0x36: {  	p1 =	seq.s32 s10, $0x1;
	s10 =	sld [smem:$0x3FA8];
	_ =	sdelay $0x3  }
0x37: {  	[smem:$0x3FA8] =	sst s10  }
0x38: {  	s10 =	sld [smem:$0x3FA9]  }
0x39: {  	_ = 	snop;
	(pc) =	sbr.ind lr, $3  }
0x3a: {  	_ = 	snop  }
0x3b: {  	_ = 	snop  }
0x3c: {  	p2 =	seq.s32 s10, $0x1;
	s10 =	sld [smem:$0x3FA8]  }
0x3d: {  	_ =	shalt  }
0x3e: {  	_ =	shalt  }
0x3f: {  	_ =	shalt  }
0x40: {  	_ =	shalt  }
0x41: {  	_ =	shalt  }
0x42: {  	_ =	shalt  }
0x43: {  	_ =	shalt  }
0x44: {  	_ =	shalt  }
0x45: {  	_ =	shalt  }
0x46: {  	_ =	shalt  }
0x47: {  	_ =	shalt  }
0x48: {  	_ =	shalt  }
0x49: {  	_ =	shalt  }
0x4a: {  	_ =	shalt  }
0x4b: {  	_ =	shalt  }
0x4c: {  	_ =	shalt  }
0x4d: {  	_ =	shalt  }
0x4e: {  	_ =	shalt  }
0x4f: {  	_ =	shalt  }
0x50: {  	_ =	shalt  }
0x51: {  	_ =	shalt  }
0x52: {  	_ =	shalt  }
0x53: {  	_ =	shalt  }
0x54: {  	_ =	shalt  }
0x55: {  	_ =	shalt  }
0x56: {  	_ =	shalt  }
0x57: {  	_ =	shalt  }
0x58: {  	_ =	shalt  }
0x59: {  	_ =	shalt  }
0x5a: {  	_ =	shalt  }
0x5b: {  	_ =	shalt  }
0x5c: {  	_ =	shalt  }
0x5d: {  	_ =	shalt  }
0x5e: {  	_ =	shalt  }
0x5f: {  	_ =	shalt  }
0x60: {  	_ =	shalt  }
0x61: {  	_ =	shalt  }
0x62: {  	_ =	shalt  }
0x63: {  	_ =	shalt  }
0x64: {  	_ =	shalt  }
0x65: {  	_ =	shalt  }
0x66: {  	_ =	shalt  }
0x67: {  	_ =	shalt  }
0x68: {  	_ =	shalt  }
0x69: {  	_ =	shalt  }
0x6a: {  	_ =	shalt  }
0x6b: {  	_ =	shalt  }
0x6c: {  	_ =	shalt  }
0x6d: {  	_ =	shalt  }
0x6e: {  	_ =	shalt  }
0x6f: {  	_ =	shalt  }
0x70: {  	_ =	shalt  }
0x71: {  	_ =	shalt  }
0x72: {  	_ =	shalt  }
0x73: {  	_ =	shalt  }
0x74: {  	_ =	shalt  }
0x75: {  	_ =	shalt  }
0x76: {  	_ =	shalt  }
0x77: {  	_ =	shalt  }
0x78: {  	_ =	shalt  }
0x79: {  	_ =	shalt  }
0x7a: {  	_ =	shalt  }
0x7b: {  	_ =	shalt  }
0x7c: {  	_ =	shalt  }
0x7d: {  	_ =	shalt  }
0x7e: {  	_ =	shalt  }
0x7f: {  	_ =	shalt  }
0x80: {  	_ =	shalt  }
0x81: {  	_ =	shalt  }
0x82: {  	_ =	shalt  }
0x83: {  	_ =	shalt  }
0x84: {  	_ =	shalt  }
0x85: {  	_ =	shalt  }
0x86: {  	_ =	shalt  }
0x87: {  	_ =	shalt  }
.Lfunc_end0:
.L_simem_size_0:
called_computation.2_lowered:
.L_overlay_start_0:
0x88: {  	s2 =	sld [smem:$0x3FD9]  }
0x89: {  	s3 =	sld [smem:$0x3FFE];
	_ =	sdelay $0x1  }
0x8a: {  	s1 =	srdreg.scid  }
0x8b: {  	s0 =	sand.u32 $0x1, s1  }
0x8c: {  	s17 =	sshll.u32 s0, $0xA;
	s2 =	sadd.s32 s3, s2  }
0x8d: {  	s2 =	sadd.s32 s2, s17  }
0x8e: {  	[smem:$0x3FB4] =	sst s2  }
0x8f: {  	_ = 	snop  }
0x90: {  	s2 =	sld [smem:$0x3FD0];
	(tm) =	ssettm $0x1  }
0x91: {  	s18 =	sld [smem:$0x3FFB];
	_ =	sdelay $0x3  }
0x92: {  	_ =	strace s18  }
0x93: {  	s3 =	sld [smem:$0x3FFC];
	_ =	sdelay $0x3  }
0x94: {  	_ =	strace s3  }
0x95: {  	s3 =	sld [smem:$0x3FFD];
	_ =	sdelay $0x3  }
0x96: {  	_ =	strace s3  }
0x97: {  	_ =	strace $0x8FFFFFFF  }
0x98: {  	s19 =	sld [smem:$0x3FDB];
	_ =	sdelay $0x1  }
0x99: {  	s4 =	simm.s32 $_scs_section_size  }
0x9a: {  	s5 =	simm.s32 $_size__tile_overlayer_lowered;
	s6 =	simm.s32 $_tile_overlayer_lowered  }
0x9b: {  	s22 =	simm.s32 $0x1BFF;
	s21 =	sshll.u32 s6, $0x1;
	s3 =	sadd.s32 s4, s19  }
0x9c: {  	s7 =	simm.s32 $0x0;
	s20 =	sshll.u32 s5, $0x1;
	s5 =	sadd.s32 s21, s3  }
0x9d: {  	[timem:s7], [sflag:s22] =	dma.local [hbm:s5], s20  }
0x9e: {  	_ =	swait.ge [sflag:s22], s20  }
0x9f: {  	s4 =	ssub.s32 $0x0, s20;
	[sflag:s22] =	ssyncset.done $0x0  }
0xa0: {  	[sflag:s22] =	ssyncadd.s32 s4;
	_ =	sdelay $0x1  }
0xa1: {  	s23 =	simm.s32 $0x1B8B  }
0xa2: {  	_ =	swait.ge [sflag:s23], $0x1  }
0xa3: {  	[sflag:s23] =	ssyncset.done $0x0  }
0xa4: {  	s25 =	simm.s32 $0x1B8E;
	s24 =	sld [smem:$0x3FFE];
	[sflag:s23] =	ssyncadd.s32 $0xFFFFFFFF  }
0xa5: {  	s26 =	simm.s32 $execute0_lowered;
	[smem:$0x3FD2] =	sst s25  }
0xa6: {  	s5 =	sshll.u32 s26, $0x1;
	_ =	strace $0x8000004C;
	[dreg:$0x1] =	wrdreg $0xFFFFFFFF  }
0xa7: {  	s28 =	simm.s32 $_size_execute0_lowered;
	s3 =	sadd.s32 s3, s5;
	[dreg:$0x0] =	wrdreg $0x0  }
0xa8: {  	s5 =	sshll.u32 s28, $0x1;
	[dreg:$0x2] =	wrdreg s3  }
0xa9: {  	[dreg:$0x3] =	wrdreg s5  }
0xaa: {  	[dreg:$0x4] =	wrdreg $0xC0  }
0xab: {  	_ =	task [dreg:s7], $0x5FFFF  }
0xac: {  	[dreg:$0x1] =	wrdreg $0xFFFFFFFF  }
0xad: {  	[dreg:$0x0] =	wrdreg $0x60  }
0xae: {  	[dreg:$0x2] =	wrdreg s24  }
0xaf: {  	[dreg:$0x3] =	wrdreg s2  }
0xb0: {  	[dreg:$0x4] =	wrdreg $0x85000  }
0xb1: {  	[dreg:$0x5] =	wrdreg $0x9  }
0xb2: {  	_ =	task.clear_ibuf [dreg:s7], $0x6FFFF;
	_ =	strace $0x9000004C  }
0xb3: {  	s29 =	simm.s32 $0x9;
	_ =	strace $0x8000004E  }
0xb4: {  	_ =	swait.ge [sflag:s29], $0x1  }
0xb5: {  	[sflag:s29] =	ssyncadd.s32 $0xFFFFFFFF  }
0xb6: {  	_ =	strace $0x9000004E  }
0xb7: {  	_ =	sfence  }
0xb8: {  	s30 =	sld [smem:$0x0];
	_ =	sdelay $0x2  }
0xb9: {  	s31 =	sshll.u32 s1, $0xD;
	s1 =	sshrl.u32 s1, $0x2  }
0xba: {  	s3 =	sand.u32 $0x4000, s31;
	s1 =	sadd.s32 s1, s30  }
0xbb: {  	s0 =	sor.u32 s3, s0;
	s1 =	sshll.u32 s1, $0x11  }
0xbc: {  	s0 =	sor.u32 s1, s0  }
0xbd: {  	s0 =	sadd.s32 $0x8F2B, s0  }
0xbe: {  	[sflag:s0] =	ssyncadd.remote.s32 $0x1  }
0xbf: {  	_ =	sfence.sel $0xFFFF  }
0xc0: {  	[dreg:$0x0] =	wrdreg $0xFFFFFFFF;
	(pc) =	sbr.abs _section_cstart, $3  }
0xc1: {  	[dreg:$0x1] =	wrdreg $0xFFFFFFFF  }
0xc2: {  	_ =	task.clear_ibuf [dreg:s7], $0x2FFFF;
	_ =	strace $0x9FFFFFFF  }
0xc3: {  	(tm) =	ssettm $0x7FFFFFFF  }
tec
execute0_lowered:
.L_overlay_start_1:
0x0: {  	(tag) =	ssettag $0x1  }
0x1: {  	s0 =	rddreg [dreg:$0x0];
	s3 =	stileid.u32  }
0x2: {  	s1 =	srdreg.scid;
	s4 =	rddreg [dreg:$0x1];
	s2 =	simm.s32 $0x0  }
0x3: {  	s15 =	simm.s32 $0x80;
	s16 =	simm.s32 $0xFD0;
	s17 =	simm.s32 $0x100  }
0x4: {  	s19 =	simm.s32 $0x17A0;
	s5 =	sand.u32 $0x1, s1;
	s1 =	rddreg [dreg:$0x2]  }
0x5: {  	s21 =	simm.s32 $0x180;
	s22 =	simm.s32 $0x1F70;
	[smem:$0x7FF] =	sst s2  }
0x6: {  	s23 =	simm.s32 $0x200;
	_ =	strace $0x8000004D;
	[dreg:$0x4] =	wrdreg s15  }
0x7: {  	s24 =	simm.s32 $0x2740;
	s25 =	simm.s32 $0x280;
	[dreg:$0x5] =	wrdreg s16  }
0x8: {  	s26 =	simm.s32 $0x2F10;
	s11 =	simm.s32 $0x7D;
	[dreg:$0x6] =	wrdreg s17  }
0x9: {  	s28 =	simm.s32 $0x6D90;
	s29 =	simm.s32 $0x700;
	[dreg:$0x7] =	wrdreg s19  }
0xa: {  	s30 =	simm.s32 $0x7560;
	s6 =	smul.u32 $0x4E20, s3;
	[dreg:$0x8] =	wrdreg s21  }
0xb: {  	s31 =	simm.s32 $0x780;
	s8 =	smul.u32 $0x9C40, s3;
	[dreg:$0x9] =	wrdreg s22  }
0xc: {  	p0 =	sne.s32 s3, $0x0;
	s7 =	smul.u32 $0x2710, s5;
	[dreg:$0xa] =	wrdreg s23  }
0xd: {  	s3 =	simm.s32 $0x0;
	s10 =	smul.u32 $0x5000, s5;
	[dreg:$0xb] =	wrdreg s24  }
0xe: {  	s13 =	ssub.s32 $0x2, s5;
	s18 =	smul.u32 $0x4E20, s5;
	[dreg:$0xc] =	wrdreg s25  }
0xf: {  	[dreg:$0xd] =	wrdreg s26;
	s15 =	simm.s32 $0x3EB0;
	s16 =	simm.s32 $0x400  }
0x10: {  	s17 =	simm.s32 $0x4680;
	s19 =	simm.s32 $0x4E50;
	s21 =	simm.s32 $0x5620  }
0x11: {  	s22 =	simm.s32 $0x580;
	s23 =	simm.s32 $0x5DF0;
	s24 =	simm.s32 $0x600  }
0x12: {  	s25 =	simm.s32 $0x65C0;
	s26 =	simm.s32 $0x680;
	s9 =	sshrl.u32 s13, $0x1  }
0x13: {  	s12 =	sadd.s32 s8, s0;
	s6 =	sadd.s32 s7, s6;
	s14 =	ssub.s32 s13, s9  }
0x14: {  	s4 =	sadd.s32 s4, s10;
	s9 =	simm.s32 $0x1;
	s6 =	smulhi.u32 $0x20C49BB, s6  }
0x15: {  	s10 =	simm.s32 $0x800;
	[dreg:$0xf] =	wrdreg s4;
	s4 =	sadd.s32 s18, s12  }
0x16: {  	s13 =	simm.s32 $0x36E0;
	s4 =	sadd.s32 $0x3A00, s4;
	s6 =	sshll.u32 s6, $0x4  }
0x17: {  	[dreg:$0x12] =	wrdreg s4;
	s6 =	sadd.s32 s6, s0;
	s0 =	sadd.s32 $0x9FE00, s0  }
0x18: {  	s12 =	simm.s32 $0x300;
	[dreg:$0xe] =	wrdreg s0;
	s0 =	smax.u32 s14, $0x1  }
0x19: {  	s18 =	simm.s32 $0x480;
	s20 =	sadd.s32 $0x141200, s6;
	[dreg:$0x10] =	wrdreg s0  }
0x1a: {  	s6 =	sshrl.u32 @!p0 s1, $0x3;
	s14 =	simm.s32 $0x380;
	[dreg:$0x11] =	wrdreg s20  }
0x1b: {  	s20 =	simm.s32 $0x500;
	s0 =	simm.s32 $0x7D30;
	[dreg:$0x13] =	wrdreg s6  }
.LBB2_1:
0x1c: {  	s4 =	simm.s32 @!p0 $0x1C01;
	s5 =	rddreg [dreg:$0xe]  }
0x1d: {  	[spmem:s6], [sflag:s4] =	dma.local @!p0 [hbm:s5], $0x5000  }
0x1e: {  	s4 =	simm.s32 @!p0 $0x1  }
0x1f: {  	_ =	swait.ge @!p0 [sflag:s4], $0x5000  }
0x20: {  	[sflag:s4] =	ssyncset.done @!p0 $0x0  }
0x21: {  	[sflag:s4] =	ssyncadd.s32 @!p0 $0xFFFFB000  }
0x22: {  	[bflag:$0x0] =	sbarrier.arrive $0xFFFF  }
0x23: {  	s5 =	rddreg [dreg:$0x11]  }
0x24: {  	[tilespmem:s2], [sflag:$0x1] =	stream.linear.gather [hbm4b:s5+s2], $0x800, $0x38;
	[tilespmem:$0xAD00] =	vst v63  }
0x25: {  	_ =	swait.ge [sflag:s9], $0x800  }
0x26: {  	[sflag:s9] =	ssyncset.done $0x0  }
0x27: {  	s7 =	rddreg [dreg:$0x12];
	[sflag:s9] =	ssyncadd.s32 $0xFFFFF800  }
0x28: {  	[tilespmem:s10], [sflag:$0x1] =	stream.linear.gather [hbm4b:s7+s2], $0x7D00, $0x38;
	[tilespmem:$0xAD00] =	vst v63  }
0x29: {  	_ =	swait.ge [sflag:s9], $0x7D00  }
0x2a: {  	[sflag:s9] =	ssyncset.done $0x0  }
0x2b: {  	[sflag:s9] =	ssyncadd.s32 $0xFFFF8300  }
0x2c: {  	[spmem:s1] =	stream.indirect.scatter.add.f32 [tilespmem:s10], [sflag:$0x1], $0x10, s2, s11, $0xb8;
	[tilespmem:$0xAD00] =	vst v63  }
0x2d: {  	_ =	swait.ge [sflag:s9], $0x7D0  }
0x2e: {  	s6 =	rddreg [dreg:$0x4];
	[sflag:s9] =	ssyncset.done $0x0  }
0x2f: {  	s8 =	rddreg [dreg:$0x5];
	[sflag:s9] =	ssyncadd.s32 $0xFFFFF830  }
0x30: {  	[spmem:s1] =	stream.indirect.scatter.add.f32 [tilespmem:s8], [sflag:$0x1], $0x10, s6, s11, $0xb8;
	[tilespmem:$0xAD00] =	vst v63  }
0x31: {  	_ =	swait.ge [sflag:s9], $0x7D0  }
0x32: {  	s6 =	rddreg [dreg:$0x6];
	[sflag:s9] =	ssyncset.done $0x0  }
0x33: {  	s8 =	rddreg [dreg:$0x7];
	[sflag:s9] =	ssyncadd.s32 $0xFFFFF830  }
0x34: {  	[spmem:s1] =	stream.indirect.scatter.add.f32 [tilespmem:s8], [sflag:$0x1], $0x10, s6, s11, $0xb8;
	[tilespmem:$0xAD00] =	vst v63  }
0x35: {  	_ =	swait.ge [sflag:s9], $0x7D0  }
0x36: {  	s6 =	rddreg [dreg:$0x8];
	[sflag:s9] =	ssyncset.done $0x0  }
0x37: {  	s8 =	rddreg [dreg:$0x9];
	[sflag:s9] =	ssyncadd.s32 $0xFFFFF830  }
0x38: {  	[spmem:s1] =	stream.indirect.scatter.add.f32 [tilespmem:s8], [sflag:$0x1], $0x10, s6, s11, $0xb8;
	[tilespmem:$0xAD00] =	vst v63  }
0x39: {  	_ =	swait.ge [sflag:s9], $0x7D0  }
0x3a: {  	s6 =	rddreg [dreg:$0xa];
	[sflag:s9] =	ssyncset.done $0x0  }
0x3b: {  	s8 =	rddreg [dreg:$0xb];
	[sflag:s9] =	ssyncadd.s32 $0xFFFFF830  }
0x3c: {  	[spmem:s1] =	stream.indirect.scatter.add.f32 [tilespmem:s8], [sflag:$0x1], $0x10, s6, s11, $0xb8;
	[tilespmem:$0xAD00] =	vst v63  }
0x3d: {  	_ =	swait.ge [sflag:s9], $0x7D0  }
0x3e: {  	s6 =	rddreg [dreg:$0xc];
	[sflag:s9] =	ssyncset.done $0x0  }
0x3f: {  	s8 =	rddreg [dreg:$0xd];
	[sflag:s9] =	ssyncadd.s32 $0xFFFFF830  }
0x40: {  	[spmem:s1] =	stream.indirect.scatter.add.f32 [tilespmem:s8], [sflag:$0x1], $0x10, s6, s11, $0xb8;
	[tilespmem:$0xAD00] =	vst v63  }
0x41: {  	_ =	swait.ge [sflag:s9], $0x7D0  }
0x42: {  	[sflag:s9] =	ssyncset.done $0x0  }
0x43: {  	[sflag:s9] =	ssyncadd.s32 $0xFFFFF830  }
0x44: {  	[spmem:s1] =	stream.indirect.scatter.add.f32 [tilespmem:s13], [sflag:$0x1], $0x10, s12, s11, $0xb8;
	[tilespmem:$0xAD00] =	vst v63  }
0x45: {  	_ =	swait.ge [sflag:s9], $0x7D0  }
0x46: {  	[sflag:s9] =	ssyncset.done $0x0  }
0x47: {  	[sflag:s9] =	ssyncadd.s32 $0xFFFFF830  }
0x48: {  	[spmem:s1] =	stream.indirect.scatter.add.f32 [tilespmem:s15], [sflag:$0x1], $0x10, s14, s11, $0xb8;
	[tilespmem:$0xAD00] =	vst v63  }
0x49: {  	_ =	swait.ge [sflag:s9], $0x7D0  }
0x4a: {  	[sflag:s9] =	ssyncset.done $0x0  }
0x4b: {  	[sflag:s9] =	ssyncadd.s32 $0xFFFFF830  }
0x4c: {  	[spmem:s1] =	stream.indirect.scatter.add.f32 [tilespmem:s17], [sflag:$0x1], $0x10, s16, s11, $0xb8;
	[tilespmem:$0xAD00] =	vst v63  }
0x4d: {  	_ =	swait.ge [sflag:s9], $0x7D0  }
0x4e: {  	[sflag:s9] =	ssyncset.done $0x0  }
0x4f: {  	[sflag:s9] =	ssyncadd.s32 $0xFFFFF830  }
0x50: {  	[spmem:s1] =	stream.indirect.scatter.add.f32 [tilespmem:s19], [sflag:$0x1], $0x10, s18, s11, $0xb8;
	[tilespmem:$0xAD00] =	vst v63  }
0x51: {  	_ =	swait.ge [sflag:s9], $0x7D0  }
0x52: {  	[sflag:s9] =	ssyncset.done $0x0  }
0x53: {  	[sflag:s9] =	ssyncadd.s32 $0xFFFFF830  }
0x54: {  	[spmem:s1] =	stream.indirect.scatter.add.f32 [tilespmem:s21], [sflag:$0x1], $0x10, s20, s11, $0xb8;
	[tilespmem:$0xAD00] =	vst v63  }
0x55: {  	_ =	swait.ge [sflag:s9], $0x7D0  }
0x56: {  	[sflag:s9] =	ssyncset.done $0x0  }
0x57: {  	[sflag:s9] =	ssyncadd.s32 $0xFFFFF830  }
0x58: {  	[spmem:s1] =	stream.indirect.scatter.add.f32 [tilespmem:s23], [sflag:$0x1], $0x10, s22, s11, $0xb8;
	[tilespmem:$0xAD00] =	vst v63  }
0x59: {  	_ =	swait.ge [sflag:s9], $0x7D0  }
0x5a: {  	[sflag:s9] =	ssyncset.done $0x0  }
0x5b: {  	[sflag:s9] =	ssyncadd.s32 $0xFFFFF830  }
0x5c: {  	[spmem:s1] =	stream.indirect.scatter.add.f32 [tilespmem:s25], [sflag:$0x1], $0x10, s24, s11, $0xb8;
	[tilespmem:$0xAD00] =	vst v63  }
0x5d: {  	_ =	swait.ge [sflag:s9], $0x7D0  }
0x5e: {  	[sflag:s9] =	ssyncset.done $0x0  }
0x5f: {  	[sflag:s9] =	ssyncadd.s32 $0xFFFFF830  }
0x60: {  	[spmem:s1] =	stream.indirect.scatter.add.f32 [tilespmem:s28], [sflag:$0x1], $0x10, s26, s11, $0xb8;
	[tilespmem:$0xAD00] =	vst v63  }
0x61: {  	_ =	swait.ge [sflag:s9], $0x7D0  }
0x62: {  	[sflag:s9] =	ssyncset.done $0x0  }
0x63: {  	[sflag:s9] =	ssyncadd.s32 $0xFFFFF830  }
0x64: {  	[spmem:s1] =	stream.indirect.scatter.add.f32 [tilespmem:s30], [sflag:$0x1], $0x10, s29, s11, $0xb8;
	[tilespmem:$0xAD00] =	vst v63  }
0x65: {  	s4 =	simm.s32 $0x10;
	s6 =	smov.u32 s5;
	_ =	swait.ge [sflag:s9], $0x7D0  }
.LBB2_2:
0x66: {  	[sflag:s9] =	ssyncset.done $0x0  }
0x67: {  	[sflag:s9] =	ssyncadd.s32 $0xFFFFF830  }
0x68: {  	[spmem:s1] =	stream.indirect.scatter.add.f32 [tilespmem:s0], [sflag:$0x1], $0x10, s31, s11, $0xb8;
	[tilespmem:$0xAD00] =	vst v63  }
0x69: {  	_ =	swait.ge [sflag:s9], $0x7D0  }
0x6a: {  	[sflag:s9] =	ssyncset.done $0x0  }
0x6b: {  	s6 =	sadd.s32 $0x100, s6;
	[sflag:s9] =	ssyncadd.s32 $0xFFFFF830  }
0x6c: {  	[tilespmem:s2], [sflag:$0x1] =	stream.linear.gather [hbm4b:s6+s2], $0x800, $0x38;
	[tilespmem:$0xAD00] =	vst v63  }
0x6d: {  	_ =	swait.ge [sflag:s9], $0x800  }
0x6e: {  	[sflag:s9] =	ssyncset.done $0x0  }
0x6f: {  	s7 =	sadd.s32 $0xFA0, s7;
	[sflag:s9] =	ssyncadd.s32 $0xFFFFF800  }
0x70: {  	[tilespmem:s10], [sflag:$0x1] =	stream.linear.gather [hbm4b:s7+s2], $0x7D00, $0x38;
	[tilespmem:$0xAD00] =	vst v63  }
0x71: {  	_ =	swait.ge [sflag:s9], $0x7D00  }
0x72: {  	[sflag:s9] =	ssyncset.done $0x0  }
0x73: {  	[sflag:s9] =	ssyncadd.s32 $0xFFFF8300  }
0x74: {  	[spmem:s1] =	stream.indirect.scatter.add.f32 [tilespmem:s10], [sflag:$0x1], $0x10, s2, s11, $0xb8;
	[tilespmem:$0xAD00] =	vst v63  }
0x75: {  	_ =	swait.ge [sflag:s9], $0x7D0  }
0x76: {  	s5 =	rddreg [dreg:$0x4];
	[sflag:s9] =	ssyncset.done $0x0  }
0x77: {  	s8 =	rddreg [dreg:$0x5];
	[sflag:s9] =	ssyncadd.s32 $0xFFFFF830  }
0x78: {  	[spmem:s1] =	stream.indirect.scatter.add.f32 [tilespmem:s8], [sflag:$0x1], $0x10, s5, s11, $0xb8;
	[tilespmem:$0xAD00] =	vst v63  }
0x79: {  	_ =	swait.ge [sflag:s9], $0x7D0  }
0x7a: {  	[sflag:s9] =	ssyncset.done $0x0;
	s5 =	rddreg [dreg:$0x6]  }
0x7b: {  	s8 =	rddreg [dreg:$0x7];
	[sflag:s9] =	ssyncadd.s32 $0xFFFFF830  }
0x7c: {  	[spmem:s1] =	stream.indirect.scatter.add.f32 [tilespmem:s8], [sflag:$0x1], $0x10, s5, s11, $0xb8;
	[tilespmem:$0xAD00] =	vst v63  }
0x7d: {  	_ =	swait.ge [sflag:s9], $0x7D0  }
0x7e: {  	[sflag:s9] =	ssyncset.done $0x0;
	s5 =	rddreg [dreg:$0x8]  }
0x7f: {  	s8 =	rddreg [dreg:$0x9];
	[sflag:s9] =	ssyncadd.s32 $0xFFFFF830  }
0x80: {  	[spmem:s1] =	stream.indirect.scatter.add.f32 [tilespmem:s8], [sflag:$0x1], $0x10, s5, s11, $0xb8;
	[tilespmem:$0xAD00] =	vst v63  }
0x81: {  	_ =	swait.ge [sflag:s9], $0x7D0  }
0x82: {  	[sflag:s9] =	ssyncset.done $0x0;
	s5 =	rddreg [dreg:$0xa]  }
0x83: {  	s8 =	rddreg [dreg:$0xb];
	[sflag:s9] =	ssyncadd.s32 $0xFFFFF830  }
0x84: {  	[spmem:s1] =	stream.indirect.scatter.add.f32 [tilespmem:s8], [sflag:$0x1], $0x10, s5, s11, $0xb8;
	[tilespmem:$0xAD00] =	vst v63  }
0x85: {  	_ =	swait.ge [sflag:s9], $0x7D0  }
0x86: {  	[sflag:s9] =	ssyncset.done $0x0;
	s5 =	rddreg [dreg:$0xc]  }
0x87: {  	s8 =	rddreg [dreg:$0xd];
	[sflag:s9] =	ssyncadd.s32 $0xFFFFF830  }
0x88: {  	[spmem:s1] =	stream.indirect.scatter.add.f32 [tilespmem:s8], [sflag:$0x1], $0x10, s5, s11, $0xb8;
	[tilespmem:$0xAD00] =	vst v63  }
0x89: {  	_ =	swait.ge [sflag:s9], $0x7D0  }
0x8a: {  	[sflag:s9] =	ssyncset.done $0x0  }
0x8b: {  	[sflag:s9] =	ssyncadd.s32 $0xFFFFF830  }
0x8c: {  	[spmem:s1] =	stream.indirect.scatter.add.f32 [tilespmem:s13], [sflag:$0x1], $0x10, s12, s11, $0xb8;
	[tilespmem:$0xAD00] =	vst v63  }
0x8d: {  	_ =	swait.ge [sflag:s9], $0x7D0  }
0x8e: {  	[sflag:s9] =	ssyncset.done $0x0  }
0x8f: {  	[sflag:s9] =	ssyncadd.s32 $0xFFFFF830  }
0x90: {  	[spmem:s1] =	stream.indirect.scatter.add.f32 [tilespmem:s15], [sflag:$0x1], $0x10, s14, s11, $0xb8;
	[tilespmem:$0xAD00] =	vst v63  }
0x91: {  	_ =	swait.ge [sflag:s9], $0x7D0  }
0x92: {  	[sflag:s9] =	ssyncset.done $0x0  }
0x93: {  	[sflag:s9] =	ssyncadd.s32 $0xFFFFF830  }
0x94: {  	[spmem:s1] =	stream.indirect.scatter.add.f32 [tilespmem:s17], [sflag:$0x1], $0x10, s16, s11, $0xb8;
	[tilespmem:$0xAD00] =	vst v63  }
0x95: {  	_ =	swait.ge [sflag:s9], $0x7D0  }
0x96: {  	[sflag:s9] =	ssyncset.done $0x0  }
0x97: {  	[sflag:s9] =	ssyncadd.s32 $0xFFFFF830  }
0x98: {  	[spmem:s1] =	stream.indirect.scatter.add.f32 [tilespmem:s19], [sflag:$0x1], $0x10, s18, s11, $0xb8;
	[tilespmem:$0xAD00] =	vst v63  }
0x99: {  	_ =	swait.ge [sflag:s9], $0x7D0  }
0x9a: {  	[sflag:s9] =	ssyncset.done $0x0  }
0x9b: {  	[sflag:s9] =	ssyncadd.s32 $0xFFFFF830  }
0x9c: {  	[spmem:s1] =	stream.indirect.scatter.add.f32 [tilespmem:s21], [sflag:$0x1], $0x10, s20, s11, $0xb8;
	[tilespmem:$0xAD00] =	vst v63  }
0x9d: {  	_ =	swait.ge [sflag:s9], $0x7D0  }
0x9e: {  	[sflag:s9] =	ssyncset.done $0x0  }
0x9f: {  	[sflag:s9] =	ssyncadd.s32 $0xFFFFF830  }
0xa0: {  	[spmem:s1] =	stream.indirect.scatter.add.f32 [tilespmem:s23], [sflag:$0x1], $0x10, s22, s11, $0xb8;
	[tilespmem:$0xAD00] =	vst v63  }
0xa1: {  	_ =	swait.ge [sflag:s9], $0x7D0  }
0xa2: {  	[sflag:s9] =	ssyncset.done $0x0  }
0xa3: {  	[sflag:s9] =	ssyncadd.s32 $0xFFFFF830  }
0xa4: {  	[spmem:s1] =	stream.indirect.scatter.add.f32 [tilespmem:s25], [sflag:$0x1], $0x10, s24, s11, $0xb8;
	[tilespmem:$0xAD00] =	vst v63  }
0xa5: {  	_ =	swait.ge [sflag:s9], $0x7D0  }
0xa6: {  	[sflag:s9] =	ssyncset.done $0x0  }
0xa7: {  	p1 =	sne.s32 s4, $0x40;
	[sflag:s9] =	ssyncadd.s32 $0xFFFFF830  }
0xa8: {  	[spmem:s1] =	stream.indirect.scatter.add.f32 [tilespmem:s28], [sflag:$0x1], $0x10, s26, s11, $0xb8;
	[tilespmem:$0xAD00] =	vst v63  }
.Ltmp0:
0xa9: {  	_ =	swait.ge [sflag:s9], $0x7D0;
	(pc) =	sbr.rel @p1 .LBB2_2-.Ltmp0, $4  }
0xaa: {  	[sflag:s9] =	ssyncset.done $0x0  }
0xab: {  	[sflag:s9] =	ssyncadd.s32 $0xFFFFF830  }
0xac: {  	[spmem:s1] =	stream.indirect.scatter.add.f32 [tilespmem:s30], [sflag:$0x1], $0x10, s29, s11, $0xb8;
	[tilespmem:$0xAD00] =	vst v63  }
0xad: {  	s4 =	sadd.s32 $0x10, s4;
	_ =	swait.ge [sflag:s9], $0x7D0  }
0xae: {  	[sflag:s9] =	ssyncset.done $0x0  }
0xaf: {  	[sflag:s9] =	ssyncadd.s32 $0xFFFFF830  }
0xb0: {  	[spmem:s1] =	stream.indirect.scatter.add.f32 [tilespmem:s0], [sflag:$0x1], $0x10, s31, s11, $0xb8;
	[tilespmem:$0xAD00] =	vst v63  }
0xb1: {  	_ =	swait.ge [sflag:s9], $0x7D0  }
0xb2: {  	[sflag:s9] =	ssyncset.done $0x0  }
0xb3: {  	[sflag:s9] =	ssyncadd.s32 $0xFFFFF830  }
0xb4: {  	[bflag:$0x0] =	sbarrier.arrive $0xFFFF  }
0xb5: {  	s5 =	rddreg [dreg:$0xf]  }
0xb6: {  	s4 =	simm.s32 @!p0 $0x1C01;
	s6 =	rddreg [dreg:$0x13]  }
0xb7: {  	[hbm:s5], [sflag:s4] =	dma.local @!p0 [spmem:s6], $0x5000  }
0xb8: {  	s4 =	simm.s32 @!p0 $0x1  }
0xb9: {  	_ =	swait.ge @!p0 [sflag:s4], $0x5000  }
0xba: {  	s3 =	sadd.s32 $0x1, s3;
	s8 =	rddreg [dreg:$0x10]  }
0xbb: {  	p1 =	sne.s32 s3, s8  }
.Ltmp1:
0xbc: {  	_ = 	snop;
	(pc) =	sbr.rel @p1 .LBB2_1-.Ltmp1, $3  }
0xbd: {  	_ =	sdelay $0x1  }
0xbe: {  	[sflag:s4] =	ssyncset.done @!p0 $0x0  }
0xbf: {  	[sflag:s4] =	ssyncadd.s32 @!p0 $0xFFFFB000  }
0xc0: {  	_ =	sfence.sel $0x180000  }
0xc1: {  	[bflag:$0x0] =	sbarrier.arrive $0xFFFF  }
0xc2: {  	_ =	strace $0x9000004D  }
0xc3: {  	[bflag:$0x2] =	sbarrier.arrive $0xFFFF  }
0xc4: {  	s0 =	rddreg [dreg:$0x3]  }
0xc5: {  	s0 =	sadd.s32 @!p0 $0x100000, s0  }
0xc6: {  	[sflag:s0] =	ssyncadd.tile.s32 @!p0 $0x1;
	_ =	shalt  }
.Lfunc_end2:
_tile_overlayer_lowered:
.L_overlay_start_2:
0xc7: {  	(tag) =	ssettag $0x2  }
0xc8: {  	s0 =	rddreg [dreg:$0x0];
	s2 =	stileid.u32  }
0xc9: {  	s1 =	rddreg [dreg:$0x1];
	p0 =	sne.s32 s2, $0x0  }
0xca: {  	s3 =	rddreg [dreg:$0x2];
	[bflag:$0x3] =	sbarrier.arrive $0xFFFF;
	s2 =	simm.s32 @!p0 $0x1C01  }
0xcb: {  	[timem:s3], [sflag:s2] =	dma.local @!p0 [hbm:s0], s1  }
0xcc: {  	s0 =	simm.s32 @!p0 $0x1  }
0xcd: {  	_ =	swait.ge @!p0 [sflag:s0], s1  }
0xce: {  	s1 =	ssub.s32 @!p0 $0x0, s1;
	[sflag:s0] =	ssyncset.done @!p0 $0x0  }
0xcf: {  	[sflag:s0] =	ssyncadd.s32 @!p0 s1  }
0xd0: {  	[bflag:$0x3] =	sbarrier.arrive $0xFFFF  }
0xd1: {  	_ =	shalt  }

// kernel: kernel.8.cloned.1.call-start
scs
__scs_entry_jumppad:
0x0: {  	(pc) =	sbr.rel $0x88, $3  }
0x1: {  	(tag) =	ssettag $0x0;
	lr =	simm.s32 $0x1  }
0x2: {  	[smem:$0x3F8D] =	sst lr;
	_ =	strace $0xD0000000  }
0x3: {  	_ = 	snop  }
0x4: {  	_ = 	snop  }
0x5: {  	_ = 	snop  }
0x6: {  	_ = 	snop  }
0x7: {  	_ = 	snop  }
__scs_overlays_trampoline_lowered:
0x8: {  	[smem:$0x3F9C] =	sst s0  }
0x9: {  	[smem:$0x3F9D] =	sst s1  }
0xa: {  	[smem:$0x3F9E] =	sst s2  }
0xb: {  	[smem:$0x3F9F] =	sst s3  }
0xc: {  	[smem:$0x3FA0] =	sst s4  }
0xd: {  	[smem:$0x3FA1] =	sst s5  }
0xe: {  	[smem:$0x3FA2] =	sst s6  }
0xf: {  	[smem:$0x3FA3] =	sst s7  }
0x10: {  	[smem:$0x3FA4] =	sst s8  }
0x11: {  	[smem:$0x3FA5] =	sst s9;
	s0 =	simm.s32 @!p0 $0x0  }
0x12: {  	s1 =	sld [smem:$0x3F8B];
	s0 =	simm.s32 @p0 $0x1  }
0x13: {  	[smem:$0x3FA6] =	sst s0;
	s0 =	simm.s32 @!p1 $0x0  }
0x14: {  	s2 =	sld [smem:$0x3F8A];
	s0 =	simm.s32 @p1 $0x1  }
0x15: {  	[smem:$0x3FA7] =	sst s0;
	s0 =	simm.s32 @!p2 $0x0  }
0x16: {  	s3 =	sld [smem:$0x3FDB];
	s0 =	simm.s32 @p2 $0x1  }
0x17: {  	s4 =	simm.s32 $0x1BF5;
	[smem:$0x3FA9] =	sst s0  }
0x18: {  	s0 =	sld [smem:$0x3F8C];
	_ =	swait.ge [sflag:s4], $0x0  }
0x19: {  	s7 =	sld [smem:$0x3F8D]  }
0x1a: {  	s8 =	sadd.s32 $0xFFFFE003, lr  }
0x1b: {  	s9 =	sadd.s32 $0xFFFFFEF7, lr;
	s5 =	simm.s32 $0xFFFFFFFF;
	p2 =	slt.u32 s8, $0xFFFFF086  }
0x1c: {  	p1 =	slt.u32 s9, $0xF7A;
	s5 =	simm.s32 @!p2 $0x0  }
0x1d: {  	s5 =	simm.s32 @p1 $0x1;
	p0 =	seq.s32 s7, s2  }
0x1e: {  	s7 =	smul.u32 @!p0 $0xF7A, s2;
	p2 =	seq.s32 @!p0 s5, $0x0  }
0x1f: {  	s9 =	smul.u32 $0xF7A, s1;
	s8 =	simm.s32 @!p0 $0x1BF5;
	p2 =	por !p2, p0  }
0x20: {  	[sflag:s8] =	ssyncset.s32 @!p0 $0xFFFFF086;
	s6 =	sadd.s32 @!p0 s3, s7;
	s7 =	simm.s32 @!p0 $0x108  }
0x21: {  	s3 =	sadd.s32 s3, s9;
	s6 =	sadd.s32 @!p0 $0x88, s6;
	s7 =	simm.s32 @p2 $0x1082  }
0x22: {  	[simem:s7], [sflag:s8] =	dma.local @!p0 [hbm:s6], $0xF7A  }
0x23: {  	s9 =	sor.u32 $0xD0000000, s2;
	s6 =	simm.s32 $0x108;
	_ =	swait.ge @!p0 [sflag:s8], $0x0  }
0x24: {  	s3 =	sadd.s32 $0x88, s3;
	s6 =	simm.s32 @!p1 $0x1082;
	[sflag:s4] =	ssyncset.s32 $0xFFFFF086  }
0x25: {  	[simem:s6], [sflag:s4] =	dma.local [hbm:s3], $0xF7A  }
0x26: {  	[smem:$0x3F8D] =	sst s1;
	(tag) =	ssettag s2;
	_ =	strace s9  }
0x27: {  	s1 =	sld [smem:$0x3F9D]  }
0x28: {  	s2 =	sld [smem:$0x3F9E]  }
0x29: {  	s4 =	sld [smem:$0x3FA0]  }
0x2a: {  	p0 =	seq.s32 s5, $0x0;
	s5 =	sld [smem:$0x3FA1]  }
0x2b: {  	s6 =	sld [smem:$0x3FA2]  }
0x2c: {  	s7 =	sld [smem:$0x3FA3]  }
0x2d: {  	s3 =	simm.s32 $0x108;
	s8 =	sld [smem:$0x3FA4]  }
0x2e: {  	s3 =	simm.s32 @!p0 $0x1082;
	s9 =	sld [smem:$0x3FA5]  }
0x2f: {  	lr =	sadd.s32 s0, s3;
	s0 =	sld [smem:$0x3F9C]  }
0x30: {  	s3 =	sld [smem:$0x3F9F]  }
0x31: {  	[smem:$0x3FA8] =	sst s10  }
0x32: {  	s10 =	sld [smem:$0x3FA6];
	_ =	sdelay $0x3  }
0x33: {  	p0 =	seq.s32 s10, $0x1;
	s10 =	sld [smem:$0x3FA8];
	_ =	sdelay $0x3  }
0x34: {  	[smem:$0x3FA8] =	sst s10  }
0x35: {  	s10 =	sld [smem:$0x3FA7];
	_ =	sdelay $0x3  }
0x36: {  	p1 =	seq.s32 s10, $0x1;
	s10 =	sld [smem:$0x3FA8];
	_ =	sdelay $0x3  }
0x37: {  	[smem:$0x3FA8] =	sst s10  }
0x38: {  	s10 =	sld [smem:$0x3FA9]  }
0x39: {  	_ = 	snop;
	(pc) =	sbr.ind lr, $3  }
0x3a: {  	_ = 	snop  }
0x3b: {  	_ = 	snop  }
0x3c: {  	p2 =	seq.s32 s10, $0x1;
	s10 =	sld [smem:$0x3FA8]  }
0x3d: {  	_ =	shalt  }
0x3e: {  	_ =	shalt  }
0x3f: {  	_ =	shalt  }
0x40: {  	_ =	shalt  }
0x41: {  	_ =	shalt  }
0x42: {  	_ =	shalt  }
0x43: {  	_ =	shalt  }
0x44: {  	_ =	shalt  }
0x45: {  	_ =	shalt  }
0x46: {  	_ =	shalt  }
0x47: {  	_ =	shalt  }
0x48: {  	_ =	shalt  }
0x49: {  	_ =	shalt  }
0x4a: {  	_ =	shalt  }
0x4b: {  	_ =	shalt  }
0x4c: {  	_ =	shalt  }
0x4d: {  	_ =	shalt  }
0x4e: {  	_ =	shalt  }
0x4f: {  	_ =	shalt  }
0x50: {  	_ =	shalt  }
0x51: {  	_ =	shalt  }
0x52: {  	_ =	shalt  }
0x53: {  	_ =	shalt  }
0x54: {  	_ =	shalt  }
0x55: {  	_ =	shalt  }
0x56: {  	_ =	shalt  }
0x57: {  	_ =	shalt  }
0x58: {  	_ =	shalt  }
0x59: {  	_ =	shalt  }
0x5a: {  	_ =	shalt  }
0x5b: {  	_ =	shalt  }
0x5c: {  	_ =	shalt  }
0x5d: {  	_ =	shalt  }
0x5e: {  	_ =	shalt  }
0x5f: {  	_ =	shalt  }
0x60: {  	_ =	shalt  }
0x61: {  	_ =	shalt  }
0x62: {  	_ =	shalt  }
0x63: {  	_ =	shalt  }
0x64: {  	_ =	shalt  }
0x65: {  	_ =	shalt  }
0x66: {  	_ =	shalt  }
0x67: {  	_ =	shalt  }
0x68: {  	_ =	shalt  }
0x69: {  	_ =	shalt  }
0x6a: {  	_ =	shalt  }
0x6b: {  	_ =	shalt  }
0x6c: {  	_ =	shalt  }
0x6d: {  	_ =	shalt  }
0x6e: {  	_ =	shalt  }
0x6f: {  	_ =	shalt  }
0x70: {  	_ =	shalt  }
0x71: {  	_ =	shalt  }
0x72: {  	_ =	shalt  }
0x73: {  	_ =	shalt  }
0x74: {  	_ =	shalt  }
0x75: {  	_ =	shalt  }
0x76: {  	_ =	shalt  }
0x77: {  	_ =	shalt  }
0x78: {  	_ =	shalt  }
0x79: {  	_ =	shalt  }
0x7a: {  	_ =	shalt  }
0x7b: {  	_ =	shalt  }
0x7c: {  	_ =	shalt  }
0x7d: {  	_ =	shalt  }
0x7e: {  	_ =	shalt  }
0x7f: {  	_ =	shalt  }
0x80: {  	_ =	shalt  }
0x81: {  	_ =	shalt  }
0x82: {  	_ =	shalt  }
0x83: {  	_ =	shalt  }
0x84: {  	_ =	shalt  }
0x85: {  	_ =	shalt  }
0x86: {  	_ =	shalt  }
0x87: {  	_ =	shalt  }
.Lfunc_end0:
.L_simem_size_0:
called_computation_lowered:
.L_overlay_start_0:
0x88: {  	s2 =	sld [smem:$0x3FD9]  }
0x89: {  	s3 =	sld [smem:$0x3FFE];
	_ =	sdelay $0x1  }
0x8a: {  	s1 =	srdreg.scid  }
0x8b: {  	s0 =	sand.u32 $0x1, s1  }
0x8c: {  	s16 =	sshll.u32 s0, $0xA;
	s2 =	sadd.s32 s3, s2  }
0x8d: {  	s2 =	sadd.s32 s2, s16  }
0x8e: {  	[smem:$0x3FB4] =	sst s2  }
0x8f: {  	_ = 	snop  }
0x90: {  	(tm) =	ssettm $0x1  }
0x91: {  	s17 =	sld [smem:$0x3FFB];
	_ =	sdelay $0x3  }
0x92: {  	_ =	strace s17  }
0x93: {  	s2 =	sld [smem:$0x3FFC];
	_ =	sdelay $0x3  }
0x94: {  	_ =	strace s2  }
0x95: {  	s2 =	sld [smem:$0x3FFD];
	_ =	sdelay $0x3  }
0x96: {  	_ =	strace s2  }
0x97: {  	_ =	strace $0x8FFFFFFF  }
0x98: {  	s18 =	sld [smem:$0x3FDB];
	_ =	sdelay $0x1  }
0x99: {  	s19 =	simm.s32 $_scs_section_size  }
0x9a: {  	s4 =	simm.s32 $_size__tile_overlayer_lowered;
	s5 =	simm.s32 $_tile_overlayer_lowered  }
0x9b: {  	s22 =	simm.s32 $0x1BFF;
	s21 =	sshll.u32 s5, $0x1;
	s2 =	sadd.s32 s19, s18  }
0x9c: {  	s6 =	simm.s32 $0x0;
	s20 =	sshll.u32 s4, $0x1;
	s4 =	sadd.s32 s21, s2  }
0x9d: {  	[timem:s6], [sflag:s22] =	dma.local [hbm:s4], s20  }
0x9e: {  	_ =	swait.ge [sflag:s22], s20  }
0x9f: {  	s3 =	ssub.s32 $0x0, s20;
	[sflag:s22] =	ssyncset.done $0x0  }
0xa0: {  	[sflag:s22] =	ssyncadd.s32 s3;
	_ =	sdelay $0x1  }
0xa1: {  	s23 =	simm.s32 $0x1B8B  }
0xa2: {  	_ =	swait.ge [sflag:s23], $0x1  }
0xa3: {  	[sflag:s23] =	ssyncset.done $0x0  }
0xa4: {  	s25 =	simm.s32 $0x1B8E;
	s24 =	sld [smem:$0x3FFE];
	[sflag:s23] =	ssyncadd.s32 $0xFFFFFFFF  }
0xa5: {  	s26 =	simm.s32 $execute0_lowered;
	[smem:$0x3FD2] =	sst s25  }
0xa6: {  	s4 =	sshll.u32 s26, $0x1;
	_ =	strace $0x80000046;
	[dreg:$0x1] =	wrdreg $0xFFFFFFFF  }
0xa7: {  	s28 =	simm.s32 $_size_execute0_lowered;
	s2 =	sadd.s32 s2, s4;
	[dreg:$0x0] =	wrdreg $0x0  }
0xa8: {  	s4 =	sshll.u32 s28, $0x1;
	[dreg:$0x2] =	wrdreg s2  }
0xa9: {  	[dreg:$0x3] =	wrdreg s4  }
0xaa: {  	[dreg:$0x4] =	wrdreg $0xC0  }
0xab: {  	_ =	task [dreg:s6], $0x5FFFF  }
0xac: {  	[dreg:$0x1] =	wrdreg $0xFFFFFFFF  }
0xad: {  	[dreg:$0x0] =	wrdreg $0x60  }
0xae: {  	[dreg:$0x2] =	wrdreg s24  }
0xaf: {  	[dreg:$0x3] =	wrdreg $0x9  }
0xb0: {  	_ =	task.clear_ibuf [dreg:s6], $0x4FFFF;
	_ =	strace $0x90000046  }
0xb1: {  	s29 =	simm.s32 $0x9;
	_ =	strace $0x80000048  }
0xb2: {  	_ =	swait.ge [sflag:s29], $0x1  }
0xb3: {  	[sflag:s29] =	ssyncadd.s32 $0xFFFFFFFF  }
0xb4: {  	_ =	strace $0x90000048  }
0xb5: {  	_ =	sfence  }
0xb6: {  	s30 =	sld [smem:$0x0];
	_ =	sdelay $0x2  }
0xb7: {  	s31 =	sshll.u32 s1, $0xD;
	s1 =	sshrl.u32 s1, $0x2  }
0xb8: {  	s3 =	sand.u32 $0x4000, s31;
	s1 =	sadd.s32 s1, s30  }
0xb9: {  	s0 =	sor.u32 s3, s0;
	s1 =	sshll.u32 s1, $0x11  }
0xba: {  	s0 =	sor.u32 s1, s0  }
0xbb: {  	s0 =	sadd.s32 $0x8F2B, s0  }
0xbc: {  	[sflag:s0] =	ssyncadd.remote.s32 $0x1  }
0xbd: {  	_ =	sfence.sel $0xFFFF  }
0xbe: {  	[dreg:$0x0] =	wrdreg $0xFFFFFFFF;
	(pc) =	sbr.abs _section_cstart, $3  }
0xbf: {  	[dreg:$0x1] =	wrdreg $0xFFFFFFFF  }
0xc0: {  	_ =	task.clear_ibuf [dreg:s6], $0x2FFFF;
	_ =	strace $0x9FFFFFFF  }
0xc1: {  	(tm) =	ssettm $0x7FFFFFFF  }
tec
execute0_lowered:
.L_overlay_start_1:
0x0: {  	(tag) =	ssettag $0x1  }
0x1: {  	s1 =	srdreg.scid;
	s0 =	stileid.u32  }
0x2: {  	s4 =	rddreg [dreg:$0x0];
	s3 =	sand.u32 $0x1, s1;
	s30 =	sshll.u32 s0, $0x1  }
0x3: {  	s2 =	simm.s32 $0x0;
	s8 =	simm.s32 $0x0;
	s5 =	sor.u32 s3, s30  }
0x4: {  	s1 =	rddreg [dreg:$0x1];
	s3 =	ssub.s32 $0x2, s3;
	s6 =	smul.u32 $0x4E2, s5  }
0x5: {  	[smem:$0x7FF] =	sst s2;
	s5 =	smul.u32 $0x500, s5;
	s7 =	sshrl.u32 s3, $0x1  }
0x6: {  	_ =	strace $0x80000047;
	s31 =	ssub.s32 s3, s7;
	s7 =	simm.s32 $0x2710  }
0x7: {  	s6 =	sadd.s32 s6, s4;
	s4 =	sadd.s32 s5, s4;
	s5 =	smax.u32 s31, $0x1  }
0x8: {  	v0 =	vimm.f32 $0.0e+00;
	v1 =	vimm.f32 $1.000000000e+00;
	s3 =	sadd.s32 $0x3A00, s6;
	s4 =	sadd.s32 $0xD800, s4;
	s6 =	simm.s32 $0x1  }
.LBB2_1:
0x9: {  	[tilespmem:s2], [sflag:$0x1] =	stream.linear.gather [hbm4b:s3+s2], $0x2710, $0x38;
	[tilespmem:$0x4F10] =	vst v63  }
0xa: {  	_ =	swait.ge [sflag:s6], $0x2710  }
0xb: {  	[sflag:s6] =	ssyncset.done $0x0  }
0xc: {  	s9 =	simm.s32 $0x0;
	[sflag:s6] =	ssyncadd.s32 $0xFFFFD8F0  }
.LBB2_2:
0xd: {  	p0 =	sne.s32 s9, $0x9FC0  }
.Ltmp0:
0xe: {  	_ = 	snop;
	(pc) =	sbr.rel @p0 .LBB2_2-.Ltmp0, $3  }
0xf: {  	_ =	sdelay $0x1  }
0x10: {  	s10 =	sshra.s32 s9, $0x2  }
0x11: {  	s9 =	sadd.s32 $0x40, s9;
	[tilespmem:s10+$0x2710] =	vst v0  }
0x12: {  	s10 =	simm.s32 $0x0;
	s9 =	simm.s32 $0x40  }
.LBB2_4:
0x13: {  	p0 =	sne.s32 s9, $0x9C00;
	v2 =	vld [tilespmem:s10+$0x0];
	_ =	sdelay $0x3  }
.Ltmp1:
0x14: {  	(pc) =	sbr.rel @p0 .LBB2_4-.Ltmp1, $2  }
0x15: {  	_ =	sdelay $0x2  }
0x16: {  	s10 =	sshra.s32 s9, $0x2;
	s9 =	sadd.s32 $0x40, s9;
	[tilespmem:v2+s7+$0x0] =	vst.idx.add.f32.msk $0xffff, v1  }
0x17: {  	v2 =	vld [tilespmem:s10+$0x0];
	_ =	sdelay $0x5  }
0x18: {  	s8 =	sadd.s32 $0x1, s8  }
0x19: {  	p0 =	sne.s32 s8, s5  }
.Ltmp2:
0x1a: {  	[tilespmem:v2+s7+$0x0] =	vst.idx.add.f32.msk $0xffff, v1;
	(pc) =	sbr.rel @p0 .LBB2_1-.Ltmp2, $4  }
0x1b: {  	[hbm4b:s4+s2] =	stream.linear.scatter [tilespmem:s7], [sflag:$0x1], $0x2800, $0x38;
	[tilespmem:$0x4F10] =	vst v63  }
0x1c: {  	_ =	swait.ge [sflag:s6], $0x2800  }
0x1d: {  	[sflag:s6] =	ssyncset.done $0x0  }
0x1e: {  	[sflag:s6] =	ssyncadd.s32 $0xFFFFD800  }
0x1f: {  	_ =	sfence.sel $0x180000  }
0x20: {  	[bflag:$0x0] =	sbarrier.arrive $0xFFFF  }
0x21: {  	p0 =	sne.s32 s0, $0x0;
	_ =	strace $0x90000047  }
0x22: {  	s0 =	sadd.s32 @!p0 $0x100000, s1;
	[bflag:$0x2] =	sbarrier.arrive $0xFFFF  }
0x23: {  	[sflag:s0] =	ssyncadd.tile.s32 @!p0 $0x1;
	_ =	shalt  }
.Lfunc_end2:
_tile_overlayer_lowered:
.L_overlay_start_2:
0x24: {  	(tag) =	ssettag $0x2  }
0x25: {  	s0 =	rddreg [dreg:$0x0];
	s2 =	stileid.u32  }
0x26: {  	s1 =	rddreg [dreg:$0x1];
	p0 =	sne.s32 s2, $0x0  }
0x27: {  	s3 =	rddreg [dreg:$0x2];
	[bflag:$0x3] =	sbarrier.arrive $0xFFFF;
	s2 =	simm.s32 @!p0 $0x1C01  }
0x28: {  	[timem:s3], [sflag:s2] =	dma.local @!p0 [hbm:s0], s1  }
0x29: {  	s0 =	simm.s32 @!p0 $0x1  }
0x2a: {  	_ =	swait.ge @!p0 [sflag:s0], s1  }
0x2b: {  	s1 =	ssub.s32 @!p0 $0x0, s1;
	[sflag:s0] =	ssyncset.done @!p0 $0x0  }
0x2c: {  	[sflag:s0] =	ssyncadd.s32 @!p0 s1  }
0x2d: {  	[bflag:$0x3] =	sbarrier.arrive $0xFFFF  }
0x2e: {  	_ =	shalt  }

</sc_bundles>
